<compile_context>
chip_gen: v7x
topology: tpu7x:2x2x1
jax: 0.10.2.dev20260603
libtpu: 0.0.44.dev20260713+nightly
codegen_flags: <defaults>
</compile_context>

<pallas_src>
import functools

import jax
import jax.numpy as jnp
from jax import lax
from jax.experimental import pallas as pl
from jax.experimental.pallas import tpu as pltpu
from jax.experimental.pallas import tpu_sc as plsc

N = 10000
E = 320000
D_IN = 128
D_HID = 64
N_CLASSES = 41

NC = 2
NS = 16
LANES = 16
NW = NC * NS

CHUNK = 128
NCH = E // CHUNK
CPT = -(-NCH // NW)
NPAD = 10112
RPT = NPAD // NS
D2 = 64
NRING = 8

_mesh = plsc.VectorSubcoreMesh(core_axis_name="c", subcore_axis_name="s")
_sc_params = pltpu.CompilerParams(use_tc_tiling_on_sc=False)


def _chunk_range(wid):
    c0 = (wid * NCH) // NW
    c1 = ((wid + 1) * NCH) // NW
    return c0, c1 - c0



DLANES = 32

@functools.partial(
    pl.kernel,
    out_type=jax.ShapeDtypeStruct((NC, NPAD, DLANES), jnp.bfloat16),
    mesh=_mesh,
    scratch_types=[
        pltpu.VMEM((CPT, CHUNK), jnp.int32),
        pltpu.VMEM((CHUNK, DLANES), jnp.bfloat16),
        pltpu.VMEM_SHARED((NPAD, DLANES), jnp.bfloat16),
        pltpu.SemaphoreType.DMA,
    ],
    compiler_params=_sc_params,
)
def _deg_kernel(e3, ones_h, zeros_h, out, dst_v, ones_v, acc, ssem):
    c = lax.axis_index("c")
    s = lax.axis_index("s")
    wid = c * NS + s
    c0, tw = _chunk_range(wid)
    pltpu.sync_copy(e3.at[1, pl.ds(c0, CPT)], dst_v)
    pltpu.sync_copy(ones_h, ones_v)
    base = s * RPT
    pltpu.sync_copy(zeros_h.at[pl.ds(base, RPT)], acc.at[pl.ds(base, RPT)])
    plsc.subcore_barrier()

    def fire(j, carry):
        pltpu.async_copy(ones_v, acc.at[dst_v.at[j]], ssem, add=True)
        return carry

    lax.fori_loop(0, tw, fire, 0)

    def drain(j, carry):
        pltpu.make_async_copy(ones_v, acc.at[dst_v.at[0]], ssem).wait()
        return carry

    lax.fori_loop(0, tw, drain, 0)
    plsc.subcore_barrier()
    pltpu.sync_copy(acc.at[pl.ds(base, RPT)], out.at[c, pl.ds(base, RPT)])


def _make_agg(D):
    @functools.partial(
        pl.kernel,
        out_type=jax.ShapeDtypeStruct((NC, NPAD, D), jnp.bfloat16),
        mesh=_mesh,
        scratch_types=[
            pltpu.VMEM((CPT, CHUNK), jnp.int32),
            pltpu.VMEM((CPT, CHUNK), jnp.int32),
            [pltpu.VMEM((CHUNK, D), jnp.bfloat16)] * NRING,
            pltpu.VMEM_SHARED((NPAD, D), jnp.bfloat16),
            [pltpu.SemaphoreType.DMA] * NRING,
            [pltpu.SemaphoreType.DMA] * NRING,
        ],
        compiler_params=_sc_params,
    )
    def agg(e3, h_hbm, zeros_h, out, src_v, dst_v, bufs, acc, gs, ss):
        c = lax.axis_index("c")
        s = lax.axis_index("s")
        wid = c * NS + s
        c0, tw = _chunk_range(wid)
        pltpu.sync_copy(e3.at[0, pl.ds(c0, CPT)], src_v)
        pltpu.sync_copy(e3.at[1, pl.ds(c0, CPT)], dst_v)
        base = s * RPT
        pltpu.sync_copy(zeros_h.at[pl.ds(base, RPT)], acc.at[pl.ds(base, RPT)])
        plsc.subcore_barrier()

        for b in range(NRING):
            pltpu.async_copy(h_hbm.at[src_v.at[b]], bufs[b], gs[b])

        def body(t, carry):
            for b in range(NRING):
                j = NRING * t + b

                @pl.when(j < tw)
                def _():
                    pltpu.make_async_copy(h_hbm.at[src_v.at[j]], bufs[b], gs[b]).wait()
                    pltpu.async_copy(bufs[b], acc.at[dst_v.at[j]], ss[b], add=True)

            for b in range(NRING):
                jn = NRING * t + b + NRING

                @pl.when(jn < tw)
                def _():
                    pltpu.make_async_copy(bufs[b], acc.at[dst_v.at[0]], ss[b]).wait()
                    pltpu.async_copy(h_hbm.at[src_v.at[jn]], bufs[b], gs[b])

            return carry

        lax.fori_loop(0, -(-CPT // NRING), body, 0)
        for b in range(NRING):
            pltpu.make_async_copy(bufs[b], acc.at[dst_v.at[0]], ss[b]).wait()
        plsc.subcore_barrier()
        pltpu.sync_copy(acc.at[pl.ds(base, RPT)], out.at[c, pl.ds(base, RPT)])

    return agg


_agg = _make_agg(D_HID)



BR = 5056
GRID = NPAD // BR


def _dinv_of(degp_ref):
    deg = degp_ref[0, :, 0:1].astype(jnp.float32) + degp_ref[1, :, 0:1].astype(jnp.float32) + 1.0
    return lax.rsqrt(deg)


def _mm1_body(degp_ref, x_ref, w1_ref, h1p_ref, dinv_ref):
    i = pl.program_id(0)
    dinv = _dinv_of(degp_ref)
    h = jnp.dot(x_ref[...], w1_ref[...], preferred_element_type=jnp.float32)
    rows = i * BR + lax.broadcasted_iota(jnp.int32, (BR, 1), 0)
    h1p_ref[...] = jnp.where(rows < N, h * dinv, 0.0).astype(jnp.bfloat16)
    dinv_ref[...] = jnp.broadcast_to(dinv, (BR, 8))


def _mm2_body(dinv_ref, y_ref, h1p_ref, b1_ref, w2_ref, h2p_ref):
    dinv = dinv_ref[:, 0:1]
    ysum = (y_ref[0] + y_ref[1]).astype(jnp.float32) + h1p_ref[...].astype(jnp.float32)
    agg = dinv * ysum + b1_ref[...]
    o = jnp.maximum(agg, 0.0)
    h2 = jnp.dot(o, w2_ref[...], preferred_element_type=jnp.float32) * dinv
    h2p_ref[...] = jnp.pad(h2, ((0, 0), (0, D2 - N_CLASSES))).astype(jnp.bfloat16)


def _out_body(dinv_ref, y_ref, h2p_ref, b2_ref, out_ref):
    dinv = dinv_ref[:, 0:1]
    ysum = (y_ref[0] + y_ref[1]).astype(jnp.float32) + h2p_ref[...].astype(jnp.float32)
    h = (dinv * ysum)[:, :N_CLASSES] + b2_ref[...]
    m = jnp.max(h, axis=1, keepdims=True)
    lse = jnp.log(jnp.sum(jnp.exp(h - m), axis=1, keepdims=True)) + m
    out_ref[...] = h - lse


def _deg_spec():
    return pl.BlockSpec((NC, BR, DLANES), lambda i: (0, i, 0))


_mm1 = pl.pallas_call(
    _mm1_body,
    grid=(GRID,),
    in_specs=[
        _deg_spec(),
        pl.BlockSpec((BR, D_IN), lambda i: (i, 0)),
        pl.BlockSpec((D_IN, D_HID), lambda i: (0, 0)),
    ],
    out_specs=[
        pl.BlockSpec((BR, D_HID), lambda i: (i, 0)),
        pl.BlockSpec((BR, 8), lambda i: (i, 0)),
    ],
    out_shape=[
        jax.ShapeDtypeStruct((NPAD, D_HID), jnp.bfloat16),
        jax.ShapeDtypeStruct((NPAD, 8), jnp.float32),
    ],
)

_mm2 = pl.pallas_call(
    _mm2_body,
    grid=(GRID,),
    in_specs=[
        pl.BlockSpec((BR, 8), lambda i: (i, 0)),
        pl.BlockSpec((NC, BR, D_HID), lambda i: (0, i, 0)),
        pl.BlockSpec((BR, D_HID), lambda i: (i, 0)),
        pl.BlockSpec((1, D_HID), lambda i: (0, 0)),
        pl.BlockSpec((D_HID, N_CLASSES), lambda i: (0, 0)),
    ],
    out_specs=pl.BlockSpec((BR, D2), lambda i: (i, 0)),
    out_shape=jax.ShapeDtypeStruct((NPAD, D2), jnp.bfloat16),
)

_outk = pl.pallas_call(
    _out_body,
    grid=(GRID,),
    in_specs=[
        pl.BlockSpec((BR, 8), lambda i: (i, 0)),
        pl.BlockSpec((NC, BR, D2), lambda i: (0, i, 0)),
        pl.BlockSpec((BR, D2), lambda i: (i, 0)),
        pl.BlockSpec((1, N_CLASSES), lambda i: (0, 0)),
    ],
    out_specs=pl.BlockSpec((BR, N_CLASSES), lambda i: (i, 0)),
    out_shape=jax.ShapeDtypeStruct((N, N_CLASSES), jnp.float32),
)



@jax.jit
def kernel(x, edge_index, W1, b1, W2, b2):
    e3 = edge_index.astype(jnp.int32).reshape(2, NCH, CHUNK)

    ones_h = jnp.ones((CHUNK, DLANES), jnp.bfloat16)
    degp = _deg_kernel(e3, ones_h, jnp.zeros((NPAD, DLANES), jnp.bfloat16))

    h1p, dinv = _mm1(degp, x, W1)
    zeros_bf = jnp.zeros((NPAD, D_HID), jnp.bfloat16)
    y1 = _agg(e3, h1p, zeros_bf)

    h2p = _mm2(dinv, y1, h1p, b1.reshape(1, D_HID), W2)
    y2 = _agg(e3, h2p, zeros_bf)

    return _outk(dinv, y2, h2p, b2.reshape(1, N_CLASSES))

# --- scband reference (transcript-rebuilt; emitter-appended) ---
"""Pipeline reference for scband-net-72791105732854 (READ-ONLY COPY).

The authoritative reference and input builder live on the scoring server;
editing this copy changes nothing except your own understanding.
"""

import jax, jax.numpy as jnp
import numpy as np

N = 10000
E = 320000
D_IN = 128
D_HID = 64
N_CLASSES = 41


def setup_inputs(seed: int = 0) -> dict:
    key = jax.random.key(seed)
    k1, k2, k3, k4 = jax.random.split(key, 4)
    x = jax.random.normal(k1, (N, D_IN), dtype=jnp.float32)
    edge_index = jax.random.randint(k2, (2, E), 0, N)
    W1 = jax.random.normal(k3, (D_IN, D_HID), dtype=jnp.float32) * (1.0 / np.sqrt(D_IN))
    b1 = jnp.zeros((D_HID,), dtype=jnp.float32)
    W2 = jax.random.normal(k4, (D_HID, N_CLASSES), dtype=jnp.float32) * (1.0 / np.sqrt(D_HID))
    b2 = jnp.zeros((N_CLASSES,), dtype=jnp.float32)
    return {"x": x, "edge_index": edge_index, "W1": W1, "b1": b1, "W2": W2, "b2": b2}


def _gcn_conv(x, src, dst, norm, W, b):
    # GCNConv: x' = D^{-1/2} (A + I) D^{-1/2} (x W) + b
    h = x @ W
    msg = h[src] * norm[:, None]
    agg = jax.ops.segment_sum(msg, dst, num_segments=N)
    return agg + b


def reference(x, edge_index, W1, b1, W2, b2):
    src = edge_index[0]
    dst = edge_index[1]
    # add self loops (GCNConv default add_self_loops=True)
    loop = jnp.arange(N, dtype=src.dtype)
    src = jnp.concatenate([src, loop])
    dst = jnp.concatenate([dst, loop])
    # symmetric normalization coefficients
    deg = jax.ops.segment_sum(jnp.ones_like(src, dtype=jnp.float32), dst, num_segments=N)
    dinv = jnp.where(deg > 0, jax.lax.rsqrt(deg), 0.0)
    norm = dinv[src] * dinv[dst]
    h = _gcn_conv(x, src, dst, norm, W1, b1)
    h = jax.nn.relu(h)
    # F.dropout(..., training=self.training) is identity in eval mode
    h = _gcn_conv(h, src, dst, norm, W2, b2)
    return jax.nn.log_softmax(h, axis=1)

if __name__ == "__main__":
    import jax
    _d = setup_inputs()
    print(jax.jit(kernel)(*tuple(_d.values())))

</pallas_src>

<mosaic_0001>
#map = affine_map<(d0, d1) -> (0, 0, 0)>
#map1 = affine_map<(d0, d1) -> (0, 0)>
module attributes {stable_mosaic.version = 14 : i64} {
  func.func @agg(%arg0: i32, %arg1: i32, %arg2: memref<2x2500x128xi32, #tpu.memory_space<hbm>>, %arg3: memref<10112x64xbf16, #tpu.memory_space<hbm>>, %arg4: memref<10112x64xbf16, #tpu.memory_space<hbm>>, %arg5: memref<2x10112x64xbf16, #tpu.memory_space<hbm>>, %arg6: memref<79x128xi32, #tpu.memory_space<vmem>>, %arg7: memref<79x128xi32, #tpu.memory_space<vmem>>, %arg8: memref<128x64xbf16, #tpu.memory_space<vmem>>, %arg9: memref<128x64xbf16, #tpu.memory_space<vmem>>, %arg10: memref<128x64xbf16, #tpu.memory_space<vmem>>, %arg11: memref<128x64xbf16, #tpu.memory_space<vmem>>, %arg12: memref<128x64xbf16, #tpu.memory_space<vmem>>, %arg13: memref<128x64xbf16, #tpu.memory_space<vmem>>, %arg14: memref<128x64xbf16, #tpu.memory_space<vmem>>, %arg15: memref<128x64xbf16, #tpu.memory_space<vmem>>, %arg16: memref<10112x64xbf16, #tpu.memory_space<vmem_shared>>, %arg17: memref<!tpu.dma_semaphore, #tpu.memory_space<semaphore_mem>>, %arg18: memref<!tpu.dma_semaphore, #tpu.memory_space<semaphore_mem>>, %arg19: memref<!tpu.dma_semaphore, #tpu.memory_space<semaphore_mem>>, %arg20: memref<!tpu.dma_semaphore, #tpu.memory_space<semaphore_mem>>, %arg21: memref<!tpu.dma_semaphore, #tpu.memory_space<semaphore_mem>>, %arg22: memref<!tpu.dma_semaphore, #tpu.memory_space<semaphore_mem>>, %arg23: memref<!tpu.dma_semaphore, #tpu.memory_space<semaphore_mem>>, %arg24: memref<!tpu.dma_semaphore, #tpu.memory_space<semaphore_mem>>, %arg25: memref<!tpu.dma_semaphore, #tpu.memory_space<semaphore_mem>>, %arg26: memref<!tpu.dma_semaphore, #tpu.memory_space<semaphore_mem>>, %arg27: memref<!tpu.dma_semaphore, #tpu.memory_space<semaphore_mem>>, %arg28: memref<!tpu.dma_semaphore, #tpu.memory_space<semaphore_mem>>, %arg29: memref<!tpu.dma_semaphore, #tpu.memory_space<semaphore_mem>>, %arg30: memref<!tpu.dma_semaphore, #tpu.memory_space<semaphore_mem>>, %arg31: memref<!tpu.dma_semaphore, #tpu.memory_space<semaphore_mem>>, %arg32: memref<!tpu.dma_semaphore, #tpu.memory_space<semaphore_mem>>) attributes {dimension_semantics = [#tpu.dimension_semantics<core_parallel>, #tpu.dimension_semantics<subcore_parallel>], iteration_bounds = array<i64: 2, 16>, scalar_prefetch = 0 : i64, scratch_operands = 27 : i64, tpu.core_type = #tpu.core_type<sc_vector_subcore>, window_params = [{transform_indices = #map}, {transform_indices = #map1}, {transform_indices = #map1}, {transform_indices = #map}]} {
    %mul3A = arith.constant 16 : i32
    %mul3A_0 = arith.muli %arg0, %mul3A : i32
    %add3A = arith.addi %mul3A_0, %arg1 : i32
    %mul3A_1 = arith.constant 2500 : i32
    %mul3A_2 = arith.muli %add3A, %mul3A_1 : i32
    %jit3A = arith.constant 32 : i32
    %div3A = arith.divsi %mul3A_2, %jit3A : i32
    %sign3A = arith.constant 0 : i32
    %sign3A_3 = arith.cmpi sgt, %mul3A_2, %sign3A : i32
    %sign3A_4 = arith.extui %sign3A_3 : i1 to i32
    %sign3A_5 = arith.constant 0 : i32
    %sign3A_6 = arith.cmpi slt, %mul3A_2, %sign3A_5 : i32
    %sign3A_7 = arith.extui %sign3A_6 : i1 to i32
    %sign3A_8 = arith.subi %sign3A_4, %sign3A_7 : i32
    %sign3A_9 = arith.constant 0 : i32
    %sign3A_10 = arith.cmpi sgt, %jit3A, %sign3A_9 : i32
    %sign3A_11 = arith.extui %sign3A_10 : i1 to i32
    %sign3A_12 = arith.constant 0 : i32
    %sign3A_13 = arith.cmpi slt, %jit3A, %sign3A_12 : i32
    %sign3A_14 = arith.extui %sign3A_13 : i1 to i32
    %sign3A_15 = arith.subi %sign3A_11, %sign3A_14 : i32
    %ne3A = arith.cmpi ne, %sign3A_8, %sign3A_15 : i32
    %rem3A = arith.remsi %mul3A_2, %jit3A : i32
    %ne3A_16 = arith.constant 0 : i32
    %ne3A_17 = arith.cmpi ne, %rem3A, %ne3A_16 : i32
    %and3A = arith.andi %ne3A, %ne3A_17 : i1
    %sub3A = arith.constant 1 : i32
    %sub3A_18 = arith.subi %div3A, %sub3A : i32
    %select_n3A = arith.select %and3A, %sub3A_18, %div3A : i32
    %add3A_19 = arith.constant 1 : i32
    %add3A_20 = arith.addi %add3A, %add3A_19 : i32
    %mul3A_21 = arith.constant 2500 : i32
    %mul3A_22 = arith.muli %add3A_20, %mul3A_21 : i32
    %jit3A_23 = arith.constant 32 : i32
    %div3A_24 = arith.divsi %mul3A_22, %jit3A_23 : i32
    %sign3A_25 = arith.constant 0 : i32
    %sign3A_26 = arith.cmpi sgt, %mul3A_22, %sign3A_25 : i32
    %sign3A_27 = arith.extui %sign3A_26 : i1 to i32
    %sign3A_28 = arith.constant 0 : i32
    %sign3A_29 = arith.cmpi slt, %mul3A_22, %sign3A_28 : i32
    %sign3A_30 = arith.extui %sign3A_29 : i1 to i32
    %sign3A_31 = arith.subi %sign3A_27, %sign3A_30 : i32
    %sign3A_32 = arith.constant 0 : i32
    %sign3A_33 = arith.cmpi sgt, %jit3A_23, %sign3A_32 : i32
    %sign3A_34 = arith.extui %sign3A_33 : i1 to i32
    %sign3A_35 = arith.constant 0 : i32
    %sign3A_36 = arith.cmpi slt, %jit3A_23, %sign3A_35 : i32
    %sign3A_37 = arith.extui %sign3A_36 : i1 to i32
    %sign3A_38 = arith.subi %sign3A_34, %sign3A_37 : i32
    %ne3A_39 = arith.cmpi ne, %sign3A_31, %sign3A_38 : i32
    %rem3A_40 = arith.remsi %mul3A_22, %jit3A_23 : i32
    %ne3A_41 = arith.constant 0 : i32
    %ne3A_42 = arith.cmpi ne, %rem3A_40, %ne3A_41 : i32
    %and3A_43 = arith.andi %ne3A_39, %ne3A_42 : i1
    %sub3A_44 = arith.constant 1 : i32
    %sub3A_45 = arith.subi %div3A_24, %sub3A_44 : i32
    %select_n3A_46 = arith.select %and3A_43, %sub3A_45, %div3A_24 : i32
    %sub3A_47 = arith.subi %select_n3A_46, %select_n3A : i32
    %run_scoped3A = arith.constant 0 : i32
    "tpu.region"() ({
      %run_scoped3A_167 = tpu.sem_alloc : memref<!tpu.dma_semaphore, #tpu.memory_space<semaphore_mem>>
      %dma_start3A_168 = arith.constant 0 : i32
      %dma_start3A_169 = tpu.memref_slice %arg2[%run_scoped3A, %select_n3A, %dma_start3A_168] : memref<2x2500x128xi32, #tpu.memory_space<hbm>> -> memref<1x79x128xi32, #tpu.memory_space<hbm>>
      %dma_start3A_170 = tpu.memref_squeeze %dma_start3A_169 : memref<1x79x128xi32, #tpu.memory_space<hbm>> -> memref<79x128xi32, #tpu.memory_space<hbm>>
      %dma_start3A_171 = arith.constant 0 : i32
      %dma_start3A_172 = tpu.memref_slice %arg2[%run_scoped3A, %select_n3A, %dma_start3A_171] : memref<2x2500x128xi32, #tpu.memory_space<hbm>> -> memref<1x79x128xi32, #tpu.memory_space<hbm>>
      %dma_start3A_173 = tpu.memref_squeeze %dma_start3A_172 : memref<1x79x128xi32, #tpu.memory_space<hbm>> -> memref<79x128xi32, #tpu.memory_space<hbm>>
      tpu.enqueue_dma source(%dma_start3A_173 : memref<79x128xi32, #tpu.memory_space<hbm>>) target(%arg6 : memref<79x128xi32, #tpu.memory_space<vmem>>) target_semaphore(%run_scoped3A_167 : memref<!tpu.dma_semaphore, #tpu.memory_space<semaphore_mem>>)
      %dma_wait3A_174 = arith.constant 0 : i32
      %dma_wait3A_175 = tpu.memref_slice %arg2[%run_scoped3A, %select_n3A, %dma_wait3A_174] : memref<2x2500x128xi32, #tpu.memory_space<hbm>> -> memref<1x79x128xi32, #tpu.memory_space<hbm>>
      %dma_wait3A_176 = tpu.memref_squeeze %dma_wait3A_175 : memref<1x79x128xi32, #tpu.memory_space<hbm>> -> memref<79x128xi32, #tpu.memory_space<hbm>>
      %dma_wait3A_177 = arith.constant 0 : i32
      %dma_wait3A_178 = tpu.memref_slice %arg2[%run_scoped3A, %select_n3A, %dma_wait3A_177] : memref<2x2500x128xi32, #tpu.memory_space<hbm>> -> memref<1x79x128xi32, #tpu.memory_space<hbm>>
      %dma_wait3A_179 = tpu.memref_squeeze %dma_wait3A_178 : memref<1x79x128xi32, #tpu.memory_space<hbm>> -> memref<79x128xi32, #tpu.memory_space<hbm>>
      tpu.wait_dma2 semaphore(%run_scoped3A_167 : memref<!tpu.dma_semaphore, #tpu.memory_space<semaphore_mem>>) src(%dma_wait3A_179 : memref<79x128xi32, #tpu.memory_space<hbm>>) dst(%arg6 : memref<79x128xi32, #tpu.memory_space<vmem>>)
      tpu.yield
    }) : () -> ()
    %run_scoped3A_48 = arith.constant 1 : i32
    "tpu.region"() ({
      %run_scoped3A_167 = tpu.sem_alloc : memref<!tpu.dma_semaphore, #tpu.memory_space<semaphore_mem>>
      %dma_start3A_168 = arith.constant 0 : i32
      %dma_start3A_169 = tpu.memref_slice %arg2[%run_scoped3A_48, %select_n3A, %dma_start3A_168] : memref<2x2500x128xi32, #tpu.memory_space<hbm>> -> memref<1x79x128xi32, #tpu.memory_space<hbm>>
      %dma_start3A_170 = tpu.memref_squeeze %dma_start3A_169 : memref<1x79x128xi32, #tpu.memory_space<hbm>> -> memref<79x128xi32, #tpu.memory_space<hbm>>
      %dma_start3A_171 = arith.constant 0 : i32
      %dma_start3A_172 = tpu.memref_slice %arg2[%run_scoped3A_48, %select_n3A, %dma_start3A_171] : memref<2x2500x128xi32, #tpu.memory_space<hbm>> -> memref<1x79x128xi32, #tpu.memory_space<hbm>>
      %dma_start3A_173 = tpu.memref_squeeze %dma_start3A_172 : memref<1x79x128xi32, #tpu.memory_space<hbm>> -> memref<79x128xi32, #tpu.memory_space<hbm>>
      tpu.enqueue_dma source(%dma_start3A_173 : memref<79x128xi32, #tpu.memory_space<hbm>>) target(%arg7 : memref<79x128xi32, #tpu.memory_space<vmem>>) target_semaphore(%run_scoped3A_167 : memref<!tpu.dma_semaphore, #tpu.memory_space<semaphore_mem>>)
      %dma_wait3A_174 = arith.constant 0 : i32
      %dma_wait3A_175 = tpu.memref_slice %arg2[%run_scoped3A_48, %select_n3A, %dma_wait3A_174] : memref<2x2500x128xi32, #tpu.memory_space<hbm>> -> memref<1x79x128xi32, #tpu.memory_space<hbm>>
      %dma_wait3A_176 = tpu.memref_squeeze %dma_wait3A_175 : memref<1x79x128xi32, #tpu.memory_space<hbm>> -> memref<79x128xi32, #tpu.memory_space<hbm>>
      %dma_wait3A_177 = arith.constant 0 : i32
      %dma_wait3A_178 = tpu.memref_slice %arg2[%run_scoped3A_48, %select_n3A, %dma_wait3A_177] : memref<2x2500x128xi32, #tpu.memory_space<hbm>> -> memref<1x79x128xi32, #tpu.memory_space<hbm>>
      %dma_wait3A_179 = tpu.memref_squeeze %dma_wait3A_178 : memref<1x79x128xi32, #tpu.memory_space<hbm>> -> memref<79x128xi32, #tpu.memory_space<hbm>>
      tpu.wait_dma2 semaphore(%run_scoped3A_167 : memref<!tpu.dma_semaphore, #tpu.memory_space<semaphore_mem>>) src(%dma_wait3A_179 : memref<79x128xi32, #tpu.memory_space<hbm>>) dst(%arg7 : memref<79x128xi32, #tpu.memory_space<vmem>>)
      tpu.yield
    }) : () -> ()
    %mul3A_49 = arith.constant 632 : i32
    %mul3A_50 = arith.muli %arg1, %mul3A_49 : i32
    "tpu.region"() ({
      %run_scoped3A_167 = tpu.sem_alloc : memref<!tpu.dma_semaphore, #tpu.memory_space<semaphore_mem>>
      %dma_start3A_168 = arith.constant 0 : i32
      %dma_start3A_169 = tpu.memref_slice %arg16[%mul3A_50, %dma_start3A_168] : memref<10112x64xbf16, #tpu.memory_space<vmem_shared>> -> memref<632x64xbf16, #tpu.memory_space<vmem_shared>>
      %dma_start3A_170 = arith.constant 0 : i32
      %dma_start3A_171 = tpu.memref_slice %arg4[%mul3A_50, %dma_start3A_170] : memref<10112x64xbf16, #tpu.memory_space<hbm>> -> memref<632x64xbf16, #tpu.memory_space<hbm>>
      tpu.enqueue_dma source(%dma_start3A_171 : memref<632x64xbf16, #tpu.memory_space<hbm>>) target(%dma_start3A_169 : memref<632x64xbf16, #tpu.memory_space<vmem_shared>>) target_semaphore(%run_scoped3A_167 : memref<!tpu.dma_semaphore, #tpu.memory_space<semaphore_mem>>)
      %dma_wait3A_172 = arith.constant 0 : i32
      %dma_wait3A_173 = tpu.memref_slice %arg16[%mul3A_50, %dma_wait3A_172] : memref<10112x64xbf16, #tpu.memory_space<vmem_shared>> -> memref<632x64xbf16, #tpu.memory_space<vmem_shared>>
      %dma_wait3A_174 = arith.constant 0 : i32
      %dma_wait3A_175 = tpu.memref_slice %arg4[%mul3A_50, %dma_wait3A_174] : memref<10112x64xbf16, #tpu.memory_space<hbm>> -> memref<632x64xbf16, #tpu.memory_space<hbm>>
      tpu.wait_dma2 semaphore(%run_scoped3A_167 : memref<!tpu.dma_semaphore, #tpu.memory_space<semaphore_mem>>) src(%dma_wait3A_175 : memref<632x64xbf16, #tpu.memory_space<hbm>>) dst(%dma_wait3A_173 : memref<632x64xbf16, #tpu.memory_space<vmem_shared>>)
      tpu.yield
    }) : () -> ()
    %barrier3A = arith.constant 0 : index
    tpu.barrier barrier_id(%barrier3A)
    %dma_start3A = arith.constant 0 : i32
    %dma_start3A_51 = arith.constant 0 : i32
    %dma_start3A_52 = tpu.memref_slice %arg6[%dma_start3A, %dma_start3A_51] : memref<79x128xi32, #tpu.memory_space<vmem>> -> memref<1x128xi32, #tpu.memory_space<vmem>>
    %dma_start3A_53 = tpu.memref_squeeze %dma_start3A_52 : memref<1x128xi32, #tpu.memory_space<vmem>> -> memref<128xi32, #tpu.memory_space<vmem>>
    %dma_start3A_54 = arith.constant 0 : i32
    %dma_start3A_55 = arith.constant 0 : i32
    %dma_start3A_56 = tpu.memref_slice %arg3[%dma_start3A_54, %dma_start3A_55] : memref<10112x64xbf16, #tpu.memory_space<hbm>> -> memref<10112x64xbf16, #tpu.memory_space<hbm>>
    tpu.enqueue_indirect_dma source(%dma_start3A_56 : memref<10112x64xbf16, #tpu.memory_space<hbm>>) target(%arg8 : memref<128x64xbf16, #tpu.memory_space<vmem>>) offsets(%dma_start3A_53 : memref<128xi32, #tpu.memory_space<vmem>>) semaphore(%arg17 : memref<!tpu.dma_semaphore, #tpu.memory_space<semaphore_mem>>)
    %dma_start3A_57 = arith.constant 1 : i32
    %dma_start3A_58 = arith.constant 0 : i32
    %dma_start3A_59 = tpu.memref_slice %arg6[%dma_start3A_57, %dma_start3A_58] : memref<79x128xi32, #tpu.memory_space<vmem>> -> memref<1x128xi32, #tpu.memory_space<vmem>>
    %dma_start3A_60 = tpu.memref_squeeze %dma_start3A_59 : memref<1x128xi32, #tpu.memory_space<vmem>> -> memref<128xi32, #tpu.memory_space<vmem>>
    %dma_start3A_61 = arith.constant 0 : i32
    %dma_start3A_62 = arith.constant 0 : i32
    %dma_start3A_63 = tpu.memref_slice %arg3[%dma_start3A_61, %dma_start3A_62] : memref<10112x64xbf16, #tpu.memory_space<hbm>> -> memref<10112x64xbf16, #tpu.memory_space<hbm>>
    tpu.enqueue_indirect_dma source(%dma_start3A_63 : memref<10112x64xbf16, #tpu.memory_space<hbm>>) target(%arg9 : memref<128x64xbf16, #tpu.memory_space<vmem>>) offsets(%dma_start3A_60 : memref<128xi32, #tpu.memory_space<vmem>>) semaphore(%arg18 : memref<!tpu.dma_semaphore, #tpu.memory_space<semaphore_mem>>)
    %dma_start3A_64 = arith.constant 2 : i32
    %dma_start3A_65 = arith.constant 0 : i32
    %dma_start3A_66 = tpu.memref_slice %arg6[%dma_start3A_64, %dma_start3A_65] : memref<79x128xi32, #tpu.memory_space<vmem>> -> memref<1x128xi32, #tpu.memory_space<vmem>>
    %dma_start3A_67 = tpu.memref_squeeze %dma_start3A_66 : memref<1x128xi32, #tpu.memory_space<vmem>> -> memref<128xi32, #tpu.memory_space<vmem>>
    %dma_start3A_68 = arith.constant 0 : i32
    %dma_start3A_69 = arith.constant 0 : i32
    %dma_start3A_70 = tpu.memref_slice %arg3[%dma_start3A_68, %dma_start3A_69] : memref<10112x64xbf16, #tpu.memory_space<hbm>> -> memref<10112x64xbf16, #tpu.memory_space<hbm>>
    tpu.enqueue_indirect_dma source(%dma_start3A_70 : memref<10112x64xbf16, #tpu.memory_space<hbm>>) target(%arg10 : memref<128x64xbf16, #tpu.memory_space<vmem>>) offsets(%dma_start3A_67 : memref<128xi32, #tpu.memory_space<vmem>>) semaphore(%arg19 : memref<!tpu.dma_semaphore, #tpu.memory_space<semaphore_mem>>)
    %dma_start3A_71 = arith.constant 3 : i32
    %dma_start3A_72 = arith.constant 0 : i32
    %dma_start3A_73 = tpu.memref_slice %arg6[%dma_start3A_71, %dma_start3A_72] : memref<79x128xi32, #tpu.memory_space<vmem>> -> memref<1x128xi32, #tpu.memory_space<vmem>>
    %dma_start3A_74 = tpu.memref_squeeze %dma_start3A_73 : memref<1x128xi32, #tpu.memory_space<vmem>> -> memref<128xi32, #tpu.memory_space<vmem>>
    %dma_start3A_75 = arith.constant 0 : i32
    %dma_start3A_76 = arith.constant 0 : i32
    %dma_start3A_77 = tpu.memref_slice %arg3[%dma_start3A_75, %dma_start3A_76] : memref<10112x64xbf16, #tpu.memory_space<hbm>> -> memref<10112x64xbf16, #tpu.memory_space<hbm>>
    tpu.enqueue_indirect_dma source(%dma_start3A_77 : memref<10112x64xbf16, #tpu.memory_space<hbm>>) target(%arg11 : memref<128x64xbf16, #tpu.memory_space<vmem>>) offsets(%dma_start3A_74 : memref<128xi32, #tpu.memory_space<vmem>>) semaphore(%arg20 : memref<!tpu.dma_semaphore, #tpu.memory_space<semaphore_mem>>)
    %dma_start3A_78 = arith.constant 4 : i32
    %dma_start3A_79 = arith.constant 0 : i32
    %dma_start3A_80 = tpu.memref_slice %arg6[%dma_start3A_78, %dma_start3A_79] : memref<79x128xi32, #tpu.memory_space<vmem>> -> memref<1x128xi32, #tpu.memory_space<vmem>>
    %dma_start3A_81 = tpu.memref_squeeze %dma_start3A_80 : memref<1x128xi32, #tpu.memory_space<vmem>> -> memref<128xi32, #tpu.memory_space<vmem>>
    %dma_start3A_82 = arith.constant 0 : i32
    %dma_start3A_83 = arith.constant 0 : i32
    %dma_start3A_84 = tpu.memref_slice %arg3[%dma_start3A_82, %dma_start3A_83] : memref<10112x64xbf16, #tpu.memory_space<hbm>> -> memref<10112x64xbf16, #tpu.memory_space<hbm>>
    tpu.enqueue_indirect_dma source(%dma_start3A_84 : memref<10112x64xbf16, #tpu.memory_space<hbm>>) target(%arg12 : memref<128x64xbf16, #tpu.memory_space<vmem>>) offsets(%dma_start3A_81 : memref<128xi32, #tpu.memory_space<vmem>>) semaphore(%arg21 : memref<!tpu.dma_semaphore, #tpu.memory_space<semaphore_mem>>)
    %dma_start3A_85 = arith.constant 5 : i32
    %dma_start3A_86 = arith.constant 0 : i32
    %dma_start3A_87 = tpu.memref_slice %arg6[%dma_start3A_85, %dma_start3A_86] : memref<79x128xi32, #tpu.memory_space<vmem>> -> memref<1x128xi32, #tpu.memory_space<vmem>>
    %dma_start3A_88 = tpu.memref_squeeze %dma_start3A_87 : memref<1x128xi32, #tpu.memory_space<vmem>> -> memref<128xi32, #tpu.memory_space<vmem>>
    %dma_start3A_89 = arith.constant 0 : i32
    %dma_start3A_90 = arith.constant 0 : i32
    %dma_start3A_91 = tpu.memref_slice %arg3[%dma_start3A_89, %dma_start3A_90] : memref<10112x64xbf16, #tpu.memory_space<hbm>> -> memref<10112x64xbf16, #tpu.memory_space<hbm>>
    tpu.enqueue_indirect_dma source(%dma_start3A_91 : memref<10112x64xbf16, #tpu.memory_space<hbm>>) target(%arg13 : memref<128x64xbf16, #tpu.memory_space<vmem>>) offsets(%dma_start3A_88 : memref<128xi32, #tpu.memory_space<vmem>>) semaphore(%arg22 : memref<!tpu.dma_semaphore, #tpu.memory_space<semaphore_mem>>)
    %dma_start3A_92 = arith.constant 6 : i32
    %dma_start3A_93 = arith.constant 0 : i32
    %dma_start3A_94 = tpu.memref_slice %arg6[%dma_start3A_92, %dma_start3A_93] : memref<79x128xi32, #tpu.memory_space<vmem>> -> memref<1x128xi32, #tpu.memory_space<vmem>>
    %dma_start3A_95 = tpu.memref_squeeze %dma_start3A_94 : memref<1x128xi32, #tpu.memory_space<vmem>> -> memref<128xi32, #tpu.memory_space<vmem>>
    %dma_start3A_96 = arith.constant 0 : i32
    %dma_start3A_97 = arith.constant 0 : i32
    %dma_start3A_98 = tpu.memref_slice %arg3[%dma_start3A_96, %dma_start3A_97] : memref<10112x64xbf16, #tpu.memory_space<hbm>> -> memref<10112x64xbf16, #tpu.memory_space<hbm>>
    tpu.enqueue_indirect_dma source(%dma_start3A_98 : memref<10112x64xbf16, #tpu.memory_space<hbm>>) target(%arg14 : memref<128x64xbf16, #tpu.memory_space<vmem>>) offsets(%dma_start3A_95 : memref<128xi32, #tpu.memory_space<vmem>>) semaphore(%arg23 : memref<!tpu.dma_semaphore, #tpu.memory_space<semaphore_mem>>)
    %dma_start3A_99 = arith.constant 7 : i32
    %dma_start3A_100 = arith.constant 0 : i32
    %dma_start3A_101 = tpu.memref_slice %arg6[%dma_start3A_99, %dma_start3A_100] : memref<79x128xi32, #tpu.memory_space<vmem>> -> memref<1x128xi32, #tpu.memory_space<vmem>>
    %dma_start3A_102 = tpu.memref_squeeze %dma_start3A_101 : memref<1x128xi32, #tpu.memory_space<vmem>> -> memref<128xi32, #tpu.memory_space<vmem>>
    %dma_start3A_103 = arith.constant 0 : i32
    %dma_start3A_104 = arith.constant 0 : i32
    %dma_start3A_105 = tpu.memref_slice %arg3[%dma_start3A_103, %dma_start3A_104] : memref<10112x64xbf16, #tpu.memory_space<hbm>> -> memref<10112x64xbf16, #tpu.memory_space<hbm>>
    tpu.enqueue_indirect_dma source(%dma_start3A_105 : memref<10112x64xbf16, #tpu.memory_space<hbm>>) target(%arg15 : memref<128x64xbf16, #tpu.memory_space<vmem>>) offsets(%dma_start3A_102 : memref<128xi32, #tpu.memory_space<vmem>>) semaphore(%arg24 : memref<!tpu.dma_semaphore, #tpu.memory_space<semaphore_mem>>)
    %scan3A = arith.constant 0 : i32
    %scan3A_106 = arith.constant 0 : i32
    %scan3A_107 = arith.constant 10 : i32
    %scan3A_108 = arith.addi %scan3A_106, %scan3A_107 : i32
    %scan3A_109 = arith.constant 1 : i32
    scf.for %scan3A_167 = %scan3A_106 to %scan3A_108 step %scan3A_109  : i32 {
      %mul3A_168 = arith.constant 8 : i32
      %mul3A_169 = arith.muli %mul3A_168, %scan3A_167 : i32
      %add3A_170 = arith.constant 0 : i32
      %add3A_171 = arith.addi %mul3A_169, %add3A_170 : i32
      %lt3A = arith.cmpi slt, %add3A_171, %sub3A_47 : i32
      %convert_element_type3A = arith.extui %lt3A : i1 to i32
      %cond3A = arith.constant 0 : i32
      %cond3A_172 = arith.cmpi ne, %convert_element_type3A, %cond3A : i32
      scf.if %cond3A_172 {
        %dma_wait3A_309 = arith.constant 0 : i32
        %dma_wait3A_310 = tpu.memref_slice %arg6[%add3A_171, %dma_wait3A_309] : memref<79x128xi32, #tpu.memory_space<vmem>> -> memref<1x128xi32, #tpu.memory_space<vmem>>
        %dma_wait3A_311 = tpu.memref_squeeze %dma_wait3A_310 : memref<1x128xi32, #tpu.memory_space<vmem>> -> memref<128xi32, #tpu.memory_space<vmem>>
        %dma_wait3A_312 = arith.constant 0 : i32
        %dma_wait3A_313 = arith.constant 0 : i32
        %dma_wait3A_314 = tpu.memref_slice %arg3[%dma_wait3A_312, %dma_wait3A_313] : memref<10112x64xbf16, #tpu.memory_space<hbm>> -> memref<10112x64xbf16, #tpu.memory_space<hbm>>
        tpu.wait_indirect_dma semaphore(%arg17 : memref<!tpu.dma_semaphore, #tpu.memory_space<semaphore_mem>>) src(%dma_wait3A_314 : memref<10112x64xbf16, #tpu.memory_space<hbm>>) dst(%arg8 : memref<128x64xbf16, #tpu.memory_space<vmem>>)
        %dma_start3A_315 = arith.constant 0 : i32
        %dma_start3A_316 = tpu.memref_slice %arg7[%add3A_171, %dma_start3A_315] : memref<79x128xi32, #tpu.memory_space<vmem>> -> memref<1x128xi32, #tpu.memory_space<vmem>>
        %dma_start3A_317 = tpu.memref_squeeze %dma_start3A_316 : memref<1x128xi32, #tpu.memory_space<vmem>> -> memref<128xi32, #tpu.memory_space<vmem>>
        %dma_start3A_318 = arith.constant 0 : i32
        %dma_start3A_319 = arith.constant 0 : i32
        %dma_start3A_320 = tpu.memref_slice %arg16[%dma_start3A_318, %dma_start3A_319] : memref<10112x64xbf16, #tpu.memory_space<vmem_shared>> -> memref<10112x64xbf16, #tpu.memory_space<vmem_shared>>
        tpu.enqueue_indirect_dma source(%arg8 : memref<128x64xbf16, #tpu.memory_space<vmem>>) target(%dma_start3A_320 : memref<10112x64xbf16, #tpu.memory_space<vmem_shared>>) offsets(%dma_start3A_317 : memref<128xi32, #tpu.memory_space<vmem>>) semaphore(%arg25 : memref<!tpu.dma_semaphore, #tpu.memory_space<semaphore_mem>>) {add = true}
      } else {
      }
      %mul3A_173 = arith.constant 8 : i32
      %mul3A_174 = arith.muli %mul3A_173, %scan3A_167 : i32
      %add3A_175 = arith.constant 1 : i32
      %add3A_176 = arith.addi %mul3A_174, %add3A_175 : i32
      %lt3A_177 = arith.cmpi slt, %add3A_176, %sub3A_47 : i32
      %convert_element_type3A_178 = arith.extui %lt3A_177 : i1 to i32
      %cond3A_179 = arith.constant 0 : i32
      %cond3A_180 = arith.cmpi ne, %convert_element_type3A_178, %cond3A_179 : i32
      scf.if %cond3A_180 {
        %dma_wait3A_309 = arith.constant 0 : i32
        %dma_wait3A_310 = tpu.memref_slice %arg6[%add3A_176, %dma_wait3A_309] : memref<79x128xi32, #tpu.memory_space<vmem>> -> memref<1x128xi32, #tpu.memory_space<vmem>>
        %dma_wait3A_311 = tpu.memref_squeeze %dma_wait3A_310 : memref<1x128xi32, #tpu.memory_space<vmem>> -> memref<128xi32, #tpu.memory_space<vmem>>
        %dma_wait3A_312 = arith.constant 0 : i32
        %dma_wait3A_313 = arith.constant 0 : i32
        %dma_wait3A_314 = tpu.memref_slice %arg3[%dma_wait3A_312, %dma_wait3A_313] : memref<10112x64xbf16, #tpu.memory_space<hbm>> -> memref<10112x64xbf16, #tpu.memory_space<hbm>>
        tpu.wait_indirect_dma semaphore(%arg18 : memref<!tpu.dma_semaphore, #tpu.memory_space<semaphore_mem>>) src(%dma_wait3A_314 : memref<10112x64xbf16, #tpu.memory_space<hbm>>) dst(%arg9 : memref<128x64xbf16, #tpu.memory_space<vmem>>)
        %dma_start3A_315 = arith.constant 0 : i32
        %dma_start3A_316 = tpu.memref_slice %arg7[%add3A_176, %dma_start3A_315] : memref<79x128xi32, #tpu.memory_space<vmem>> -> memref<1x128xi32, #tpu.memory_space<vmem>>
        %dma_start3A_317 = tpu.memref_squeeze %dma_start3A_316 : memref<1x128xi32, #tpu.memory_space<vmem>> -> memref<128xi32, #tpu.memory_space<vmem>>
        %dma_start3A_318 = arith.constant 0 : i32
        %dma_start3A_319 = arith.constant 0 : i32
        %dma_start3A_320 = tpu.memref_slice %arg16[%dma_start3A_318, %dma_start3A_319] : memref<10112x64xbf16, #tpu.memory_space<vmem_shared>> -> memref<10112x64xbf16, #tpu.memory_space<vmem_shared>>
        tpu.enqueue_indirect_dma source(%arg9 : memref<128x64xbf16, #tpu.memory_space<vmem>>) target(%dma_start3A_320 : memref<10112x64xbf16, #tpu.memory_space<vmem_shared>>) offsets(%dma_start3A_317 : memref<128xi32, #tpu.memory_space<vmem>>) semaphore(%arg26 : memref<!tpu.dma_semaphore, #tpu.memory_space<semaphore_mem>>) {add = true}
      } else {
      }
      %mul3A_181 = arith.constant 8 : i32
      %mul3A_182 = arith.muli %mul3A_181, %scan3A_167 : i32
      %add3A_183 = arith.constant 2 : i32
      %add3A_184 = arith.addi %mul3A_182, %add3A_183 : i32
      %lt3A_185 = arith.cmpi slt, %add3A_184, %sub3A_47 : i32
      %convert_element_type3A_186 = arith.extui %lt3A_185 : i1 to i32
      %cond3A_187 = arith.constant 0 : i32
      %cond3A_188 = arith.cmpi ne, %convert_element_type3A_186, %cond3A_187 : i32
      scf.if %cond3A_188 {
        %dma_wait3A_309 = arith.constant 0 : i32
        %dma_wait3A_310 = tpu.memref_slice %arg6[%add3A_184, %dma_wait3A_309] : memref<79x128xi32, #tpu.memory_space<vmem>> -> memref<1x128xi32, #tpu.memory_space<vmem>>
        %dma_wait3A_311 = tpu.memref_squeeze %dma_wait3A_310 : memref<1x128xi32, #tpu.memory_space<vmem>> -> memref<128xi32, #tpu.memory_space<vmem>>
        %dma_wait3A_312 = arith.constant 0 : i32
        %dma_wait3A_313 = arith.constant 0 : i32
        %dma_wait3A_314 = tpu.memref_slice %arg3[%dma_wait3A_312, %dma_wait3A_313] : memref<10112x64xbf16, #tpu.memory_space<hbm>> -> memref<10112x64xbf16, #tpu.memory_space<hbm>>
        tpu.wait_indirect_dma semaphore(%arg19 : memref<!tpu.dma_semaphore, #tpu.memory_space<semaphore_mem>>) src(%dma_wait3A_314 : memref<10112x64xbf16, #tpu.memory_space<hbm>>) dst(%arg10 : memref<128x64xbf16, #tpu.memory_space<vmem>>)
        %dma_start3A_315 = arith.constant 0 : i32
        %dma_start3A_316 = tpu.memref_slice %arg7[%add3A_184, %dma_start3A_315] : memref<79x128xi32, #tpu.memory_space<vmem>> -> memref<1x128xi32, #tpu.memory_space<vmem>>
        %dma_start3A_317 = tpu.memref_squeeze %dma_start3A_316 : memref<1x128xi32, #tpu.memory_space<vmem>> -> memref<128xi32, #tpu.memory_space<vmem>>
        %dma_start3A_318 = arith.constant 0 : i32
        %dma_start3A_319 = arith.constant 0 : i32
        %dma_start3A_320 = tpu.memref_slice %arg16[%dma_start3A_318, %dma_start3A_319] : memref<10112x64xbf16, #tpu.memory_space<vmem_shared>> -> memref<10112x64xbf16, #tpu.memory_space<vmem_shared>>
        tpu.enqueue_indirect_dma source(%arg10 : memref<128x64xbf16, #tpu.memory_space<vmem>>) target(%dma_start3A_320 : memref<10112x64xbf16, #tpu.memory_space<vmem_shared>>) offsets(%dma_start3A_317 : memref<128xi32, #tpu.memory_space<vmem>>) semaphore(%arg27 : memref<!tpu.dma_semaphore, #tpu.memory_space<semaphore_mem>>) {add = true}
      } else {
      }
      %mul3A_189 = arith.constant 8 : i32
      %mul3A_190 = arith.muli %mul3A_189, %scan3A_167 : i32
      %add3A_191 = arith.constant 3 : i32
      %add3A_192 = arith.addi %mul3A_190, %add3A_191 : i32
      %lt3A_193 = arith.cmpi slt, %add3A_192, %sub3A_47 : i32
      %convert_element_type3A_194 = arith.extui %lt3A_193 : i1 to i32
      %cond3A_195 = arith.constant 0 : i32
      %cond3A_196 = arith.cmpi ne, %convert_element_type3A_194, %cond3A_195 : i32
      scf.if %cond3A_196 {
        %dma_wait3A_309 = arith.constant 0 : i32
        %dma_wait3A_310 = tpu.memref_slice %arg6[%add3A_192, %dma_wait3A_309] : memref<79x128xi32, #tpu.memory_space<vmem>> -> memref<1x128xi32, #tpu.memory_space<vmem>>
        %dma_wait3A_311 = tpu.memref_squeeze %dma_wait3A_310 : memref<1x128xi32, #tpu.memory_space<vmem>> -> memref<128xi32, #tpu.memory_space<vmem>>
        %dma_wait3A_312 = arith.constant 0 : i32
        %dma_wait3A_313 = arith.constant 0 : i32
        %dma_wait3A_314 = tpu.memref_slice %arg3[%dma_wait3A_312, %dma_wait3A_313] : memref<10112x64xbf16, #tpu.memory_space<hbm>> -> memref<10112x64xbf16, #tpu.memory_space<hbm>>
        tpu.wait_indirect_dma semaphore(%arg20 : memref<!tpu.dma_semaphore, #tpu.memory_space<semaphore_mem>>) src(%dma_wait3A_314 : memref<10112x64xbf16, #tpu.memory_space<hbm>>) dst(%arg11 : memref<128x64xbf16, #tpu.memory_space<vmem>>)
        %dma_start3A_315 = arith.constant 0 : i32
        %dma_start3A_316 = tpu.memref_slice %arg7[%add3A_192, %dma_start3A_315] : memref<79x128xi32, #tpu.memory_space<vmem>> -> memref<1x128xi32, #tpu.memory_space<vmem>>
        %dma_start3A_317 = tpu.memref_squeeze %dma_start3A_316 : memref<1x128xi32, #tpu.memory_space<vmem>> -> memref<128xi32, #tpu.memory_space<vmem>>
        %dma_start3A_318 = arith.constant 0 : i32
        %dma_start3A_319 = arith.constant 0 : i32
        %dma_start3A_320 = tpu.memref_slice %arg16[%dma_start3A_318, %dma_start3A_319] : memref<10112x64xbf16, #tpu.memory_space<vmem_shared>> -> memref<10112x64xbf16, #tpu.memory_space<vmem_shared>>
        tpu.enqueue_indirect_dma source(%arg11 : memref<128x64xbf16, #tpu.memory_space<vmem>>) target(%dma_start3A_320 : memref<10112x64xbf16, #tpu.memory_space<vmem_shared>>) offsets(%dma_start3A_317 : memref<128xi32, #tpu.memory_space<vmem>>) semaphore(%arg28 : memref<!tpu.dma_semaphore, #tpu.memory_space<semaphore_mem>>) {add = true}
      } else {
      }
      %mul3A_197 = arith.constant 8 : i32
      %mul3A_198 = arith.muli %mul3A_197, %scan3A_167 : i32
      %add3A_199 = arith.constant 4 : i32
      %add3A_200 = arith.addi %mul3A_198, %add3A_199 : i32
      %lt3A_201 = arith.cmpi slt, %add3A_200, %sub3A_47 : i32
      %convert_element_type3A_202 = arith.extui %lt3A_201 : i1 to i32
      %cond3A_203 = arith.constant 0 : i32
      %cond3A_204 = arith.cmpi ne, %convert_element_type3A_202, %cond3A_203 : i32
      scf.if %cond3A_204 {
        %dma_wait3A_309 = arith.constant 0 : i32
        %dma_wait3A_310 = tpu.memref_slice %arg6[%add3A_200, %dma_wait3A_309] : memref<79x128xi32, #tpu.memory_space<vmem>> -> memref<1x128xi32, #tpu.memory_space<vmem>>
        %dma_wait3A_311 = tpu.memref_squeeze %dma_wait3A_310 : memref<1x128xi32, #tpu.memory_space<vmem>> -> memref<128xi32, #tpu.memory_space<vmem>>
        %dma_wait3A_312 = arith.constant 0 : i32
        %dma_wait3A_313 = arith.constant 0 : i32
        %dma_wait3A_314 = tpu.memref_slice %arg3[%dma_wait3A_312, %dma_wait3A_313] : memref<10112x64xbf16, #tpu.memory_space<hbm>> -> memref<10112x64xbf16, #tpu.memory_space<hbm>>
        tpu.wait_indirect_dma semaphore(%arg21 : memref<!tpu.dma_semaphore, #tpu.memory_space<semaphore_mem>>) src(%dma_wait3A_314 : memref<10112x64xbf16, #tpu.memory_space<hbm>>) dst(%arg12 : memref<128x64xbf16, #tpu.memory_space<vmem>>)
        %dma_start3A_315 = arith.constant 0 : i32
        %dma_start3A_316 = tpu.memref_slice %arg7[%add3A_200, %dma_start3A_315] : memref<79x128xi32, #tpu.memory_space<vmem>> -> memref<1x128xi32, #tpu.memory_space<vmem>>
        %dma_start3A_317 = tpu.memref_squeeze %dma_start3A_316 : memref<1x128xi32, #tpu.memory_space<vmem>> -> memref<128xi32, #tpu.memory_space<vmem>>
        %dma_start3A_318 = arith.constant 0 : i32
        %dma_start3A_319 = arith.constant 0 : i32
        %dma_start3A_320 = tpu.memref_slice %arg16[%dma_start3A_318, %dma_start3A_319] : memref<10112x64xbf16, #tpu.memory_space<vmem_shared>> -> memref<10112x64xbf16, #tpu.memory_space<vmem_shared>>
        tpu.enqueue_indirect_dma source(%arg12 : memref<128x64xbf16, #tpu.memory_space<vmem>>) target(%dma_start3A_320 : memref<10112x64xbf16, #tpu.memory_space<vmem_shared>>) offsets(%dma_start3A_317 : memref<128xi32, #tpu.memory_space<vmem>>) semaphore(%arg29 : memref<!tpu.dma_semaphore, #tpu.memory_space<semaphore_mem>>) {add = true}
      } else {
      }
      %mul3A_205 = arith.constant 8 : i32
      %mul3A_206 = arith.muli %mul3A_205, %scan3A_167 : i32
      %add3A_207 = arith.constant 5 : i32
      %add3A_208 = arith.addi %mul3A_206, %add3A_207 : i32
      %lt3A_209 = arith.cmpi slt, %add3A_208, %sub3A_47 : i32
      %convert_element_type3A_210 = arith.extui %lt3A_209 : i1 to i32
      %cond3A_211 = arith.constant 0 : i32
      %cond3A_212 = arith.cmpi ne, %convert_element_type3A_210, %cond3A_211 : i32
      scf.if %cond3A_212 {
        %dma_wait3A_309 = arith.constant 0 : i32
        %dma_wait3A_310 = tpu.memref_slice %arg6[%add3A_208, %dma_wait3A_309] : memref<79x128xi32, #tpu.memory_space<vmem>> -> memref<1x128xi32, #tpu.memory_space<vmem>>
        %dma_wait3A_311 = tpu.memref_squeeze %dma_wait3A_310 : memref<1x128xi32, #tpu.memory_space<vmem>> -> memref<128xi32, #tpu.memory_space<vmem>>
        %dma_wait3A_312 = arith.constant 0 : i32
        %dma_wait3A_313 = arith.constant 0 : i32
        %dma_wait3A_314 = tpu.memref_slice %arg3[%dma_wait3A_312, %dma_wait3A_313] : memref<10112x64xbf16, #tpu.memory_space<hbm>> -> memref<10112x64xbf16, #tpu.memory_space<hbm>>
        tpu.wait_indirect_dma semaphore(%arg22 : memref<!tpu.dma_semaphore, #tpu.memory_space<semaphore_mem>>) src(%dma_wait3A_314 : memref<10112x64xbf16, #tpu.memory_space<hbm>>) dst(%arg13 : memref<128x64xbf16, #tpu.memory_space<vmem>>)
        %dma_start3A_315 = arith.constant 0 : i32
        %dma_start3A_316 = tpu.memref_slice %arg7[%add3A_208, %dma_start3A_315] : memref<79x128xi32, #tpu.memory_space<vmem>> -> memref<1x128xi32, #tpu.memory_space<vmem>>
        %dma_start3A_317 = tpu.memref_squeeze %dma_start3A_316 : memref<1x128xi32, #tpu.memory_space<vmem>> -> memref<128xi32, #tpu.memory_space<vmem>>
        %dma_start3A_318 = arith.constant 0 : i32
        %dma_start3A_319 = arith.constant 0 : i32
        %dma_start3A_320 = tpu.memref_slice %arg16[%dma_start3A_318, %dma_start3A_319] : memref<10112x64xbf16, #tpu.memory_space<vmem_shared>> -> memref<10112x64xbf16, #tpu.memory_space<vmem_shared>>
        tpu.enqueue_indirect_dma source(%arg13 : memref<128x64xbf16, #tpu.memory_space<vmem>>) target(%dma_start3A_320 : memref<10112x64xbf16, #tpu.memory_space<vmem_shared>>) offsets(%dma_start3A_317 : memref<128xi32, #tpu.memory_space<vmem>>) semaphore(%arg30 : memref<!tpu.dma_semaphore, #tpu.memory_space<semaphore_mem>>) {add = true}
      } else {
      }
      %mul3A_213 = arith.constant 8 : i32
      %mul3A_214 = arith.muli %mul3A_213, %scan3A_167 : i32
      %add3A_215 = arith.constant 6 : i32
      %add3A_216 = arith.addi %mul3A_214, %add3A_215 : i32
      %lt3A_217 = arith.cmpi slt, %add3A_216, %sub3A_47 : i32
      %convert_element_type3A_218 = arith.extui %lt3A_217 : i1 to i32
      %cond3A_219 = arith.constant 0 : i32
      %cond3A_220 = arith.cmpi ne, %convert_element_type3A_218, %cond3A_219 : i32
      scf.if %cond3A_220 {
        %dma_wait3A_309 = arith.constant 0 : i32
        %dma_wait3A_310 = tpu.memref_slice %arg6[%add3A_216, %dma_wait3A_309] : memref<79x128xi32, #tpu.memory_space<vmem>> -> memref<1x128xi32, #tpu.memory_space<vmem>>
        %dma_wait3A_311 = tpu.memref_squeeze %dma_wait3A_310 : memref<1x128xi32, #tpu.memory_space<vmem>> -> memref<128xi32, #tpu.memory_space<vmem>>
        %dma_wait3A_312 = arith.constant 0 : i32
        %dma_wait3A_313 = arith.constant 0 : i32
        %dma_wait3A_314 = tpu.memref_slice %arg3[%dma_wait3A_312, %dma_wait3A_313] : memref<10112x64xbf16, #tpu.memory_space<hbm>> -> memref<10112x64xbf16, #tpu.memory_space<hbm>>
        tpu.wait_indirect_dma semaphore(%arg23 : memref<!tpu.dma_semaphore, #tpu.memory_space<semaphore_mem>>) src(%dma_wait3A_314 : memref<10112x64xbf16, #tpu.memory_space<hbm>>) dst(%arg14 : memref<128x64xbf16, #tpu.memory_space<vmem>>)
        %dma_start3A_315 = arith.constant 0 : i32
        %dma_start3A_316 = tpu.memref_slice %arg7[%add3A_216, %dma_start3A_315] : memref<79x128xi32, #tpu.memory_space<vmem>> -> memref<1x128xi32, #tpu.memory_space<vmem>>
        %dma_start3A_317 = tpu.memref_squeeze %dma_start3A_316 : memref<1x128xi32, #tpu.memory_space<vmem>> -> memref<128xi32, #tpu.memory_space<vmem>>
        %dma_start3A_318 = arith.constant 0 : i32
        %dma_start3A_319 = arith.constant 0 : i32
        %dma_start3A_320 = tpu.memref_slice %arg16[%dma_start3A_318, %dma_start3A_319] : memref<10112x64xbf16, #tpu.memory_space<vmem_shared>> -> memref<10112x64xbf16, #tpu.memory_space<vmem_shared>>
        tpu.enqueue_indirect_dma source(%arg14 : memref<128x64xbf16, #tpu.memory_space<vmem>>) target(%dma_start3A_320 : memref<10112x64xbf16, #tpu.memory_space<vmem_shared>>) offsets(%dma_start3A_317 : memref<128xi32, #tpu.memory_space<vmem>>) semaphore(%arg31 : memref<!tpu.dma_semaphore, #tpu.memory_space<semaphore_mem>>) {add = true}
      } else {
      }
      %mul3A_221 = arith.constant 8 : i32
      %mul3A_222 = arith.muli %mul3A_221, %scan3A_167 : i32
      %add3A_223 = arith.constant 7 : i32
      %add3A_224 = arith.addi %mul3A_222, %add3A_223 : i32
      %lt3A_225 = arith.cmpi slt, %add3A_224, %sub3A_47 : i32
      %convert_element_type3A_226 = arith.extui %lt3A_225 : i1 to i32
      %cond3A_227 = arith.constant 0 : i32
      %cond3A_228 = arith.cmpi ne, %convert_element_type3A_226, %cond3A_227 : i32
      scf.if %cond3A_228 {
        %dma_wait3A_309 = arith.constant 0 : i32
        %dma_wait3A_310 = tpu.memref_slice %arg6[%add3A_224, %dma_wait3A_309] : memref<79x128xi32, #tpu.memory_space<vmem>> -> memref<1x128xi32, #tpu.memory_space<vmem>>
        %dma_wait3A_311 = tpu.memref_squeeze %dma_wait3A_310 : memref<1x128xi32, #tpu.memory_space<vmem>> -> memref<128xi32, #tpu.memory_space<vmem>>
        %dma_wait3A_312 = arith.constant 0 : i32
        %dma_wait3A_313 = arith.constant 0 : i32
        %dma_wait3A_314 = tpu.memref_slice %arg3[%dma_wait3A_312, %dma_wait3A_313] : memref<10112x64xbf16, #tpu.memory_space<hbm>> -> memref<10112x64xbf16, #tpu.memory_space<hbm>>
        tpu.wait_indirect_dma semaphore(%arg24 : memref<!tpu.dma_semaphore, #tpu.memory_space<semaphore_mem>>) src(%dma_wait3A_314 : memref<10112x64xbf16, #tpu.memory_space<hbm>>) dst(%arg15 : memref<128x64xbf16, #tpu.memory_space<vmem>>)
        %dma_start3A_315 = arith.constant 0 : i32
        %dma_start3A_316 = tpu.memref_slice %arg7[%add3A_224, %dma_start3A_315] : memref<79x128xi32, #tpu.memory_space<vmem>> -> memref<1x128xi32, #tpu.memory_space<vmem>>
        %dma_start3A_317 = tpu.memref_squeeze %dma_start3A_316 : memref<1x128xi32, #tpu.memory_space<vmem>> -> memref<128xi32, #tpu.memory_space<vmem>>
        %dma_start3A_318 = arith.constant 0 : i32
        %dma_start3A_319 = arith.constant 0 : i32
        %dma_start3A_320 = tpu.memref_slice %arg16[%dma_start3A_318, %dma_start3A_319] : memref<10112x64xbf16, #tpu.memory_space<vmem_shared>> -> memref<10112x64xbf16, #tpu.memory_space<vmem_shared>>
        tpu.enqueue_indirect_dma source(%arg15 : memref<128x64xbf16, #tpu.memory_space<vmem>>) target(%dma_start3A_320 : memref<10112x64xbf16, #tpu.memory_space<vmem_shared>>) offsets(%dma_start3A_317 : memref<128xi32, #tpu.memory_space<vmem>>) semaphore(%arg32 : memref<!tpu.dma_semaphore, #tpu.memory_space<semaphore_mem>>) {add = true}
      } else {
      }
      %mul3A_229 = arith.constant 8 : i32
      %mul3A_230 = arith.muli %mul3A_229, %scan3A_167 : i32
      %add3A_231 = arith.constant 0 : i32
      %add3A_232 = arith.addi %mul3A_230, %add3A_231 : i32
      %add3A_233 = arith.constant 8 : i32
      %add3A_234 = arith.addi %add3A_232, %add3A_233 : i32
      %lt3A_235 = arith.cmpi slt, %add3A_234, %sub3A_47 : i32
      %convert_element_type3A_236 = arith.extui %lt3A_235 : i1 to i32
      %cond3A_237 = arith.constant 0 : i32
      %cond3A_238 = arith.cmpi ne, %convert_element_type3A_236, %cond3A_237 : i32
      scf.if %cond3A_238 {
        %dma_wait3A_309 = arith.constant 0 : i32
        %dma_wait3A_310 = arith.constant 0 : i32
        %dma_wait3A_311 = tpu.memref_slice %arg7[%dma_wait3A_309, %dma_wait3A_310] : memref<79x128xi32, #tpu.memory_space<vmem>> -> memref<1x128xi32, #tpu.memory_space<vmem>>
        %dma_wait3A_312 = tpu.memref_squeeze %dma_wait3A_311 : memref<1x128xi32, #tpu.memory_space<vmem>> -> memref<128xi32, #tpu.memory_space<vmem>>
        %dma_wait3A_313 = arith.constant 0 : i32
        %dma_wait3A_314 = arith.constant 0 : i32
        %dma_wait3A_315 = tpu.memref_slice %arg16[%dma_wait3A_313, %dma_wait3A_314] : memref<10112x64xbf16, #tpu.memory_space<vmem_shared>> -> memref<10112x64xbf16, #tpu.memory_space<vmem_shared>>
        tpu.wait_indirect_dma semaphore(%arg25 : memref<!tpu.dma_semaphore, #tpu.memory_space<semaphore_mem>>) src(%arg8 : memref<128x64xbf16, #tpu.memory_space<vmem>>) dst(%dma_wait3A_315 : memref<10112x64xbf16, #tpu.memory_space<vmem_shared>>)
        %dma_start3A_316 = arith.constant 0 : i32
        %dma_start3A_317 = tpu.memref_slice %arg6[%add3A_234, %dma_start3A_316] : memref<79x128xi32, #tpu.memory_space<vmem>> -> memref<1x128xi32, #tpu.memory_space<vmem>>
        %dma_start3A_318 = tpu.memref_squeeze %dma_start3A_317 : memref<1x128xi32, #tpu.memory_space<vmem>> -> memref<128xi32, #tpu.memory_space<vmem>>
        %dma_start3A_319 = arith.constant 0 : i32
        %dma_start3A_320 = arith.constant 0 : i32
        %dma_start3A_321 = tpu.memref_slice %arg3[%dma_start3A_319, %dma_start3A_320] : memref<10112x64xbf16, #tpu.memory_space<hbm>> -> memref<10112x64xbf16, #tpu.memory_space<hbm>>
        tpu.enqueue_indirect_dma source(%dma_start3A_321 : memref<10112x64xbf16, #tpu.memory_space<hbm>>) target(%arg8 : memref<128x64xbf16, #tpu.memory_space<vmem>>) offsets(%dma_start3A_318 : memref<128xi32, #tpu.memory_space<vmem>>) semaphore(%arg17 : memref<!tpu.dma_semaphore, #tpu.memory_space<semaphore_mem>>)
      } else {
      }
      %mul3A_239 = arith.constant 8 : i32
      %mul3A_240 = arith.muli %mul3A_239, %scan3A_167 : i32
      %add3A_241 = arith.constant 1 : i32
      %add3A_242 = arith.addi %mul3A_240, %add3A_241 : i32
      %add3A_243 = arith.constant 8 : i32
      %add3A_244 = arith.addi %add3A_242, %add3A_243 : i32
      %lt3A_245 = arith.cmpi slt, %add3A_244, %sub3A_47 : i32
      %convert_element_type3A_246 = arith.extui %lt3A_245 : i1 to i32
      %cond3A_247 = arith.constant 0 : i32
      %cond3A_248 = arith.cmpi ne, %convert_element_type3A_246, %cond3A_247 : i32
      scf.if %cond3A_248 {
        %dma_wait3A_309 = arith.constant 0 : i32
        %dma_wait3A_310 = arith.constant 0 : i32
        %dma_wait3A_311 = tpu.memref_slice %arg7[%dma_wait3A_309, %dma_wait3A_310] : memref<79x128xi32, #tpu.memory_space<vmem>> -> memref<1x128xi32, #tpu.memory_space<vmem>>
        %dma_wait3A_312 = tpu.memref_squeeze %dma_wait3A_311 : memref<1x128xi32, #tpu.memory_space<vmem>> -> memref<128xi32, #tpu.memory_space<vmem>>
        %dma_wait3A_313 = arith.constant 0 : i32
        %dma_wait3A_314 = arith.constant 0 : i32
        %dma_wait3A_315 = tpu.memref_slice %arg16[%dma_wait3A_313, %dma_wait3A_314] : memref<10112x64xbf16, #tpu.memory_space<vmem_shared>> -> memref<10112x64xbf16, #tpu.memory_space<vmem_shared>>
        tpu.wait_indirect_dma semaphore(%arg26 : memref<!tpu.dma_semaphore, #tpu.memory_space<semaphore_mem>>) src(%arg9 : memref<128x64xbf16, #tpu.memory_space<vmem>>) dst(%dma_wait3A_315 : memref<10112x64xbf16, #tpu.memory_space<vmem_shared>>)
        %dma_start3A_316 = arith.constant 0 : i32
        %dma_start3A_317 = tpu.memref_slice %arg6[%add3A_244, %dma_start3A_316] : memref<79x128xi32, #tpu.memory_space<vmem>> -> memref<1x128xi32, #tpu.memory_space<vmem>>
        %dma_start3A_318 = tpu.memref_squeeze %dma_start3A_317 : memref<1x128xi32, #tpu.memory_space<vmem>> -> memref<128xi32, #tpu.memory_space<vmem>>
        %dma_start3A_319 = arith.constant 0 : i32
        %dma_start3A_320 = arith.constant 0 : i32
        %dma_start3A_321 = tpu.memref_slice %arg3[%dma_start3A_319, %dma_start3A_320] : memref<10112x64xbf16, #tpu.memory_space<hbm>> -> memref<10112x64xbf16, #tpu.memory_space<hbm>>
        tpu.enqueue_indirect_dma source(%dma_start3A_321 : memref<10112x64xbf16, #tpu.memory_space<hbm>>) target(%arg9 : memref<128x64xbf16, #tpu.memory_space<vmem>>) offsets(%dma_start3A_318 : memref<128xi32, #tpu.memory_space<vmem>>) semaphore(%arg18 : memref<!tpu.dma_semaphore, #tpu.memory_space<semaphore_mem>>)
      } else {
      }
      %mul3A_249 = arith.constant 8 : i32
      %mul3A_250 = arith.muli %mul3A_249, %scan3A_167 : i32
      %add3A_251 = arith.constant 2 : i32
      %add3A_252 = arith.addi %mul3A_250, %add3A_251 : i32
      %add3A_253 = arith.constant 8 : i32
      %add3A_254 = arith.addi %add3A_252, %add3A_253 : i32
      %lt3A_255 = arith.cmpi slt, %add3A_254, %sub3A_47 : i32
      %convert_element_type3A_256 = arith.extui %lt3A_255 : i1 to i32
      %cond3A_257 = arith.constant 0 : i32
      %cond3A_258 = arith.cmpi ne, %convert_element_type3A_256, %cond3A_257 : i32
      scf.if %cond3A_258 {
        %dma_wait3A_309 = arith.constant 0 : i32
        %dma_wait3A_310 = arith.constant 0 : i32
        %dma_wait3A_311 = tpu.memref_slice %arg7[%dma_wait3A_309, %dma_wait3A_310] : memref<79x128xi32, #tpu.memory_space<vmem>> -> memref<1x128xi32, #tpu.memory_space<vmem>>
        %dma_wait3A_312 = tpu.memref_squeeze %dma_wait3A_311 : memref<1x128xi32, #tpu.memory_space<vmem>> -> memref<128xi32, #tpu.memory_space<vmem>>
        %dma_wait3A_313 = arith.constant 0 : i32
        %dma_wait3A_314 = arith.constant 0 : i32
        %dma_wait3A_315 = tpu.memref_slice %arg16[%dma_wait3A_313, %dma_wait3A_314] : memref<10112x64xbf16, #tpu.memory_space<vmem_shared>> -> memref<10112x64xbf16, #tpu.memory_space<vmem_shared>>
        tpu.wait_indirect_dma semaphore(%arg27 : memref<!tpu.dma_semaphore, #tpu.memory_space<semaphore_mem>>) src(%arg10 : memref<128x64xbf16, #tpu.memory_space<vmem>>) dst(%dma_wait3A_315 : memref<10112x64xbf16, #tpu.memory_space<vmem_shared>>)
        %dma_start3A_316 = arith.constant 0 : i32
        %dma_start3A_317 = tpu.memref_slice %arg6[%add3A_254, %dma_start3A_316] : memref<79x128xi32, #tpu.memory_space<vmem>> -> memref<1x128xi32, #tpu.memory_space<vmem>>
        %dma_start3A_318 = tpu.memref_squeeze %dma_start3A_317 : memref<1x128xi32, #tpu.memory_space<vmem>> -> memref<128xi32, #tpu.memory_space<vmem>>
        %dma_start3A_319 = arith.constant 0 : i32
        %dma_start3A_320 = arith.constant 0 : i32
        %dma_start3A_321 = tpu.memref_slice %arg3[%dma_start3A_319, %dma_start3A_320] : memref<10112x64xbf16, #tpu.memory_space<hbm>> -> memref<10112x64xbf16, #tpu.memory_space<hbm>>
        tpu.enqueue_indirect_dma source(%dma_start3A_321 : memref<10112x64xbf16, #tpu.memory_space<hbm>>) target(%arg10 : memref<128x64xbf16, #tpu.memory_space<vmem>>) offsets(%dma_start3A_318 : memref<128xi32, #tpu.memory_space<vmem>>) semaphore(%arg19 : memref<!tpu.dma_semaphore, #tpu.memory_space<semaphore_mem>>)
      } else {
      }
      %mul3A_259 = arith.constant 8 : i32
      %mul3A_260 = arith.muli %mul3A_259, %scan3A_167 : i32
      %add3A_261 = arith.constant 3 : i32
      %add3A_262 = arith.addi %mul3A_260, %add3A_261 : i32
      %add3A_263 = arith.constant 8 : i32
      %add3A_264 = arith.addi %add3A_262, %add3A_263 : i32
      %lt3A_265 = arith.cmpi slt, %add3A_264, %sub3A_47 : i32
      %convert_element_type3A_266 = arith.extui %lt3A_265 : i1 to i32
      %cond3A_267 = arith.constant 0 : i32
      %cond3A_268 = arith.cmpi ne, %convert_element_type3A_266, %cond3A_267 : i32
      scf.if %cond3A_268 {
        %dma_wait3A_309 = arith.constant 0 : i32
        %dma_wait3A_310 = arith.constant 0 : i32
        %dma_wait3A_311 = tpu.memref_slice %arg7[%dma_wait3A_309, %dma_wait3A_310] : memref<79x128xi32, #tpu.memory_space<vmem>> -> memref<1x128xi32, #tpu.memory_space<vmem>>
        %dma_wait3A_312 = tpu.memref_squeeze %dma_wait3A_311 : memref<1x128xi32, #tpu.memory_space<vmem>> -> memref<128xi32, #tpu.memory_space<vmem>>
        %dma_wait3A_313 = arith.constant 0 : i32
        %dma_wait3A_314 = arith.constant 0 : i32
        %dma_wait3A_315 = tpu.memref_slice %arg16[%dma_wait3A_313, %dma_wait3A_314] : memref<10112x64xbf16, #tpu.memory_space<vmem_shared>> -> memref<10112x64xbf16, #tpu.memory_space<vmem_shared>>
        tpu.wait_indirect_dma semaphore(%arg28 : memref<!tpu.dma_semaphore, #tpu.memory_space<semaphore_mem>>) src(%arg11 : memref<128x64xbf16, #tpu.memory_space<vmem>>) dst(%dma_wait3A_315 : memref<10112x64xbf16, #tpu.memory_space<vmem_shared>>)
        %dma_start3A_316 = arith.constant 0 : i32
        %dma_start3A_317 = tpu.memref_slice %arg6[%add3A_264, %dma_start3A_316] : memref<79x128xi32, #tpu.memory_space<vmem>> -> memref<1x128xi32, #tpu.memory_space<vmem>>
        %dma_start3A_318 = tpu.memref_squeeze %dma_start3A_317 : memref<1x128xi32, #tpu.memory_space<vmem>> -> memref<128xi32, #tpu.memory_space<vmem>>
        %dma_start3A_319 = arith.constant 0 : i32
        %dma_start3A_320 = arith.constant 0 : i32
        %dma_start3A_321 = tpu.memref_slice %arg3[%dma_start3A_319, %dma_start3A_320] : memref<10112x64xbf16, #tpu.memory_space<hbm>> -> memref<10112x64xbf16, #tpu.memory_space<hbm>>
        tpu.enqueue_indirect_dma source(%dma_start3A_321 : memref<10112x64xbf16, #tpu.memory_space<hbm>>) target(%arg11 : memref<128x64xbf16, #tpu.memory_space<vmem>>) offsets(%dma_start3A_318 : memref<128xi32, #tpu.memory_space<vmem>>) semaphore(%arg20 : memref<!tpu.dma_semaphore, #tpu.memory_space<semaphore_mem>>)
      } else {
      }
      %mul3A_269 = arith.constant 8 : i32
      %mul3A_270 = arith.muli %mul3A_269, %scan3A_167 : i32
      %add3A_271 = arith.constant 4 : i32
      %add3A_272 = arith.addi %mul3A_270, %add3A_271 : i32
      %add3A_273 = arith.constant 8 : i32
      %add3A_274 = arith.addi %add3A_272, %add3A_273 : i32
      %lt3A_275 = arith.cmpi slt, %add3A_274, %sub3A_47 : i32
      %convert_element_type3A_276 = arith.extui %lt3A_275 : i1 to i32
      %cond3A_277 = arith.constant 0 : i32
      %cond3A_278 = arith.cmpi ne, %convert_element_type3A_276, %cond3A_277 : i32
      scf.if %cond3A_278 {
        %dma_wait3A_309 = arith.constant 0 : i32
        %dma_wait3A_310 = arith.constant 0 : i32
        %dma_wait3A_311 = tpu.memref_slice %arg7[%dma_wait3A_309, %dma_wait3A_310] : memref<79x128xi32, #tpu.memory_space<vmem>> -> memref<1x128xi32, #tpu.memory_space<vmem>>
        %dma_wait3A_312 = tpu.memref_squeeze %dma_wait3A_311 : memref<1x128xi32, #tpu.memory_space<vmem>> -> memref<128xi32, #tpu.memory_space<vmem>>
        %dma_wait3A_313 = arith.constant 0 : i32
        %dma_wait3A_314 = arith.constant 0 : i32
        %dma_wait3A_315 = tpu.memref_slice %arg16[%dma_wait3A_313, %dma_wait3A_314] : memref<10112x64xbf16, #tpu.memory_space<vmem_shared>> -> memref<10112x64xbf16, #tpu.memory_space<vmem_shared>>
        tpu.wait_indirect_dma semaphore(%arg29 : memref<!tpu.dma_semaphore, #tpu.memory_space<semaphore_mem>>) src(%arg12 : memref<128x64xbf16, #tpu.memory_space<vmem>>) dst(%dma_wait3A_315 : memref<10112x64xbf16, #tpu.memory_space<vmem_shared>>)
        %dma_start3A_316 = arith.constant 0 : i32
        %dma_start3A_317 = tpu.memref_slice %arg6[%add3A_274, %dma_start3A_316] : memref<79x128xi32, #tpu.memory_space<vmem>> -> memref<1x128xi32, #tpu.memory_space<vmem>>
        %dma_start3A_318 = tpu.memref_squeeze %dma_start3A_317 : memref<1x128xi32, #tpu.memory_space<vmem>> -> memref<128xi32, #tpu.memory_space<vmem>>
        %dma_start3A_319 = arith.constant 0 : i32
        %dma_start3A_320 = arith.constant 0 : i32
        %dma_start3A_321 = tpu.memref_slice %arg3[%dma_start3A_319, %dma_start3A_320] : memref<10112x64xbf16, #tpu.memory_space<hbm>> -> memref<10112x64xbf16, #tpu.memory_space<hbm>>
        tpu.enqueue_indirect_dma source(%dma_start3A_321 : memref<10112x64xbf16, #tpu.memory_space<hbm>>) target(%arg12 : memref<128x64xbf16, #tpu.memory_space<vmem>>) offsets(%dma_start3A_318 : memref<128xi32, #tpu.memory_space<vmem>>) semaphore(%arg21 : memref<!tpu.dma_semaphore, #tpu.memory_space<semaphore_mem>>)
      } else {
      }
      %mul3A_279 = arith.constant 8 : i32
      %mul3A_280 = arith.muli %mul3A_279, %scan3A_167 : i32
      %add3A_281 = arith.constant 5 : i32
      %add3A_282 = arith.addi %mul3A_280, %add3A_281 : i32
      %add3A_283 = arith.constant 8 : i32
      %add3A_284 = arith.addi %add3A_282, %add3A_283 : i32
      %lt3A_285 = arith.cmpi slt, %add3A_284, %sub3A_47 : i32
      %convert_element_type3A_286 = arith.extui %lt3A_285 : i1 to i32
      %cond3A_287 = arith.constant 0 : i32
      %cond3A_288 = arith.cmpi ne, %convert_element_type3A_286, %cond3A_287 : i32
      scf.if %cond3A_288 {
        %dma_wait3A_309 = arith.constant 0 : i32
        %dma_wait3A_310 = arith.constant 0 : i32
        %dma_wait3A_311 = tpu.memref_slice %arg7[%dma_wait3A_309, %dma_wait3A_310] : memref<79x128xi32, #tpu.memory_space<vmem>> -> memref<1x128xi32, #tpu.memory_space<vmem>>
        %dma_wait3A_312 = tpu.memref_squeeze %dma_wait3A_311 : memref<1x128xi32, #tpu.memory_space<vmem>> -> memref<128xi32, #tpu.memory_space<vmem>>
        %dma_wait3A_313 = arith.constant 0 : i32
        %dma_wait3A_314 = arith.constant 0 : i32
        %dma_wait3A_315 = tpu.memref_slice %arg16[%dma_wait3A_313, %dma_wait3A_314] : memref<10112x64xbf16, #tpu.memory_space<vmem_shared>> -> memref<10112x64xbf16, #tpu.memory_space<vmem_shared>>
        tpu.wait_indirect_dma semaphore(%arg30 : memref<!tpu.dma_semaphore, #tpu.memory_space<semaphore_mem>>) src(%arg13 : memref<128x64xbf16, #tpu.memory_space<vmem>>) dst(%dma_wait3A_315 : memref<10112x64xbf16, #tpu.memory_space<vmem_shared>>)
        %dma_start3A_316 = arith.constant 0 : i32
        %dma_start3A_317 = tpu.memref_slice %arg6[%add3A_284, %dma_start3A_316] : memref<79x128xi32, #tpu.memory_space<vmem>> -> memref<1x128xi32, #tpu.memory_space<vmem>>
        %dma_start3A_318 = tpu.memref_squeeze %dma_start3A_317 : memref<1x128xi32, #tpu.memory_space<vmem>> -> memref<128xi32, #tpu.memory_space<vmem>>
        %dma_start3A_319 = arith.constant 0 : i32
        %dma_start3A_320 = arith.constant 0 : i32
        %dma_start3A_321 = tpu.memref_slice %arg3[%dma_start3A_319, %dma_start3A_320] : memref<10112x64xbf16, #tpu.memory_space<hbm>> -> memref<10112x64xbf16, #tpu.memory_space<hbm>>
        tpu.enqueue_indirect_dma source(%dma_start3A_321 : memref<10112x64xbf16, #tpu.memory_space<hbm>>) target(%arg13 : memref<128x64xbf16, #tpu.memory_space<vmem>>) offsets(%dma_start3A_318 : memref<128xi32, #tpu.memory_space<vmem>>) semaphore(%arg22 : memref<!tpu.dma_semaphore, #tpu.memory_space<semaphore_mem>>)
      } else {
      }
      %mul3A_289 = arith.constant 8 : i32
      %mul3A_290 = arith.muli %mul3A_289, %scan3A_167 : i32
      %add3A_291 = arith.constant 6 : i32
      %add3A_292 = arith.addi %mul3A_290, %add3A_291 : i32
      %add3A_293 = arith.constant 8 : i32
      %add3A_294 = arith.addi %add3A_292, %add3A_293 : i32
      %lt3A_295 = arith.cmpi slt, %add3A_294, %sub3A_47 : i32
      %convert_element_type3A_296 = arith.extui %lt3A_295 : i1 to i32
      %cond3A_297 = arith.constant 0 : i32
      %cond3A_298 = arith.cmpi ne, %convert_element_type3A_296, %cond3A_297 : i32
      scf.if %cond3A_298 {
        %dma_wait3A_309 = arith.constant 0 : i32
        %dma_wait3A_310 = arith.constant 0 : i32
        %dma_wait3A_311 = tpu.memref_slice %arg7[%dma_wait3A_309, %dma_wait3A_310] : memref<79x128xi32, #tpu.memory_space<vmem>> -> memref<1x128xi32, #tpu.memory_space<vmem>>
        %dma_wait3A_312 = tpu.memref_squeeze %dma_wait3A_311 : memref<1x128xi32, #tpu.memory_space<vmem>> -> memref<128xi32, #tpu.memory_space<vmem>>
        %dma_wait3A_313 = arith.constant 0 : i32
        %dma_wait3A_314 = arith.constant 0 : i32
        %dma_wait3A_315 = tpu.memref_slice %arg16[%dma_wait3A_313, %dma_wait3A_314] : memref<10112x64xbf16, #tpu.memory_space<vmem_shared>> -> memref<10112x64xbf16, #tpu.memory_space<vmem_shared>>
        tpu.wait_indirect_dma semaphore(%arg31 : memref<!tpu.dma_semaphore, #tpu.memory_space<semaphore_mem>>) src(%arg14 : memref<128x64xbf16, #tpu.memory_space<vmem>>) dst(%dma_wait3A_315 : memref<10112x64xbf16, #tpu.memory_space<vmem_shared>>)
        %dma_start3A_316 = arith.constant 0 : i32
        %dma_start3A_317 = tpu.memref_slice %arg6[%add3A_294, %dma_start3A_316] : memref<79x128xi32, #tpu.memory_space<vmem>> -> memref<1x128xi32, #tpu.memory_space<vmem>>
        %dma_start3A_318 = tpu.memref_squeeze %dma_start3A_317 : memref<1x128xi32, #tpu.memory_space<vmem>> -> memref<128xi32, #tpu.memory_space<vmem>>
        %dma_start3A_319 = arith.constant 0 : i32
        %dma_start3A_320 = arith.constant 0 : i32
        %dma_start3A_321 = tpu.memref_slice %arg3[%dma_start3A_319, %dma_start3A_320] : memref<10112x64xbf16, #tpu.memory_space<hbm>> -> memref<10112x64xbf16, #tpu.memory_space<hbm>>
        tpu.enqueue_indirect_dma source(%dma_start3A_321 : memref<10112x64xbf16, #tpu.memory_space<hbm>>) target(%arg14 : memref<128x64xbf16, #tpu.memory_space<vmem>>) offsets(%dma_start3A_318 : memref<128xi32, #tpu.memory_space<vmem>>) semaphore(%arg23 : memref<!tpu.dma_semaphore, #tpu.memory_space<semaphore_mem>>)
      } else {
      }
      %mul3A_299 = arith.constant 8 : i32
      %mul3A_300 = arith.muli %mul3A_299, %scan3A_167 : i32
      %add3A_301 = arith.constant 7 : i32
      %add3A_302 = arith.addi %mul3A_300, %add3A_301 : i32
      %add3A_303 = arith.constant 8 : i32
      %add3A_304 = arith.addi %add3A_302, %add3A_303 : i32
      %lt3A_305 = arith.cmpi slt, %add3A_304, %sub3A_47 : i32
      %convert_element_type3A_306 = arith.extui %lt3A_305 : i1 to i32
      %cond3A_307 = arith.constant 0 : i32
      %cond3A_308 = arith.cmpi ne, %convert_element_type3A_306, %cond3A_307 : i32
      scf.if %cond3A_308 {
        %dma_wait3A_309 = arith.constant 0 : i32
        %dma_wait3A_310 = arith.constant 0 : i32
        %dma_wait3A_311 = tpu.memref_slice %arg7[%dma_wait3A_309, %dma_wait3A_310] : memref<79x128xi32, #tpu.memory_space<vmem>> -> memref<1x128xi32, #tpu.memory_space<vmem>>
        %dma_wait3A_312 = tpu.memref_squeeze %dma_wait3A_311 : memref<1x128xi32, #tpu.memory_space<vmem>> -> memref<128xi32, #tpu.memory_space<vmem>>
        %dma_wait3A_313 = arith.constant 0 : i32
        %dma_wait3A_314 = arith.constant 0 : i32
        %dma_wait3A_315 = tpu.memref_slice %arg16[%dma_wait3A_313, %dma_wait3A_314] : memref<10112x64xbf16, #tpu.memory_space<vmem_shared>> -> memref<10112x64xbf16, #tpu.memory_space<vmem_shared>>
        tpu.wait_indirect_dma semaphore(%arg32 : memref<!tpu.dma_semaphore, #tpu.memory_space<semaphore_mem>>) src(%arg15 : memref<128x64xbf16, #tpu.memory_space<vmem>>) dst(%dma_wait3A_315 : memref<10112x64xbf16, #tpu.memory_space<vmem_shared>>)
        %dma_start3A_316 = arith.constant 0 : i32
        %dma_start3A_317 = tpu.memref_slice %arg6[%add3A_304, %dma_start3A_316] : memref<79x128xi32, #tpu.memory_space<vmem>> -> memref<1x128xi32, #tpu.memory_space<vmem>>
        %dma_start3A_318 = tpu.memref_squeeze %dma_start3A_317 : memref<1x128xi32, #tpu.memory_space<vmem>> -> memref<128xi32, #tpu.memory_space<vmem>>
        %dma_start3A_319 = arith.constant 0 : i32
        %dma_start3A_320 = arith.constant 0 : i32
        %dma_start3A_321 = tpu.memref_slice %arg3[%dma_start3A_319, %dma_start3A_320] : memref<10112x64xbf16, #tpu.memory_space<hbm>> -> memref<10112x64xbf16, #tpu.memory_space<hbm>>
        tpu.enqueue_indirect_dma source(%dma_start3A_321 : memref<10112x64xbf16, #tpu.memory_space<hbm>>) target(%arg15 : memref<128x64xbf16, #tpu.memory_space<vmem>>) offsets(%dma_start3A_318 : memref<128xi32, #tpu.memory_space<vmem>>) semaphore(%arg24 : memref<!tpu.dma_semaphore, #tpu.memory_space<semaphore_mem>>)
      } else {
      }
    }
    %scan3A_110 = arith.constant 10 : i32
    %dma_wait3A = arith.constant 0 : i32
    %dma_wait3A_111 = arith.constant 0 : i32
    %dma_wait3A_112 = tpu.memref_slice %arg7[%dma_wait3A, %dma_wait3A_111] : memref<79x128xi32, #tpu.memory_space<vmem>> -> memref<1x128xi32, #tpu.memory_space<vmem>>
    %dma_wait3A_113 = tpu.memref_squeeze %dma_wait3A_112 : memref<1x128xi32, #tpu.memory_space<vmem>> -> memref<128xi32, #tpu.memory_space<vmem>>
    %dma_wait3A_114 = arith.constant 0 : i32
    %dma_wait3A_115 = arith.constant 0 : i32
    %dma_wait3A_116 = tpu.memref_slice %arg16[%dma_wait3A_114, %dma_wait3A_115] : memref<10112x64xbf16, #tpu.memory_space<vmem_shared>> -> memref<10112x64xbf16, #tpu.memory_space<vmem_shared>>
    tpu.wait_indirect_dma semaphore(%arg25 : memref<!tpu.dma_semaphore, #tpu.memory_space<semaphore_mem>>) src(%arg8 : memref<128x64xbf16, #tpu.memory_space<vmem>>) dst(%dma_wait3A_116 : memref<10112x64xbf16, #tpu.memory_space<vmem_shared>>)
    %dma_wait3A_117 = arith.constant 0 : i32
    %dma_wait3A_118 = arith.constant 0 : i32
    %dma_wait3A_119 = tpu.memref_slice %arg7[%dma_wait3A_117, %dma_wait3A_118] : memref<79x128xi32, #tpu.memory_space<vmem>> -> memref<1x128xi32, #tpu.memory_space<vmem>>
    %dma_wait3A_120 = tpu.memref_squeeze %dma_wait3A_119 : memref<1x128xi32, #tpu.memory_space<vmem>> -> memref<128xi32, #tpu.memory_space<vmem>>
    %dma_wait3A_121 = arith.constant 0 : i32
    %dma_wait3A_122 = arith.constant 0 : i32
    %dma_wait3A_123 = tpu.memref_slice %arg16[%dma_wait3A_121, %dma_wait3A_122] : memref<10112x64xbf16, #tpu.memory_space<vmem_shared>> -> memref<10112x64xbf16, #tpu.memory_space<vmem_shared>>
    tpu.wait_indirect_dma semaphore(%arg26 : memref<!tpu.dma_semaphore, #tpu.memory_space<semaphore_mem>>) src(%arg9 : memref<128x64xbf16, #tpu.memory_space<vmem>>) dst(%dma_wait3A_123 : memref<10112x64xbf16, #tpu.memory_space<vmem_shared>>)
    %dma_wait3A_124 = arith.constant 0 : i32
    %dma_wait3A_125 = arith.constant 0 : i32
    %dma_wait3A_126 = tpu.memref_slice %arg7[%dma_wait3A_124, %dma_wait3A_125] : memref<79x128xi32, #tpu.memory_space<vmem>> -> memref<1x128xi32, #tpu.memory_space<vmem>>
    %dma_wait3A_127 = tpu.memref_squeeze %dma_wait3A_126 : memref<1x128xi32, #tpu.memory_space<vmem>> -> memref<128xi32, #tpu.memory_space<vmem>>
    %dma_wait3A_128 = arith.constant 0 : i32
    %dma_wait3A_129 = arith.constant 0 : i32
    %dma_wait3A_130 = tpu.memref_slice %arg16[%dma_wait3A_128, %dma_wait3A_129] : memref<10112x64xbf16, #tpu.memory_space<vmem_shared>> -> memref<10112x64xbf16, #tpu.memory_space<vmem_shared>>
    tpu.wait_indirect_dma semaphore(%arg27 : memref<!tpu.dma_semaphore, #tpu.memory_space<semaphore_mem>>) src(%arg10 : memref<128x64xbf16, #tpu.memory_space<vmem>>) dst(%dma_wait3A_130 : memref<10112x64xbf16, #tpu.memory_space<vmem_shared>>)
    %dma_wait3A_131 = arith.constant 0 : i32
    %dma_wait3A_132 = arith.constant 0 : i32
    %dma_wait3A_133 = tpu.memref_slice %arg7[%dma_wait3A_131, %dma_wait3A_132] : memref<79x128xi32, #tpu.memory_space<vmem>> -> memref<1x128xi32, #tpu.memory_space<vmem>>
    %dma_wait3A_134 = tpu.memref_squeeze %dma_wait3A_133 : memref<1x128xi32, #tpu.memory_space<vmem>> -> memref<128xi32, #tpu.memory_space<vmem>>
    %dma_wait3A_135 = arith.constant 0 : i32
    %dma_wait3A_136 = arith.constant 0 : i32
    %dma_wait3A_137 = tpu.memref_slice %arg16[%dma_wait3A_135, %dma_wait3A_136] : memref<10112x64xbf16, #tpu.memory_space<vmem_shared>> -> memref<10112x64xbf16, #tpu.memory_space<vmem_shared>>
    tpu.wait_indirect_dma semaphore(%arg28 : memref<!tpu.dma_semaphore, #tpu.memory_space<semaphore_mem>>) src(%arg11 : memref<128x64xbf16, #tpu.memory_space<vmem>>) dst(%dma_wait3A_137 : memref<10112x64xbf16, #tpu.memory_space<vmem_shared>>)
    %dma_wait3A_138 = arith.constant 0 : i32
    %dma_wait3A_139 = arith.constant 0 : i32
    %dma_wait3A_140 = tpu.memref_slice %arg7[%dma_wait3A_138, %dma_wait3A_139] : memref<79x128xi32, #tpu.memory_space<vmem>> -> memref<1x128xi32, #tpu.memory_space<vmem>>
    %dma_wait3A_141 = tpu.memref_squeeze %dma_wait3A_140 : memref<1x128xi32, #tpu.memory_space<vmem>> -> memref<128xi32, #tpu.memory_space<vmem>>
    %dma_wait3A_142 = arith.constant 0 : i32
    %dma_wait3A_143 = arith.constant 0 : i32
    %dma_wait3A_144 = tpu.memref_slice %arg16[%dma_wait3A_142, %dma_wait3A_143] : memref<10112x64xbf16, #tpu.memory_space<vmem_shared>> -> memref<10112x64xbf16, #tpu.memory_space<vmem_shared>>
    tpu.wait_indirect_dma semaphore(%arg29 : memref<!tpu.dma_semaphore, #tpu.memory_space<semaphore_mem>>) src(%arg12 : memref<128x64xbf16, #tpu.memory_space<vmem>>) dst(%dma_wait3A_144 : memref<10112x64xbf16, #tpu.memory_space<vmem_shared>>)
    %dma_wait3A_145 = arith.constant 0 : i32
    %dma_wait3A_146 = arith.constant 0 : i32
    %dma_wait3A_147 = tpu.memref_slice %arg7[%dma_wait3A_145, %dma_wait3A_146] : memref<79x128xi32, #tpu.memory_space<vmem>> -> memref<1x128xi32, #tpu.memory_space<vmem>>
    %dma_wait3A_148 = tpu.memref_squeeze %dma_wait3A_147 : memref<1x128xi32, #tpu.memory_space<vmem>> -> memref<128xi32, #tpu.memory_space<vmem>>
    %dma_wait3A_149 = arith.constant 0 : i32
    %dma_wait3A_150 = arith.constant 0 : i32
    %dma_wait3A_151 = tpu.memref_slice %arg16[%dma_wait3A_149, %dma_wait3A_150] : memref<10112x64xbf16, #tpu.memory_space<vmem_shared>> -> memref<10112x64xbf16, #tpu.memory_space<vmem_shared>>
    tpu.wait_indirect_dma semaphore(%arg30 : memref<!tpu.dma_semaphore, #tpu.memory_space<semaphore_mem>>) src(%arg13 : memref<128x64xbf16, #tpu.memory_space<vmem>>) dst(%dma_wait3A_151 : memref<10112x64xbf16, #tpu.memory_space<vmem_shared>>)
    %dma_wait3A_152 = arith.constant 0 : i32
    %dma_wait3A_153 = arith.constant 0 : i32
    %dma_wait3A_154 = tpu.memref_slice %arg7[%dma_wait3A_152, %dma_wait3A_153] : memref<79x128xi32, #tpu.memory_space<vmem>> -> memref<1x128xi32, #tpu.memory_space<vmem>>
    %dma_wait3A_155 = tpu.memref_squeeze %dma_wait3A_154 : memref<1x128xi32, #tpu.memory_space<vmem>> -> memref<128xi32, #tpu.memory_space<vmem>>
    %dma_wait3A_156 = arith.constant 0 : i32
    %dma_wait3A_157 = arith.constant 0 : i32
    %dma_wait3A_158 = tpu.memref_slice %arg16[%dma_wait3A_156, %dma_wait3A_157] : memref<10112x64xbf16, #tpu.memory_space<vmem_shared>> -> memref<10112x64xbf16, #tpu.memory_space<vmem_shared>>
    tpu.wait_indirect_dma semaphore(%arg31 : memref<!tpu.dma_semaphore, #tpu.memory_space<semaphore_mem>>) src(%arg14 : memref<128x64xbf16, #tpu.memory_space<vmem>>) dst(%dma_wait3A_158 : memref<10112x64xbf16, #tpu.memory_space<vmem_shared>>)
    %dma_wait3A_159 = arith.constant 0 : i32
    %dma_wait3A_160 = arith.constant 0 : i32
    %dma_wait3A_161 = tpu.memref_slice %arg7[%dma_wait3A_159, %dma_wait3A_160] : memref<79x128xi32, #tpu.memory_space<vmem>> -> memref<1x128xi32, #tpu.memory_space<vmem>>
    %dma_wait3A_162 = tpu.memref_squeeze %dma_wait3A_161 : memref<1x128xi32, #tpu.memory_space<vmem>> -> memref<128xi32, #tpu.memory_space<vmem>>
    %dma_wait3A_163 = arith.constant 0 : i32
    %dma_wait3A_164 = arith.constant 0 : i32
    %dma_wait3A_165 = tpu.memref_slice %arg16[%dma_wait3A_163, %dma_wait3A_164] : memref<10112x64xbf16, #tpu.memory_space<vmem_shared>> -> memref<10112x64xbf16, #tpu.memory_space<vmem_shared>>
    tpu.wait_indirect_dma semaphore(%arg32 : memref<!tpu.dma_semaphore, #tpu.memory_space<semaphore_mem>>) src(%arg15 : memref<128x64xbf16, #tpu.memory_space<vmem>>) dst(%dma_wait3A_165 : memref<10112x64xbf16, #tpu.memory_space<vmem_shared>>)
    %barrier3A_166 = arith.constant 0 : index
    tpu.barrier barrier_id(%barrier3A_166)
    "tpu.region"() ({
      %run_scoped3A_167 = tpu.sem_alloc : memref<!tpu.dma_semaphore, #tpu.memory_space<semaphore_mem>>
      %dma_start3A_168 = arith.constant 0 : i32
      %dma_start3A_169 = tpu.memref_slice %arg5[%arg0, %mul3A_50, %dma_start3A_168] : memref<2x10112x64xbf16, #tpu.memory_space<hbm>> -> memref<1x632x64xbf16, #tpu.memory_space<hbm>>
      %dma_start3A_170 = tpu.memref_squeeze %dma_start3A_169 : memref<1x632x64xbf16, #tpu.memory_space<hbm>> -> memref<632x64xbf16, #tpu.memory_space<hbm>>
      %dma_start3A_171 = arith.constant 0 : i32
      %dma_start3A_172 = tpu.memref_slice %arg16[%mul3A_50, %dma_start3A_171] : memref<10112x64xbf16, #tpu.memory_space<vmem_shared>> -> memref<632x64xbf16, #tpu.memory_space<vmem_shared>>
      tpu.enqueue_dma source(%dma_start3A_172 : memref<632x64xbf16, #tpu.memory_space<vmem_shared>>) target(%dma_start3A_170 : memref<632x64xbf16, #tpu.memory_space<hbm>>) target_semaphore(%run_scoped3A_167 : memref<!tpu.dma_semaphore, #tpu.memory_space<semaphore_mem>>)
      %dma_wait3A_173 = arith.constant 0 : i32
      %dma_wait3A_174 = tpu.memref_slice %arg5[%arg0, %mul3A_50, %dma_wait3A_173] : memref<2x10112x64xbf16, #tpu.memory_space<hbm>> -> memref<1x632x64xbf16, #tpu.memory_space<hbm>>
      %dma_wait3A_175 = tpu.memref_squeeze %dma_wait3A_174 : memref<1x632x64xbf16, #tpu.memory_space<hbm>> -> memref<632x64xbf16, #tpu.memory_space<hbm>>
      %dma_wait3A_176 = arith.constant 0 : i32
      %dma_wait3A_177 = tpu.memref_slice %arg16[%mul3A_50, %dma_wait3A_176] : memref<10112x64xbf16, #tpu.memory_space<vmem_shared>> -> memref<632x64xbf16, #tpu.memory_space<vmem_shared>>
      tpu.wait_dma2 semaphore(%run_scoped3A_167 : memref<!tpu.dma_semaphore, #tpu.memory_space<semaphore_mem>>) src(%dma_wait3A_177 : memref<632x64xbf16, #tpu.memory_space<vmem_shared>>) dst(%dma_wait3A_175 : memref<632x64xbf16, #tpu.memory_space<hbm>>)
      tpu.yield
    }) : () -> ()
    return
  }
}

#map = affine_map<(d0, d1) -> (0, 0, 0)>
#map1 = affine_map<(d0, d1) -> (0, 0)>
module attributes {stable_mosaic.version = 14 : i64} {
  func.func @agg(%arg0: i32, %arg1: i32, %arg2: memref<2x2500x128xi32, #tpu.memory_space<hbm>>, %arg3: memref<10112x64xbf16, #tpu.memory_space<hbm>>, %arg4: memref<10112x64xbf16, #tpu.memory_space<hbm>>, %arg5: memref<2x10112x64xbf16, #tpu.memory_space<hbm>>, %arg6: memref<79x128xi32, #tpu.memory_space<vmem>>, %arg7: memref<79x128xi32, #tpu.memory_space<vmem>>, %arg8: memref<128x64xbf16, #tpu.memory_space<vmem>>, %arg9: memref<128x64xbf16, #tpu.memory_space<vmem>>, %arg10: memref<128x64xbf16, #tpu.memory_space<vmem>>, %arg11: memref<128x64xbf16, #tpu.memory_space<vmem>>, %arg12: memref<128x64xbf16, #tpu.memory_space<vmem>>, %arg13: memref<128x64xbf16, #tpu.memory_space<vmem>>, %arg14: memref<128x64xbf16, #tpu.memory_space<vmem>>, %arg15: memref<128x64xbf16, #tpu.memory_space<vmem>>, %arg16: memref<10112x64xbf16, #tpu.memory_space<vmem_shared>>, %arg17: memref<!tpu.dma_semaphore, #tpu.memory_space<semaphore_mem>>, %arg18: memref<!tpu.dma_semaphore, #tpu.memory_space<semaphore_mem>>, %arg19: memref<!tpu.dma_semaphore, #tpu.memory_space<semaphore_mem>>, %arg20: memref<!tpu.dma_semaphore, #tpu.memory_space<semaphore_mem>>, %arg21: memref<!tpu.dma_semaphore, #tpu.memory_space<semaphore_mem>>, %arg22: memref<!tpu.dma_semaphore, #tpu.memory_space<semaphore_mem>>, %arg23: memref<!tpu.dma_semaphore, #tpu.memory_space<semaphore_mem>>, %arg24: memref<!tpu.dma_semaphore, #tpu.memory_space<semaphore_mem>>, %arg25: memref<!tpu.dma_semaphore, #tpu.memory_space<semaphore_mem>>, %arg26: memref<!tpu.dma_semaphore, #tpu.memory_space<semaphore_mem>>, %arg27: memref<!tpu.dma_semaphore, #tpu.memory_space<semaphore_mem>>, %arg28: memref<!tpu.dma_semaphore, #tpu.memory_space<semaphore_mem>>, %arg29: memref<!tpu.dma_semaphore, #tpu.memory_space<semaphore_mem>>, %arg30: memref<!tpu.dma_semaphore, #tpu.memory_space<semaphore_mem>>, %arg31: memref<!tpu.dma_semaphore, #tpu.memory_space<semaphore_mem>>, %arg32: memref<!tpu.dma_semaphore, #tpu.memory_space<semaphore_mem>>) attributes {dimension_semantics = [#tpu.dimension_semantics<core_parallel>, #tpu.dimension_semantics<subcore_parallel>], iteration_bounds = array<i64: 2, 16>, scalar_prefetch = 0 : i64, scratch_operands = 27 : i64, tpu.core_type = #tpu.core_type<sc_vector_subcore>, window_params = [{transform_indices = #map}, {transform_indices = #map1}, {transform_indices = #map1}, {transform_indices = #map}]} {
    %mul3A = arith.constant 16 : i32
    %mul3A_0 = arith.muli %arg0, %mul3A : i32
    %add3A = arith.addi %mul3A_0, %arg1 : i32
    %mul3A_1 = arith.constant 2500 : i32
    %mul3A_2 = arith.muli %add3A, %mul3A_1 : i32
    %jit3A = arith.constant 32 : i32
    %div3A = arith.divsi %mul3A_2, %jit3A : i32
    %sign3A = arith.constant 0 : i32
    %sign3A_3 = arith.cmpi sgt, %mul3A_2, %sign3A : i32
    %sign3A_4 = arith.extui %sign3A_3 : i1 to i32
    %sign3A_5 = arith.constant 0 : i32
    %sign3A_6 = arith.cmpi slt, %mul3A_2, %sign3A_5 : i32
    %sign3A_7 = arith.extui %sign3A_6 : i1 to i32
    %sign3A_8 = arith.subi %sign3A_4, %sign3A_7 : i32
    %sign3A_9 = arith.constant 0 : i32
    %sign3A_10 = arith.cmpi sgt, %jit3A, %sign3A_9 : i32
    %sign3A_11 = arith.extui %sign3A_10 : i1 to i32
    %sign3A_12 = arith.constant 0 : i32
    %sign3A_13 = arith.cmpi slt, %jit3A, %sign3A_12 : i32
    %sign3A_14 = arith.extui %sign3A_13 : i1 to i32
    %sign3A_15 = arith.subi %sign3A_11, %sign3A_14 : i32
    %ne3A = arith.cmpi ne, %sign3A_8, %sign3A_15 : i32
    %rem3A = arith.remsi %mul3A_2, %jit3A : i32
    %ne3A_16 = arith.constant 0 : i32
    %ne3A_17 = arith.cmpi ne, %rem3A, %ne3A_16 : i32
    %and3A = arith.andi %ne3A, %ne3A_17 : i1
    %sub3A = arith.constant 1 : i32
    %sub3A_18 = arith.subi %div3A, %sub3A : i32
    %select_n3A = arith.select %and3A, %sub3A_18, %div3A : i32
    %add3A_19 = arith.constant 1 : i32
    %add3A_20 = arith.addi %add3A, %add3A_19 : i32
    %mul3A_21 = arith.constant 2500 : i32
    %mul3A_22 = arith.muli %add3A_20, %mul3A_21 : i32
    %jit3A_23 = arith.constant 32 : i32
    %div3A_24 = arith.divsi %mul3A_22, %jit3A_23 : i32
    %sign3A_25 = arith.constant 0 : i32
    %sign3A_26 = arith.cmpi sgt, %mul3A_22, %sign3A_25 : i32
    %sign3A_27 = arith.extui %sign3A_26 : i1 to i32
    %sign3A_28 = arith.constant 0 : i32
    %sign3A_29 = arith.cmpi slt, %mul3A_22, %sign3A_28 : i32
    %sign3A_30 = arith.extui %sign3A_29 : i1 to i32
    %sign3A_31 = arith.subi %sign3A_27, %sign3A_30 : i32
    %sign3A_32 = arith.constant 0 : i32
    %sign3A_33 = arith.cmpi sgt, %jit3A_23, %sign3A_32 : i32
    %sign3A_34 = arith.extui %sign3A_33 : i1 to i32
    %sign3A_35 = arith.constant 0 : i32
    %sign3A_36 = arith.cmpi slt, %jit3A_23, %sign3A_35 : i32
    %sign3A_37 = arith.extui %sign3A_36 : i1 to i32
    %sign3A_38 = arith.subi %sign3A_34, %sign3A_37 : i32
    %ne3A_39 = arith.cmpi ne, %sign3A_31, %sign3A_38 : i32
    %rem3A_40 = arith.remsi %mul3A_22, %jit3A_23 : i32
    %ne3A_41 = arith.constant 0 : i32
    %ne3A_42 = arith.cmpi ne, %rem3A_40, %ne3A_41 : i32
    %and3A_43 = arith.andi %ne3A_39, %ne3A_42 : i1
    %sub3A_44 = arith.constant 1 : i32
    %sub3A_45 = arith.subi %div3A_24, %sub3A_44 : i32
    %select_n3A_46 = arith.select %and3A_43, %sub3A_45, %div3A_24 : i32
    %sub3A_47 = arith.subi %select_n3A_46, %select_n3A : i32
    %run_scoped3A = arith.constant 0 : i32
    "tpu.region"() ({
      %run_scoped3A_167 = tpu.sem_alloc : memref<!tpu.dma_semaphore, #tpu.memory_space<semaphore_mem>>
      %dma_start3A_168 = arith.constant 0 : i32
      %dma_start3A_169 = tpu.memref_slice %arg2[%run_scoped3A, %select_n3A, %dma_start3A_168] : memref<2x2500x128xi32, #tpu.memory_space<hbm>> -> memref<1x79x128xi32, #tpu.memory_space<hbm>>
      %dma_start3A_170 = tpu.memref_squeeze %dma_start3A_169 : memref<1x79x128xi32, #tpu.memory_space<hbm>> -> memref<79x128xi32, #tpu.memory_space<hbm>>
      %dma_start3A_171 = arith.constant 0 : i32
      %dma_start3A_172 = tpu.memref_slice %arg2[%run_scoped3A, %select_n3A, %dma_start3A_171] : memref<2x2500x128xi32, #tpu.memory_space<hbm>> -> memref<1x79x128xi32, #tpu.memory_space<hbm>>
      %dma_start3A_173 = tpu.memref_squeeze %dma_start3A_172 : memref<1x79x128xi32, #tpu.memory_space<hbm>> -> memref<79x128xi32, #tpu.memory_space<hbm>>
      tpu.enqueue_dma source(%dma_start3A_173 : memref<79x128xi32, #tpu.memory_space<hbm>>) target(%arg6 : memref<79x128xi32, #tpu.memory_space<vmem>>) target_semaphore(%run_scoped3A_167 : memref<!tpu.dma_semaphore, #tpu.memory_space<semaphore_mem>>)
      %dma_wait3A_174 = arith.constant 0 : i32
      %dma_wait3A_175 = tpu.memref_slice %arg2[%run_scoped3A, %select_n3A, %dma_wait3A_174] : memref<2x2500x128xi32, #tpu.memory_space<hbm>> -> memref<1x79x128xi32, #tpu.memory_space<hbm>>
      %dma_wait3A_176 = tpu.memref_squeeze %dma_wait3A_175 : memref<1x79x128xi32, #tpu.memory_space<hbm>> -> memref<79x128xi32, #tpu.memory_space<hbm>>
      %dma_wait3A_177 = arith.constant 0 : i32
      %dma_wait3A_178 = tpu.memref_slice %arg2[%run_scoped3A, %select_n3A, %dma_wait3A_177] : memref<2x2500x128xi32, #tpu.memory_space<hbm>> -> memref<1x79x128xi32, #tpu.memory_space<hbm>>
      %dma_wait3A_179 = tpu.memref_squeeze %dma_wait3A_178 : memref<1x79x128xi32, #tpu.memory_space<hbm>> -> memref<79x128xi32, #tpu.memory_space<hbm>>
      tpu.wait_dma2 semaphore(%run_scoped3A_167 : memref<!tpu.dma_semaphore, #tpu.memory_space<semaphore_mem>>) src(%dma_wait3A_179 : memref<79x128xi32, #tpu.memory_space<hbm>>) dst(%arg6 : memref<79x128xi32, #tpu.memory_space<vmem>>)
      tpu.yield
    }) : () -> ()
    %run_scoped3A_48 = arith.constant 1 : i32
    "tpu.region"() ({
      %run_scoped3A_167 = tpu.sem_alloc : memref<!tpu.dma_semaphore, #tpu.memory_space<semaphore_mem>>
      %dma_start3A_168 = arith.constant 0 : i32
      %dma_start3A_169 = tpu.memref_slice %arg2[%run_scoped3A_48, %select_n3A, %dma_start3A_168] : memref<2x2500x128xi32, #tpu.memory_space<hbm>> -> memref<1x79x128xi32, #tpu.memory_space<hbm>>
      %dma_start3A_170 = tpu.memref_squeeze %dma_start3A_169 : memref<1x79x128xi32, #tpu.memory_space<hbm>> -> memref<79x128xi32, #tpu.memory_space<hbm>>
      %dma_start3A_171 = arith.constant 0 : i32
      %dma_start3A_172 = tpu.memref_slice %arg2[%run_scoped3A_48, %select_n3A, %dma_start3A_171] : memref<2x2500x128xi32, #tpu.memory_space<hbm>> -> memref<1x79x128xi32, #tpu.memory_space<hbm>>
      %dma_start3A_173 = tpu.memref_squeeze %dma_start3A_172 : memref<1x79x128xi32, #tpu.memory_space<hbm>> -> memref<79x128xi32, #tpu.memory_space<hbm>>
      tpu.enqueue_dma source(%dma_start3A_173 : memref<79x128xi32, #tpu.memory_space<hbm>>) target(%arg7 : memref<79x128xi32, #tpu.memory_space<vmem>>) target_semaphore(%run_scoped3A_167 : memref<!tpu.dma_semaphore, #tpu.memory_space<semaphore_mem>>)
      %dma_wait3A_174 = arith.constant 0 : i32
      %dma_wait3A_175 = tpu.memref_slice %arg2[%run_scoped3A_48, %select_n3A, %dma_wait3A_174] : memref<2x2500x128xi32, #tpu.memory_space<hbm>> -> memref<1x79x128xi32, #tpu.memory_space<hbm>>
      %dma_wait3A_176 = tpu.memref_squeeze %dma_wait3A_175 : memref<1x79x128xi32, #tpu.memory_space<hbm>> -> memref<79x128xi32, #tpu.memory_space<hbm>>
      %dma_wait3A_177 = arith.constant 0 : i32
      %dma_wait3A_178 = tpu.memref_slice %arg2[%run_scoped3A_48, %select_n3A, %dma_wait3A_177] : memref<2x2500x128xi32, #tpu.memory_space<hbm>> -> memref<1x79x128xi32, #tpu.memory_space<hbm>>
      %dma_wait3A_179 = tpu.memref_squeeze %dma_wait3A_178 : memref<1x79x128xi32, #tpu.memory_space<hbm>> -> memref<79x128xi32, #tpu.memory_space<hbm>>
      tpu.wait_dma2 semaphore(%run_scoped3A_167 : memref<!tpu.dma_semaphore, #tpu.memory_space<semaphore_mem>>) src(%dma_wait3A_179 : memref<79x128xi32, #tpu.memory_space<hbm>>) dst(%arg7 : memref<79x128xi32, #tpu.memory_space<vmem>>)
      tpu.yield
    }) : () -> ()
    %mul3A_49 = arith.constant 632 : i32
    %mul3A_50 = arith.muli %arg1, %mul3A_49 : i32
    "tpu.region"() ({
      %run_scoped3A_167 = tpu.sem_alloc : memref<!tpu.dma_semaphore, #tpu.memory_space<semaphore_mem>>
      %dma_start3A_168 = arith.constant 0 : i32
      %dma_start3A_169 = tpu.memref_slice %arg16[%mul3A_50, %dma_start3A_168] : memref<10112x64xbf16, #tpu.memory_space<vmem_shared>> -> memref<632x64xbf16, #tpu.memory_space<vmem_shared>>
      %dma_start3A_170 = arith.constant 0 : i32
      %dma_start3A_171 = tpu.memref_slice %arg4[%mul3A_50, %dma_start3A_170] : memref<10112x64xbf16, #tpu.memory_space<hbm>> -> memref<632x64xbf16, #tpu.memory_space<hbm>>
      tpu.enqueue_dma source(%dma_start3A_171 : memref<632x64xbf16, #tpu.memory_space<hbm>>) target(%dma_start3A_169 : memref<632x64xbf16, #tpu.memory_space<vmem_shared>>) target_semaphore(%run_scoped3A_167 : memref<!tpu.dma_semaphore, #tpu.memory_space<semaphore_mem>>)
      %dma_wait3A_172 = arith.constant 0 : i32
      %dma_wait3A_173 = tpu.memref_slice %arg16[%mul3A_50, %dma_wait3A_172] : memref<10112x64xbf16, #tpu.memory_space<vmem_shared>> -> memref<632x64xbf16, #tpu.memory_space<vmem_shared>>
      %dma_wait3A_174 = arith.constant 0 : i32
      %dma_wait3A_175 = tpu.memref_slice %arg4[%mul3A_50, %dma_wait3A_174] : memref<10112x64xbf16, #tpu.memory_space<hbm>> -> memref<632x64xbf16, #tpu.memory_space<hbm>>
      tpu.wait_dma2 semaphore(%run_scoped3A_167 : memref<!tpu.dma_semaphore, #tpu.memory_space<semaphore_mem>>) src(%dma_wait3A_175 : memref<632x64xbf16, #tpu.memory_space<hbm>>) dst(%dma_wait3A_173 : memref<632x64xbf16, #tpu.memory_space<vmem_shared>>)
      tpu.yield
    }) : () -> ()
    %barrier3A = arith.constant 0 : index
    tpu.barrier barrier_id(%barrier3A)
    %dma_start3A = arith.constant 0 : i32
    %dma_start3A_51 = arith.constant 0 : i32
    %dma_start3A_52 = tpu.memref_slice %arg6[%dma_start3A, %dma_start3A_51] : memref<79x128xi32, #tpu.memory_space<vmem>> -> memref<1x128xi32, #tpu.memory_space<vmem>>
    %dma_start3A_53 = tpu.memref_squeeze %dma_start3A_52 : memref<1x128xi32, #tpu.memory_space<vmem>> -> memref<128xi32, #tpu.memory_space<vmem>>
    %dma_start3A_54 = arith.constant 0 : i32
    %dma_start3A_55 = arith.constant 0 : i32
    %dma_start3A_56 = tpu.memref_slice %arg3[%dma_start3A_54, %dma_start3A_55] : memref<10112x64xbf16, #tpu.memory_space<hbm>> -> memref<10112x64xbf16, #tpu.memory_space<hbm>>
    tpu.enqueue_indirect_dma source(%dma_start3A_56 : memref<10112x64xbf16, #tpu.memory_space<hbm>>) target(%arg8 : memref<128x64xbf16, #tpu.memory_space<vmem>>) offsets(%dma_start3A_53 : memref<128xi32, #tpu.memory_space<vmem>>) semaphore(%arg17 : memref<!tpu.dma_semaphore, #tpu.memory_space<semaphore_mem>>)
    %dma_start3A_57 = arith.constant 1 : i32
    %dma_start3A_58 = arith.constant 0 : i32
    %dma_start3A_59 = tpu.memref_slice %arg6[%dma_start3A_57, %dma_start3A_58] : memref<79x128xi32, #tpu.memory_space<vmem>> -> memref<1x128xi32, #tpu.memory_space<vmem>>
    %dma_start3A_60 = tpu.memref_squeeze %dma_start3A_59 : memref<1x128xi32, #tpu.memory_space<vmem>> -> memref<128xi32, #tpu.memory_space<vmem>>
    %dma_start3A_61 = arith.constant 0 : i32
    %dma_start3A_62 = arith.constant 0 : i32
    %dma_start3A_63 = tpu.memref_slice %arg3[%dma_start3A_61, %dma_start3A_62] : memref<10112x64xbf16, #tpu.memory_space<hbm>> -> memref<10112x64xbf16, #tpu.memory_space<hbm>>
    tpu.enqueue_indirect_dma source(%dma_start3A_63 : memref<10112x64xbf16, #tpu.memory_space<hbm>>) target(%arg9 : memref<128x64xbf16, #tpu.memory_space<vmem>>) offsets(%dma_start3A_60 : memref<128xi32, #tpu.memory_space<vmem>>) semaphore(%arg18 : memref<!tpu.dma_semaphore, #tpu.memory_space<semaphore_mem>>)
    %dma_start3A_64 = arith.constant 2 : i32
    %dma_start3A_65 = arith.constant 0 : i32
    %dma_start3A_66 = tpu.memref_slice %arg6[%dma_start3A_64, %dma_start3A_65] : memref<79x128xi32, #tpu.memory_space<vmem>> -> memref<1x128xi32, #tpu.memory_space<vmem>>
    %dma_start3A_67 = tpu.memref_squeeze %dma_start3A_66 : memref<1x128xi32, #tpu.memory_space<vmem>> -> memref<128xi32, #tpu.memory_space<vmem>>
    %dma_start3A_68 = arith.constant 0 : i32
    %dma_start3A_69 = arith.constant 0 : i32
    %dma_start3A_70 = tpu.memref_slice %arg3[%dma_start3A_68, %dma_start3A_69] : memref<10112x64xbf16, #tpu.memory_space<hbm>> -> memref<10112x64xbf16, #tpu.memory_space<hbm>>
    tpu.enqueue_indirect_dma source(%dma_start3A_70 : memref<10112x64xbf16, #tpu.memory_space<hbm>>) target(%arg10 : memref<128x64xbf16, #tpu.memory_space<vmem>>) offsets(%dma_start3A_67 : memref<128xi32, #tpu.memory_space<vmem>>) semaphore(%arg19 : memref<!tpu.dma_semaphore, #tpu.memory_space<semaphore_mem>>)
    %dma_start3A_71 = arith.constant 3 : i32
    %dma_start3A_72 = arith.constant 0 : i32
    %dma_start3A_73 = tpu.memref_slice %arg6[%dma_start3A_71, %dma_start3A_72] : memref<79x128xi32, #tpu.memory_space<vmem>> -> memref<1x128xi32, #tpu.memory_space<vmem>>
    %dma_start3A_74 = tpu.memref_squeeze %dma_start3A_73 : memref<1x128xi32, #tpu.memory_space<vmem>> -> memref<128xi32, #tpu.memory_space<vmem>>
    %dma_start3A_75 = arith.constant 0 : i32
    %dma_start3A_76 = arith.constant 0 : i32
    %dma_start3A_77 = tpu.memref_slice %arg3[%dma_start3A_75, %dma_start3A_76] : memref<10112x64xbf16, #tpu.memory_space<hbm>> -> memref<10112x64xbf16, #tpu.memory_space<hbm>>
    tpu.enqueue_indirect_dma source(%dma_start3A_77 : memref<10112x64xbf16, #tpu.memory_space<hbm>>) target(%arg11 : memref<128x64xbf16, #tpu.memory_space<vmem>>) offsets(%dma_start3A_74 : memref<128xi32, #tpu.memory_space<vmem>>) semaphore(%arg20 : memref<!tpu.dma_semaphore, #tpu.memory_space<semaphore_mem>>)
    %dma_start3A_78 = arith.constant 4 : i32
    %dma_start3A_79 = arith.constant 0 : i32
    %dma_start3A_80 = tpu.memref_slice %arg6[%dma_start3A_78, %dma_start3A_79] : memref<79x128xi32, #tpu.memory_space<vmem>> -> memref<1x128xi32, #tpu.memory_space<vmem>>
    %dma_start3A_81 = tpu.memref_squeeze %dma_start3A_80 : memref<1x128xi32, #tpu.memory_space<vmem>> -> memref<128xi32, #tpu.memory_space<vmem>>
    %dma_start3A_82 = arith.constant 0 : i32
    %dma_start3A_83 = arith.constant 0 : i32
    %dma_start3A_84 = tpu.memref_slice %arg3[%dma_start3A_82, %dma_start3A_83] : memref<10112x64xbf16, #tpu.memory_space<hbm>> -> memref<10112x64xbf16, #tpu.memory_space<hbm>>
    tpu.enqueue_indirect_dma source(%dma_start3A_84 : memref<10112x64xbf16, #tpu.memory_space<hbm>>) target(%arg12 : memref<128x64xbf16, #tpu.memory_space<vmem>>) offsets(%dma_start3A_81 : memref<128xi32, #tpu.memory_space<vmem>>) semaphore(%arg21 : memref<!tpu.dma_semaphore, #tpu.memory_space<semaphore_mem>>)
    %dma_start3A_85 = arith.constant 5 : i32
    %dma_start3A_86 = arith.constant 0 : i32
    %dma_start3A_87 = tpu.memref_slice %arg6[%dma_start3A_85, %dma_start3A_86] : memref<79x128xi32, #tpu.memory_space<vmem>> -> memref<1x128xi32, #tpu.memory_space<vmem>>
    %dma_start3A_88 = tpu.memref_squeeze %dma_start3A_87 : memref<1x128xi32, #tpu.memory_space<vmem>> -> memref<128xi32, #tpu.memory_space<vmem>>
    %dma_start3A_89 = arith.constant 0 : i32
    %dma_start3A_90 = arith.constant 0 : i32
    %dma_start3A_91 = tpu.memref_slice %arg3[%dma_start3A_89, %dma_start3A_90] : memref<10112x64xbf16, #tpu.memory_space<hbm>> -> memref<10112x64xbf16, #tpu.memory_space<hbm>>
    tpu.enqueue_indirect_dma source(%dma_start3A_91 : memref<10112x64xbf16, #tpu.memory_space<hbm>>) target(%arg13 : memref<128x64xbf16, #tpu.memory_space<vmem>>) offsets(%dma_start3A_88 : memref<128xi32, #tpu.memory_space<vmem>>) semaphore(%arg22 : memref<!tpu.dma_semaphore, #tpu.memory_space<semaphore_mem>>)
    %dma_start3A_92 = arith.constant 6 : i32
    %dma_start3A_93 = arith.constant 0 : i32
    %dma_start3A_94 = tpu.memref_slice %arg6[%dma_start3A_92, %dma_start3A_93] : memref<79x128xi32, #tpu.memory_space<vmem>> -> memref<1x128xi32, #tpu.memory_space<vmem>>
    %dma_start3A_95 = tpu.memref_squeeze %dma_start3A_94 : memref<1x128xi32, #tpu.memory_space<vmem>> -> memref<128xi32, #tpu.memory_space<vmem>>
    %dma_start3A_96 = arith.constant 0 : i32
    %dma_start3A_97 = arith.constant 0 : i32
    %dma_start3A_98 = tpu.memref_slice %arg3[%dma_start3A_96, %dma_start3A_97] : memref<10112x64xbf16, #tpu.memory_space<hbm>> -> memref<10112x64xbf16, #tpu.memory_space<hbm>>
    tpu.enqueue_indirect_dma source(%dma_start3A_98 : memref<10112x64xbf16, #tpu.memory_space<hbm>>) target(%arg14 : memref<128x64xbf16, #tpu.memory_space<vmem>>) offsets(%dma_start3A_95 : memref<128xi32, #tpu.memory_space<vmem>>) semaphore(%arg23 : memref<!tpu.dma_semaphore, #tpu.memory_space<semaphore_mem>>)
    %dma_start3A_99 = arith.constant 7 : i32
    %dma_start3A_100 = arith.constant 0 : i32
    %dma_start3A_101 = tpu.memref_slice %arg6[%dma_start3A_99, %dma_start3A_100] : memref<79x128xi32, #tpu.memory_space<vmem>> -> memref<1x128xi32, #tpu.memory_space<vmem>>
    %dma_start3A_102 = tpu.memref_squeeze %dma_start3A_101 : memref<1x128xi32, #tpu.memory_space<vmem>> -> memref<128xi32, #tpu.memory_space<vmem>>
    %dma_start3A_103 = arith.constant 0 : i32
    %dma_start3A_104 = arith.constant 0 : i32
    %dma_start3A_105 = tpu.memref_slice %arg3[%dma_start3A_103, %dma_start3A_104] : memref<10112x64xbf16, #tpu.memory_space<hbm>> -> memref<10112x64xbf16, #tpu.memory_space<hbm>>
    tpu.enqueue_indirect_dma source(%dma_start3A_105 : memref<10112x64xbf16, #tpu.memory_space<hbm>>) target(%arg15 : memref<128x64xbf16, #tpu.memory_space<vmem>>) offsets(%dma_start3A_102 : memref<128xi32, #tpu.memory_space<vmem>>) semaphore(%arg24 : memref<!tpu.dma_semaphore, #tpu.memory_space<semaphore_mem>>)
    %scan3A = arith.constant 0 : i32
    %scan3A_106 = arith.constant 0 : i32
    %scan3A_107 = arith.constant 10 : i32
    %scan3A_108 = arith.addi %scan3A_106, %scan3A_107 : i32
    %scan3A_109 = arith.constant 1 : i32
    scf.for %scan3A_167 = %scan3A_106 to %scan3A_108 step %scan3A_109  : i32 {
      %mul3A_168 = arith.constant 8 : i32
      %mul3A_169 = arith.muli %mul3A_168, %scan3A_167 : i32
      %add3A_170 = arith.constant 0 : i32
      %add3A_171 = arith.addi %mul3A_169, %add3A_170 : i32
      %lt3A = arith.cmpi slt, %add3A_171, %sub3A_47 : i32
      %convert_element_type3A = arith.extui %lt3A : i1 to i32
      %cond3A = arith.constant 0 : i32
      %cond3A_172 = arith.cmpi ne, %convert_element_type3A, %cond3A : i32
      scf.if %cond3A_172 {
        %dma_wait3A_309 = arith.constant 0 : i32
        %dma_wait3A_310 = tpu.memref_slice %arg6[%add3A_171, %dma_wait3A_309] : memref<79x128xi32, #tpu.memory_space<vmem>> -> memref<1x128xi32, #tpu.memory_space<vmem>>
        %dma_wait3A_311 = tpu.memref_squeeze %dma_wait3A_310 : memref<1x128xi32, #tpu.memory_space<vmem>> -> memref<128xi32, #tpu.memory_space<vmem>>
        %dma_wait3A_312 = arith.constant 0 : i32
        %dma_wait3A_313 = arith.constant 0 : i32
        %dma_wait3A_314 = tpu.memref_slice %arg3[%dma_wait3A_312, %dma_wait3A_313] : memref<10112x64xbf16, #tpu.memory_space<hbm>> -> memref<10112x64xbf16, #tpu.memory_space<hbm>>
        tpu.wait_indirect_dma semaphore(%arg17 : memref<!tpu.dma_semaphore, #tpu.memory_space<semaphore_mem>>) src(%dma_wait3A_314 : memref<10112x64xbf16, #tpu.memory_space<hbm>>) dst(%arg8 : memref<128x64xbf16, #tpu.memory_space<vmem>>)
        %dma_start3A_315 = arith.constant 0 : i32
        %dma_start3A_316 = tpu.memref_slice %arg7[%add3A_171, %dma_start3A_315] : memref<79x128xi32, #tpu.memory_space<vmem>> -> memref<1x128xi32, #tpu.memory_space<vmem>>
        %dma_start3A_317 = tpu.memref_squeeze %dma_start3A_316 : memref<1x128xi32, #tpu.memory_space<vmem>> -> memref<128xi32, #tpu.memory_space<vmem>>
        %dma_start3A_318 = arith.constant 0 : i32
        %dma_start3A_319 = arith.constant 0 : i32
        %dma_start3A_320 = tpu.memref_slice %arg16[%dma_start3A_318, %dma_start3A_319] : memref<10112x64xbf16, #tpu.memory_space<vmem_shared>> -> memref<10112x64xbf16, #tpu.memory_space<vmem_shared>>
        tpu.enqueue_indirect_dma source(%arg8 : memref<128x64xbf16, #tpu.memory_space<vmem>>) target(%dma_start3A_320 : memref<10112x64xbf16, #tpu.memory_space<vmem_shared>>) offsets(%dma_start3A_317 : memref<128xi32, #tpu.memory_space<vmem>>) semaphore(%arg25 : memref<!tpu.dma_semaphore, #tpu.memory_space<semaphore_mem>>) {add = true}
      } else {
      }
      %mul3A_173 = arith.constant 8 : i32
      %mul3A_174 = arith.muli %mul3A_173, %scan3A_167 : i32
      %add3A_175 = arith.constant 1 : i32
      %add3A_176 = arith.addi %mul3A_174, %add3A_175 : i32
      %lt3A_177 = arith.cmpi slt, %add3A_176, %sub3A_47 : i32
      %convert_element_type3A_178 = arith.extui %lt3A_177 : i1 to i32
      %cond3A_179 = arith.constant 0 : i32
      %cond3A_180 = arith.cmpi ne, %convert_element_type3A_178, %cond3A_179 : i32
      scf.if %cond3A_180 {
        %dma_wait3A_309 = arith.constant 0 : i32
        %dma_wait3A_310 = tpu.memref_slice %arg6[%add3A_176, %dma_wait3A_309] : memref<79x128xi32, #tpu.memory_space<vmem>> -> memref<1x128xi32, #tpu.memory_space<vmem>>
        %dma_wait3A_311 = tpu.memref_squeeze %dma_wait3A_310 : memref<1x128xi32, #tpu.memory_space<vmem>> -> memref<128xi32, #tpu.memory_space<vmem>>
        %dma_wait3A_312 = arith.constant 0 : i32
        %dma_wait3A_313 = arith.constant 0 : i32
        %dma_wait3A_314 = tpu.memref_slice %arg3[%dma_wait3A_312, %dma_wait3A_313] : memref<10112x64xbf16, #tpu.memory_space<hbm>> -> memref<10112x64xbf16, #tpu.memory_space<hbm>>
        tpu.wait_indirect_dma semaphore(%arg18 : memref<!tpu.dma_semaphore, #tpu.memory_space<semaphore_mem>>) src(%dma_wait3A_314 : memref<10112x64xbf16, #tpu.memory_space<hbm>>) dst(%arg9 : memref<128x64xbf16, #tpu.memory_space<vmem>>)
        %dma_start3A_315 = arith.constant 0 : i32
        %dma_start3A_316 = tpu.memref_slice %arg7[%add3A_176, %dma_start3A_315] : memref<79x128xi32, #tpu.memory_space<vmem>> -> memref<1x128xi32, #tpu.memory_space<vmem>>
        %dma_start3A_317 = tpu.memref_squeeze %dma_start3A_316 : memref<1x128xi32, #tpu.memory_space<vmem>> -> memref<128xi32, #tpu.memory_space<vmem>>
        %dma_start3A_318 = arith.constant 0 : i32
        %dma_start3A_319 = arith.constant 0 : i32
        %dma_start3A_320 = tpu.memref_slice %arg16[%dma_start3A_318, %dma_start3A_319] : memref<10112x64xbf16, #tpu.memory_space<vmem_shared>> -> memref<10112x64xbf16, #tpu.memory_space<vmem_shared>>
        tpu.enqueue_indirect_dma source(%arg9 : memref<128x64xbf16, #tpu.memory_space<vmem>>) target(%dma_start3A_320 : memref<10112x64xbf16, #tpu.memory_space<vmem_shared>>) offsets(%dma_start3A_317 : memref<128xi32, #tpu.memory_space<vmem>>) semaphore(%arg26 : memref<!tpu.dma_semaphore, #tpu.memory_space<semaphore_mem>>) {add = true}
      } else {
      }
      %mul3A_181 = arith.constant 8 : i32
      %mul3A_182 = arith.muli %mul3A_181, %scan3A_167 : i32
      %add3A_183 = arith.constant 2 : i32
      %add3A_184 = arith.addi %mul3A_182, %add3A_183 : i32
      %lt3A_185 = arith.cmpi slt, %add3A_184, %sub3A_47 : i32
      %convert_element_type3A_186 = arith.extui %lt3A_185 : i1 to i32
      %cond3A_187 = arith.constant 0 : i32
      %cond3A_188 = arith.cmpi ne, %convert_element_type3A_186, %cond3A_187 : i32
      scf.if %cond3A_188 {
        %dma_wait3A_309 = arith.constant 0 : i32
        %dma_wait3A_310 = tpu.memref_slice %arg6[%add3A_184, %dma_wait3A_309] : memref<79x128xi32, #tpu.memory_space<vmem>> -> memref<1x128xi32, #tpu.memory_space<vmem>>
        %dma_wait3A_311 = tpu.memref_squeeze %dma_wait3A_310 : memref<1x128xi32, #tpu.memory_space<vmem>> -> memref<128xi32, #tpu.memory_space<vmem>>
        %dma_wait3A_312 = arith.constant 0 : i32
        %dma_wait3A_313 = arith.constant 0 : i32
        %dma_wait3A_314 = tpu.memref_slice %arg3[%dma_wait3A_312, %dma_wait3A_313] : memref<10112x64xbf16, #tpu.memory_space<hbm>> -> memref<10112x64xbf16, #tpu.memory_space<hbm>>
        tpu.wait_indirect_dma semaphore(%arg19 : memref<!tpu.dma_semaphore, #tpu.memory_space<semaphore_mem>>) src(%dma_wait3A_314 : memref<10112x64xbf16, #tpu.memory_space<hbm>>) dst(%arg10 : memref<128x64xbf16, #tpu.memory_space<vmem>>)
        %dma_start3A_315 = arith.constant 0 : i32
        %dma_start3A_316 = tpu.memref_slice %arg7[%add3A_184, %dma_start3A_315] : memref<79x128xi32, #tpu.memory_space<vmem>> -> memref<1x128xi32, #tpu.memory_space<vmem>>
        %dma_start3A_317 = tpu.memref_squeeze %dma_start3A_316 : memref<1x128xi32, #tpu.memory_space<vmem>> -> memref<128xi32, #tpu.memory_space<vmem>>
        %dma_start3A_318 = arith.constant 0 : i32
        %dma_start3A_319 = arith.constant 0 : i32
        %dma_start3A_320 = tpu.memref_slice %arg16[%dma_start3A_318, %dma_start3A_319] : memref<10112x64xbf16, #tpu.memory_space<vmem_shared>> -> memref<10112x64xbf16, #tpu.memory_space<vmem_shared>>
        tpu.enqueue_indirect_dma source(%arg10 : memref<128x64xbf16, #tpu.memory_space<vmem>>) target(%dma_start3A_320 : memref<10112x64xbf16, #tpu.memory_space<vmem_shared>>) offsets(%dma_start3A_317 : memref<128xi32, #tpu.memory_space<vmem>>) semaphore(%arg27 : memref<!tpu.dma_semaphore, #tpu.memory_space<semaphore_mem>>) {add = true}
      } else {
      }
      %mul3A_189 = arith.constant 8 : i32
      %mul3A_190 = arith.muli %mul3A_189, %scan3A_167 : i32
      %add3A_191 = arith.constant 3 : i32
      %add3A_192 = arith.addi %mul3A_190, %add3A_191 : i32
      %lt3A_193 = arith.cmpi slt, %add3A_192, %sub3A_47 : i32
      %convert_element_type3A_194 = arith.extui %lt3A_193 : i1 to i32
      %cond3A_195 = arith.constant 0 : i32
      %cond3A_196 = arith.cmpi ne, %convert_element_type3A_194, %cond3A_195 : i32
      scf.if %cond3A_196 {
        %dma_wait3A_309 = arith.constant 0 : i32
        %dma_wait3A_310 = tpu.memref_slice %arg6[%add3A_192, %dma_wait3A_309] : memref<79x128xi32, #tpu.memory_space<vmem>> -> memref<1x128xi32, #tpu.memory_space<vmem>>
        %dma_wait3A_311 = tpu.memref_squeeze %dma_wait3A_310 : memref<1x128xi32, #tpu.memory_space<vmem>> -> memref<128xi32, #tpu.memory_space<vmem>>
        %dma_wait3A_312 = arith.constant 0 : i32
        %dma_wait3A_313 = arith.constant 0 : i32
        %dma_wait3A_314 = tpu.memref_slice %arg3[%dma_wait3A_312, %dma_wait3A_313] : memref<10112x64xbf16, #tpu.memory_space<hbm>> -> memref<10112x64xbf16, #tpu.memory_space<hbm>>
        tpu.wait_indirect_dma semaphore(%arg20 : memref<!tpu.dma_semaphore, #tpu.memory_space<semaphore_mem>>) src(%dma_wait3A_314 : memref<10112x64xbf16, #tpu.memory_space<hbm>>) dst(%arg11 : memref<128x64xbf16, #tpu.memory_space<vmem>>)
        %dma_start3A_315 = arith.constant 0 : i32
        %dma_start3A_316 = tpu.memref_slice %arg7[%add3A_192, %dma_start3A_315] : memref<79x128xi32, #tpu.memory_space<vmem>> -> memref<1x128xi32, #tpu.memory_space<vmem>>
        %dma_start3A_317 = tpu.memref_squeeze %dma_start3A_316 : memref<1x128xi32, #tpu.memory_space<vmem>> -> memref<128xi32, #tpu.memory_space<vmem>>
        %dma_start3A_318 = arith.constant 0 : i32
        %dma_start3A_319 = arith.constant 0 : i32
        %dma_start3A_320 = tpu.memref_slice %arg16[%dma_start3A_318, %dma_start3A_319] : memref<10112x64xbf16, #tpu.memory_space<vmem_shared>> -> memref<10112x64xbf16, #tpu.memory_space<vmem_shared>>
        tpu.enqueue_indirect_dma source(%arg11 : memref<128x64xbf16, #tpu.memory_space<vmem>>) target(%dma_start3A_320 : memref<10112x64xbf16, #tpu.memory_space<vmem_shared>>) offsets(%dma_start3A_317 : memref<128xi32, #tpu.memory_space<vmem>>) semaphore(%arg28 : memref<!tpu.dma_semaphore, #tpu.memory_space<semaphore_mem>>) {add = true}
      } else {
      }
      %mul3A_197 = arith.constant 8 : i32
      %mul3A_198 = arith.muli %mul3A_197, %scan3A_167 : i32
      %add3A_199 = arith.constant 4 : i32
      %add3A_200 = arith.addi %mul3A_198, %add3A_199 : i32
      %lt3A_201 = arith.cmpi slt, %add3A_200, %sub3A_47 : i32
      %convert_element_type3A_202 = arith.extui %lt3A_201 : i1 to i32
      %cond3A_203 = arith.constant 0 : i32
      %cond3A_204 = arith.cmpi ne, %convert_element_type3A_202, %cond3A_203 : i32
      scf.if %cond3A_204 {
        %dma_wait3A_309 = arith.constant 0 : i32
        %dma_wait3A_310 = tpu.memref_slice %arg6[%add3A_200, %dma_wait3A_309] : memref<79x128xi32, #tpu.memory_space<vmem>> -> memref<1x128xi32, #tpu.memory_space<vmem>>
        %dma_wait3A_311 = tpu.memref_squeeze %dma_wait3A_310 : memref<1x128xi32, #tpu.memory_space<vmem>> -> memref<128xi32, #tpu.memory_space<vmem>>
        %dma_wait3A_312 = arith.constant 0 : i32
        %dma_wait3A_313 = arith.constant 0 : i32
        %dma_wait3A_314 = tpu.memref_slice %arg3[%dma_wait3A_312, %dma_wait3A_313] : memref<10112x64xbf16, #tpu.memory_space<hbm>> -> memref<10112x64xbf16, #tpu.memory_space<hbm>>
        tpu.wait_indirect_dma semaphore(%arg21 : memref<!tpu.dma_semaphore, #tpu.memory_space<semaphore_mem>>) src(%dma_wait3A_314 : memref<10112x64xbf16, #tpu.memory_space<hbm>>) dst(%arg12 : memref<128x64xbf16, #tpu.memory_space<vmem>>)
        %dma_start3A_315 = arith.constant 0 : i32
        %dma_start3A_316 = tpu.memref_slice %arg7[%add3A_200, %dma_start3A_315] : memref<79x128xi32, #tpu.memory_space<vmem>> -> memref<1x128xi32, #tpu.memory_space<vmem>>
        %dma_start3A_317 = tpu.memref_squeeze %dma_start3A_316 : memref<1x128xi32, #tpu.memory_space<vmem>> -> memref<128xi32, #tpu.memory_space<vmem>>
        %dma_start3A_318 = arith.constant 0 : i32
        %dma_start3A_319 = arith.constant 0 : i32
        %dma_start3A_320 = tpu.memref_slice %arg16[%dma_start3A_318, %dma_start3A_319] : memref<10112x64xbf16, #tpu.memory_space<vmem_shared>> -> memref<10112x64xbf16, #tpu.memory_space<vmem_shared>>
        tpu.enqueue_indirect_dma source(%arg12 : memref<128x64xbf16, #tpu.memory_space<vmem>>) target(%dma_start3A_320 : memref<10112x64xbf16, #tpu.memory_space<vmem_shared>>) offsets(%dma_start3A_317 : memref<128xi32, #tpu.memory_space<vmem>>) semaphore(%arg29 : memref<!tpu.dma_semaphore, #tpu.memory_space<semaphore_mem>>) {add = true}
      } else {
      }
      %mul3A_205 = arith.constant 8 : i32
      %mul3A_206 = arith.muli %mul3A_205, %scan3A_167 : i32
      %add3A_207 = arith.constant 5 : i32
      %add3A_208 = arith.addi %mul3A_206, %add3A_207 : i32
      %lt3A_209 = arith.cmpi slt, %add3A_208, %sub3A_47 : i32
      %convert_element_type3A_210 = arith.extui %lt3A_209 : i1 to i32
      %cond3A_211 = arith.constant 0 : i32
      %cond3A_212 = arith.cmpi ne, %convert_element_type3A_210, %cond3A_211 : i32
      scf.if %cond3A_212 {
        %dma_wait3A_309 = arith.constant 0 : i32
        %dma_wait3A_310 = tpu.memref_slice %arg6[%add3A_208, %dma_wait3A_309] : memref<79x128xi32, #tpu.memory_space<vmem>> -> memref<1x128xi32, #tpu.memory_space<vmem>>
        %dma_wait3A_311 = tpu.memref_squeeze %dma_wait3A_310 : memref<1x128xi32, #tpu.memory_space<vmem>> -> memref<128xi32, #tpu.memory_space<vmem>>
        %dma_wait3A_312 = arith.constant 0 : i32
        %dma_wait3A_313 = arith.constant 0 : i32
        %dma_wait3A_314 = tpu.memref_slice %arg3[%dma_wait3A_312, %dma_wait3A_313] : memref<10112x64xbf16, #tpu.memory_space<hbm>> -> memref<10112x64xbf16, #tpu.memory_space<hbm>>
        tpu.wait_indirect_dma semaphore(%arg22 : memref<!tpu.dma_semaphore, #tpu.memory_space<semaphore_mem>>) src(%dma_wait3A_314 : memref<10112x64xbf16, #tpu.memory_space<hbm>>) dst(%arg13 : memref<128x64xbf16, #tpu.memory_space<vmem>>)
        %dma_start3A_315 = arith.constant 0 : i32
        %dma_start3A_316 = tpu.memref_slice %arg7[%add3A_208, %dma_start3A_315] : memref<79x128xi32, #tpu.memory_space<vmem>> -> memref<1x128xi32, #tpu.memory_space<vmem>>
        %dma_start3A_317 = tpu.memref_squeeze %dma_start3A_316 : memref<1x128xi32, #tpu.memory_space<vmem>> -> memref<128xi32, #tpu.memory_space<vmem>>
        %dma_start3A_318 = arith.constant 0 : i32
        %dma_start3A_319 = arith.constant 0 : i32
        %dma_start3A_320 = tpu.memref_slice %arg16[%dma_start3A_318, %dma_start3A_319] : memref<10112x64xbf16, #tpu.memory_space<vmem_shared>> -> memref<10112x64xbf16, #tpu.memory_space<vmem_shared>>
        tpu.enqueue_indirect_dma source(%arg13 : memref<128x64xbf16, #tpu.memory_space<vmem>>) target(%dma_start3A_320 : memref<10112x64xbf16, #tpu.memory_space<vmem_shared>>) offsets(%dma_start3A_317 : memref<128xi32, #tpu.memory_space<vmem>>) semaphore(%arg30 : memref<!tpu.dma_semaphore, #tpu.memory_space<semaphore_mem>>) {add = true}
      } else {
      }
      %mul3A_213 = arith.constant 8 : i32
      %mul3A_214 = arith.muli %mul3A_213, %scan3A_167 : i32
      %add3A_215 = arith.constant 6 : i32
      %add3A_216 = arith.addi %mul3A_214, %add3A_215 : i32
      %lt3A_217 = arith.cmpi slt, %add3A_216, %sub3A_47 : i32
      %convert_element_type3A_218 = arith.extui %lt3A_217 : i1 to i32
      %cond3A_219 = arith.constant 0 : i32
      %cond3A_220 = arith.cmpi ne, %convert_element_type3A_218, %cond3A_219 : i32
      scf.if %cond3A_220 {
        %dma_wait3A_309 = arith.constant 0 : i32
        %dma_wait3A_310 = tpu.memref_slice %arg6[%add3A_216, %dma_wait3A_309] : memref<79x128xi32, #tpu.memory_space<vmem>> -> memref<1x128xi32, #tpu.memory_space<vmem>>
        %dma_wait3A_311 = tpu.memref_squeeze %dma_wait3A_310 : memref<1x128xi32, #tpu.memory_space<vmem>> -> memref<128xi32, #tpu.memory_space<vmem>>
        %dma_wait3A_312 = arith.constant 0 : i32
        %dma_wait3A_313 = arith.constant 0 : i32
        %dma_wait3A_314 = tpu.memref_slice %arg3[%dma_wait3A_312, %dma_wait3A_313] : memref<10112x64xbf16, #tpu.memory_space<hbm>> -> memref<10112x64xbf16, #tpu.memory_space<hbm>>
        tpu.wait_indirect_dma semaphore(%arg23 : memref<!tpu.dma_semaphore, #tpu.memory_space<semaphore_mem>>) src(%dma_wait3A_314 : memref<10112x64xbf16, #tpu.memory_space<hbm>>) dst(%arg14 : memref<128x64xbf16, #tpu.memory_space<vmem>>)
        %dma_start3A_315 = arith.constant 0 : i32
        %dma_start3A_316 = tpu.memref_slice %arg7[%add3A_216, %dma_start3A_315] : memref<79x128xi32, #tpu.memory_space<vmem>> -> memref<1x128xi32, #tpu.memory_space<vmem>>
        %dma_start3A_317 = tpu.memref_squeeze %dma_start3A_316 : memref<1x128xi32, #tpu.memory_space<vmem>> -> memref<128xi32, #tpu.memory_space<vmem>>
        %dma_start3A_318 = arith.constant 0 : i32
        %dma_start3A_319 = arith.constant 0 : i32
        %dma_start3A_320 = tpu.memref_slice %arg16[%dma_start3A_318, %dma_start3A_319] : memref<10112x64xbf16, #tpu.memory_space<vmem_shared>> -> memref<10112x64xbf16, #tpu.memory_space<vmem_shared>>
        tpu.enqueue_indirect_dma source(%arg14 : memref<128x64xbf16, #tpu.memory_space<vmem>>) target(%dma_start3A_320 : memref<10112x64xbf16, #tpu.memory_space<vmem_shared>>) offsets(%dma_start3A_317 : memref<128xi32, #tpu.memory_space<vmem>>) semaphore(%arg31 : memref<!tpu.dma_semaphore, #tpu.memory_space<semaphore_mem>>) {add = true}
      } else {
      }
      %mul3A_221 = arith.constant 8 : i32
      %mul3A_222 = arith.muli %mul3A_221, %scan3A_167 : i32
      %add3A_223 = arith.constant 7 : i32
      %add3A_224 = arith.addi %mul3A_222, %add3A_223 : i32
      %lt3A_225 = arith.cmpi slt, %add3A_224, %sub3A_47 : i32
      %convert_element_type3A_226 = arith.extui %lt3A_225 : i1 to i32
      %cond3A_227 = arith.constant 0 : i32
      %cond3A_228 = arith.cmpi ne, %convert_element_type3A_226, %cond3A_227 : i32
      scf.if %cond3A_228 {
        %dma_wait3A_309 = arith.constant 0 : i32
        %dma_wait3A_310 = tpu.memref_slice %arg6[%add3A_224, %dma_wait3A_309] : memref<79x128xi32, #tpu.memory_space<vmem>> -> memref<1x128xi32, #tpu.memory_space<vmem>>
        %dma_wait3A_311 = tpu.memref_squeeze %dma_wait3A_310 : memref<1x128xi32, #tpu.memory_space<vmem>> -> memref<128xi32, #tpu.memory_space<vmem>>
        %dma_wait3A_312 = arith.constant 0 : i32
        %dma_wait3A_313 = arith.constant 0 : i32
        %dma_wait3A_314 = tpu.memref_slice %arg3[%dma_wait3A_312, %dma_wait3A_313] : memref<10112x64xbf16, #tpu.memory_space<hbm>> -> memref<10112x64xbf16, #tpu.memory_space<hbm>>
        tpu.wait_indirect_dma semaphore(%arg24 : memref<!tpu.dma_semaphore, #tpu.memory_space<semaphore_mem>>) src(%dma_wait3A_314 : memref<10112x64xbf16, #tpu.memory_space<hbm>>) dst(%arg15 : memref<128x64xbf16, #tpu.memory_space<vmem>>)
        %dma_start3A_315 = arith.constant 0 : i32
        %dma_start3A_316 = tpu.memref_slice %arg7[%add3A_224, %dma_start3A_315] : memref<79x128xi32, #tpu.memory_space<vmem>> -> memref<1x128xi32, #tpu.memory_space<vmem>>
        %dma_start3A_317 = tpu.memref_squeeze %dma_start3A_316 : memref<1x128xi32, #tpu.memory_space<vmem>> -> memref<128xi32, #tpu.memory_space<vmem>>
        %dma_start3A_318 = arith.constant 0 : i32
        %dma_start3A_319 = arith.constant 0 : i32
        %dma_start3A_320 = tpu.memref_slice %arg16[%dma_start3A_318, %dma_start3A_319] : memref<10112x64xbf16, #tpu.memory_space<vmem_shared>> -> memref<10112x64xbf16, #tpu.memory_space<vmem_shared>>
        tpu.enqueue_indirect_dma source(%arg15 : memref<128x64xbf16, #tpu.memory_space<vmem>>) target(%dma_start3A_320 : memref<10112x64xbf16, #tpu.memory_space<vmem_shared>>) offsets(%dma_start3A_317 : memref<128xi32, #tpu.memory_space<vmem>>) semaphore(%arg32 : memref<!tpu.dma_semaphore, #tpu.memory_space<semaphore_mem>>) {add = true}
      } else {
      }
      %mul3A_229 = arith.constant 8 : i32
      %mul3A_230 = arith.muli %mul3A_229, %scan3A_167 : i32
      %add3A_231 = arith.constant 0 : i32
      %add3A_232 = arith.addi %mul3A_230, %add3A_231 : i32
      %add3A_233 = arith.constant 8 : i32
      %add3A_234 = arith.addi %add3A_232, %add3A_233 : i32
      %lt3A_235 = arith.cmpi slt, %add3A_234, %sub3A_47 : i32
      %convert_element_type3A_236 = arith.extui %lt3A_235 : i1 to i32
      %cond3A_237 = arith.constant 0 : i32
      %cond3A_238 = arith.cmpi ne, %convert_element_type3A_236, %cond3A_237 : i32
      scf.if %cond3A_238 {
        %dma_wait3A_309 = arith.constant 0 : i32
        %dma_wait3A_310 = arith.constant 0 : i32
        %dma_wait3A_311 = tpu.memref_slice %arg7[%dma_wait3A_309, %dma_wait3A_310] : memref<79x128xi32, #tpu.memory_space<vmem>> -> memref<1x128xi32, #tpu.memory_space<vmem>>
        %dma_wait3A_312 = tpu.memref_squeeze %dma_wait3A_311 : memref<1x128xi32, #tpu.memory_space<vmem>> -> memref<128xi32, #tpu.memory_space<vmem>>
        %dma_wait3A_313 = arith.constant 0 : i32
        %dma_wait3A_314 = arith.constant 0 : i32
        %dma_wait3A_315 = tpu.memref_slice %arg16[%dma_wait3A_313, %dma_wait3A_314] : memref<10112x64xbf16, #tpu.memory_space<vmem_shared>> -> memref<10112x64xbf16, #tpu.memory_space<vmem_shared>>
        tpu.wait_indirect_dma semaphore(%arg25 : memref<!tpu.dma_semaphore, #tpu.memory_space<semaphore_mem>>) src(%arg8 : memref<128x64xbf16, #tpu.memory_space<vmem>>) dst(%dma_wait3A_315 : memref<10112x64xbf16, #tpu.memory_space<vmem_shared>>)
        %dma_start3A_316 = arith.constant 0 : i32
        %dma_start3A_317 = tpu.memref_slice %arg6[%add3A_234, %dma_start3A_316] : memref<79x128xi32, #tpu.memory_space<vmem>> -> memref<1x128xi32, #tpu.memory_space<vmem>>
        %dma_start3A_318 = tpu.memref_squeeze %dma_start3A_317 : memref<1x128xi32, #tpu.memory_space<vmem>> -> memref<128xi32, #tpu.memory_space<vmem>>
        %dma_start3A_319 = arith.constant 0 : i32
        %dma_start3A_320 = arith.constant 0 : i32
        %dma_start3A_321 = tpu.memref_slice %arg3[%dma_start3A_319, %dma_start3A_320] : memref<10112x64xbf16, #tpu.memory_space<hbm>> -> memref<10112x64xbf16, #tpu.memory_space<hbm>>
        tpu.enqueue_indirect_dma source(%dma_start3A_321 : memref<10112x64xbf16, #tpu.memory_space<hbm>>) target(%arg8 : memref<128x64xbf16, #tpu.memory_space<vmem>>) offsets(%dma_start3A_318 : memref<128xi32, #tpu.memory_space<vmem>>) semaphore(%arg17 : memref<!tpu.dma_semaphore, #tpu.memory_space<semaphore_mem>>)
      } else {
      }
      %mul3A_239 = arith.constant 8 : i32
      %mul3A_240 = arith.muli %mul3A_239, %scan3A_167 : i32
      %add3A_241 = arith.constant 1 : i32
      %add3A_242 = arith.addi %mul3A_240, %add3A_241 : i32
      %add3A_243 = arith.constant 8 : i32
      %add3A_244 = arith.addi %add3A_242, %add3A_243 : i32
      %lt3A_245 = arith.cmpi slt, %add3A_244, %sub3A_47 : i32
      %convert_element_type3A_246 = arith.extui %lt3A_245 : i1 to i32
      %cond3A_247 = arith.constant 0 : i32
      %cond3A_248 = arith.cmpi ne, %convert_element_type3A_246, %cond3A_247 : i32
      scf.if %cond3A_248 {
        %dma_wait3A_309 = arith.constant 0 : i32
        %dma_wait3A_310 = arith.constant 0 : i32
        %dma_wait3A_311 = tpu.memref_slice %arg7[%dma_wait3A_309, %dma_wait3A_310] : memref<79x128xi32, #tpu.memory_space<vmem>> -> memref<1x128xi32, #tpu.memory_space<vmem>>
        %dma_wait3A_312 = tpu.memref_squeeze %dma_wait3A_311 : memref<1x128xi32, #tpu.memory_space<vmem>> -> memref<128xi32, #tpu.memory_space<vmem>>
        %dma_wait3A_313 = arith.constant 0 : i32
        %dma_wait3A_314 = arith.constant 0 : i32
        %dma_wait3A_315 = tpu.memref_slice %arg16[%dma_wait3A_313, %dma_wait3A_314] : memref<10112x64xbf16, #tpu.memory_space<vmem_shared>> -> memref<10112x64xbf16, #tpu.memory_space<vmem_shared>>
        tpu.wait_indirect_dma semaphore(%arg26 : memref<!tpu.dma_semaphore, #tpu.memory_space<semaphore_mem>>) src(%arg9 : memref<128x64xbf16, #tpu.memory_space<vmem>>) dst(%dma_wait3A_315 : memref<10112x64xbf16, #tpu.memory_space<vmem_shared>>)
        %dma_start3A_316 = arith.constant 0 : i32
        %dma_start3A_317 = tpu.memref_slice %arg6[%add3A_244, %dma_start3A_316] : memref<79x128xi32, #tpu.memory_space<vmem>> -> memref<1x128xi32, #tpu.memory_space<vmem>>
        %dma_start3A_318 = tpu.memref_squeeze %dma_start3A_317 : memref<1x128xi32, #tpu.memory_space<vmem>> -> memref<128xi32, #tpu.memory_space<vmem>>
        %dma_start3A_319 = arith.constant 0 : i32
        %dma_start3A_320 = arith.constant 0 : i32
        %dma_start3A_321 = tpu.memref_slice %arg3[%dma_start3A_319, %dma_start3A_320] : memref<10112x64xbf16, #tpu.memory_space<hbm>> -> memref<10112x64xbf16, #tpu.memory_space<hbm>>
        tpu.enqueue_indirect_dma source(%dma_start3A_321 : memref<10112x64xbf16, #tpu.memory_space<hbm>>) target(%arg9 : memref<128x64xbf16, #tpu.memory_space<vmem>>) offsets(%dma_start3A_318 : memref<128xi32, #tpu.memory_space<vmem>>) semaphore(%arg18 : memref<!tpu.dma_semaphore, #tpu.memory_space<semaphore_mem>>)
      } else {
      }
      %mul3A_249 = arith.constant 8 : i32
      %mul3A_250 = arith.muli %mul3A_249, %scan3A_167 : i32
      %add3A_251 = arith.constant 2 : i32
      %add3A_252 = arith.addi %mul3A_250, %add3A_251 : i32
      %add3A_253 = arith.constant 8 : i32
      %add3A_254 = arith.addi %add3A_252, %add3A_253 : i32
      %lt3A_255 = arith.cmpi slt, %add3A_254, %sub3A_47 : i32
      %convert_element_type3A_256 = arith.extui %lt3A_255 : i1 to i32
      %cond3A_257 = arith.constant 0 : i32
      %cond3A_258 = arith.cmpi ne, %convert_element_type3A_256, %cond3A_257 : i32
      scf.if %cond3A_258 {
        %dma_wait3A_309 = arith.constant 0 : i32
        %dma_wait3A_310 = arith.constant 0 : i32
        %dma_wait3A_311 = tpu.memref_slice %arg7[%dma_wait3A_309, %dma_wait3A_310] : memref<79x128xi32, #tpu.memory_space<vmem>> -> memref<1x128xi32, #tpu.memory_space<vmem>>
        %dma_wait3A_312 = tpu.memref_squeeze %dma_wait3A_311 : memref<1x128xi32, #tpu.memory_space<vmem>> -> memref<128xi32, #tpu.memory_space<vmem>>
        %dma_wait3A_313 = arith.constant 0 : i32
        %dma_wait3A_314 = arith.constant 0 : i32
        %dma_wait3A_315 = tpu.memref_slice %arg16[%dma_wait3A_313, %dma_wait3A_314] : memref<10112x64xbf16, #tpu.memory_space<vmem_shared>> -> memref<10112x64xbf16, #tpu.memory_space<vmem_shared>>
        tpu.wait_indirect_dma semaphore(%arg27 : memref<!tpu.dma_semaphore, #tpu.memory_space<semaphore_mem>>) src(%arg10 : memref<128x64xbf16, #tpu.memory_space<vmem>>) dst(%dma_wait3A_315 : memref<10112x64xbf16, #tpu.memory_space<vmem_shared>>)
        %dma_start3A_316 = arith.constant 0 : i32
        %dma_start3A_317 = tpu.memref_slice %arg6[%add3A_254, %dma_start3A_316] : memref<79x128xi32, #tpu.memory_space<vmem>> -> memref<1x128xi32, #tpu.memory_space<vmem>>
        %dma_start3A_318 = tpu.memref_squeeze %dma_start3A_317 : memref<1x128xi32, #tpu.memory_space<vmem>> -> memref<128xi32, #tpu.memory_space<vmem>>
        %dma_start3A_319 = arith.constant 0 : i32
        %dma_start3A_320 = arith.constant 0 : i32
        %dma_start3A_321 = tpu.memref_slice %arg3[%dma_start3A_319, %dma_start3A_320] : memref<10112x64xbf16, #tpu.memory_space<hbm>> -> memref<10112x64xbf16, #tpu.memory_space<hbm>>
        tpu.enqueue_indirect_dma source(%dma_start3A_321 : memref<10112x64xbf16, #tpu.memory_space<hbm>>) target(%arg10 : memref<128x64xbf16, #tpu.memory_space<vmem>>) offsets(%dma_start3A_318 : memref<128xi32, #tpu.memory_space<vmem>>) semaphore(%arg19 : memref<!tpu.dma_semaphore, #tpu.memory_space<semaphore_mem>>)
      } else {
      }
      %mul3A_259 = arith.constant 8 : i32
      %mul3A_260 = arith.muli %mul3A_259, %scan3A_167 : i32
      %add3A_261 = arith.constant 3 : i32
      %add3A_262 = arith.addi %mul3A_260, %add3A_261 : i32
      %add3A_263 = arith.constant 8 : i32
      %add3A_264 = arith.addi %add3A_262, %add3A_263 : i32
      %lt3A_265 = arith.cmpi slt, %add3A_264, %sub3A_47 : i32
      %convert_element_type3A_266 = arith.extui %lt3A_265 : i1 to i32
      %cond3A_267 = arith.constant 0 : i32
      %cond3A_268 = arith.cmpi ne, %convert_element_type3A_266, %cond3A_267 : i32
      scf.if %cond3A_268 {
        %dma_wait3A_309 = arith.constant 0 : i32
        %dma_wait3A_310 = arith.constant 0 : i32
        %dma_wait3A_311 = tpu.memref_slice %arg7[%dma_wait3A_309, %dma_wait3A_310] : memref<79x128xi32, #tpu.memory_space<vmem>> -> memref<1x128xi32, #tpu.memory_space<vmem>>
        %dma_wait3A_312 = tpu.memref_squeeze %dma_wait3A_311 : memref<1x128xi32, #tpu.memory_space<vmem>> -> memref<128xi32, #tpu.memory_space<vmem>>
        %dma_wait3A_313 = arith.constant 0 : i32
        %dma_wait3A_314 = arith.constant 0 : i32
        %dma_wait3A_315 = tpu.memref_slice %arg16[%dma_wait3A_313, %dma_wait3A_314] : memref<10112x64xbf16, #tpu.memory_space<vmem_shared>> -> memref<10112x64xbf16, #tpu.memory_space<vmem_shared>>
        tpu.wait_indirect_dma semaphore(%arg28 : memref<!tpu.dma_semaphore, #tpu.memory_space<semaphore_mem>>) src(%arg11 : memref<128x64xbf16, #tpu.memory_space<vmem>>) dst(%dma_wait3A_315 : memref<10112x64xbf16, #tpu.memory_space<vmem_shared>>)
        %dma_start3A_316 = arith.constant 0 : i32
        %dma_start3A_317 = tpu.memref_slice %arg6[%add3A_264, %dma_start3A_316] : memref<79x128xi32, #tpu.memory_space<vmem>> -> memref<1x128xi32, #tpu.memory_space<vmem>>
        %dma_start3A_318 = tpu.memref_squeeze %dma_start3A_317 : memref<1x128xi32, #tpu.memory_space<vmem>> -> memref<128xi32, #tpu.memory_space<vmem>>
        %dma_start3A_319 = arith.constant 0 : i32
        %dma_start3A_320 = arith.constant 0 : i32
        %dma_start3A_321 = tpu.memref_slice %arg3[%dma_start3A_319, %dma_start3A_320] : memref<10112x64xbf16, #tpu.memory_space<hbm>> -> memref<10112x64xbf16, #tpu.memory_space<hbm>>
        tpu.enqueue_indirect_dma source(%dma_start3A_321 : memref<10112x64xbf16, #tpu.memory_space<hbm>>) target(%arg11 : memref<128x64xbf16, #tpu.memory_space<vmem>>) offsets(%dma_start3A_318 : memref<128xi32, #tpu.memory_space<vmem>>) semaphore(%arg20 : memref<!tpu.dma_semaphore, #tpu.memory_space<semaphore_mem>>)
      } else {
      }
      %mul3A_269 = arith.constant 8 : i32
      %mul3A_270 = arith.muli %mul3A_269, %scan3A_167 : i32
      %add3A_271 = arith.constant 4 : i32
      %add3A_272 = arith.addi %mul3A_270, %add3A_271 : i32
      %add3A_273 = arith.constant 8 : i32
      %add3A_274 = arith.addi %add3A_272, %add3A_273 : i32
      %lt3A_275 = arith.cmpi slt, %add3A_274, %sub3A_47 : i32
      %convert_element_type3A_276 = arith.extui %lt3A_275 : i1 to i32
      %cond3A_277 = arith.constant 0 : i32
      %cond3A_278 = arith.cmpi ne, %convert_element_type3A_276, %cond3A_277 : i32
      scf.if %cond3A_278 {
        %dma_wait3A_309 = arith.constant 0 : i32
        %dma_wait3A_310 = arith.constant 0 : i32
        %dma_wait3A_311 = tpu.memref_slice %arg7[%dma_wait3A_309, %dma_wait3A_310] : memref<79x128xi32, #tpu.memory_space<vmem>> -> memref<1x128xi32, #tpu.memory_space<vmem>>
        %dma_wait3A_312 = tpu.memref_squeeze %dma_wait3A_311 : memref<1x128xi32, #tpu.memory_space<vmem>> -> memref<128xi32, #tpu.memory_space<vmem>>
        %dma_wait3A_313 = arith.constant 0 : i32
        %dma_wait3A_314 = arith.constant 0 : i32
        %dma_wait3A_315 = tpu.memref_slice %arg16[%dma_wait3A_313, %dma_wait3A_314] : memref<10112x64xbf16, #tpu.memory_space<vmem_shared>> -> memref<10112x64xbf16, #tpu.memory_space<vmem_shared>>
        tpu.wait_indirect_dma semaphore(%arg29 : memref<!tpu.dma_semaphore, #tpu.memory_space<semaphore_mem>>) src(%arg12 : memref<128x64xbf16, #tpu.memory_space<vmem>>) dst(%dma_wait3A_315 : memref<10112x64xbf16, #tpu.memory_space<vmem_shared>>)
        %dma_start3A_316 = arith.constant 0 : i32
        %dma_start3A_317 = tpu.memref_slice %arg6[%add3A_274, %dma_start3A_316] : memref<79x128xi32, #tpu.memory_space<vmem>> -> memref<1x128xi32, #tpu.memory_space<vmem>>
        %dma_start3A_318 = tpu.memref_squeeze %dma_start3A_317 : memref<1x128xi32, #tpu.memory_space<vmem>> -> memref<128xi32, #tpu.memory_space<vmem>>
        %dma_start3A_319 = arith.constant 0 : i32
        %dma_start3A_320 = arith.constant 0 : i32
        %dma_start3A_321 = tpu.memref_slice %arg3[%dma_start3A_319, %dma_start3A_320] : memref<10112x64xbf16, #tpu.memory_space<hbm>> -> memref<10112x64xbf16, #tpu.memory_space<hbm>>
        tpu.enqueue_indirect_dma source(%dma_start3A_321 : memref<10112x64xbf16, #tpu.memory_space<hbm>>) target(%arg12 : memref<128x64xbf16, #tpu.memory_space<vmem>>) offsets(%dma_start3A_318 : memref<128xi32, #tpu.memory_space<vmem>>) semaphore(%arg21 : memref<!tpu.dma_semaphore, #tpu.memory_space<semaphore_mem>>)
      } else {
      }
      %mul3A_279 = arith.constant 8 : i32
      %mul3A_280 = arith.muli %mul3A_279, %scan3A_167 : i32
      %add3A_281 = arith.constant 5 : i32
      %add3A_282 = arith.addi %mul3A_280, %add3A_281 : i32
      %add3A_283 = arith.constant 8 : i32
      %add3A_284 = arith.addi %add3A_282, %add3A_283 : i32
      %lt3A_285 = arith.cmpi slt, %add3A_284, %sub3A_47 : i32
      %convert_element_type3A_286 = arith.extui %lt3A_285 : i1 to i32
      %cond3A_287 = arith.constant 0 : i32
      %cond3A_288 = arith.cmpi ne, %convert_element_type3A_286, %cond3A_287 : i32
      scf.if %cond3A_288 {
        %dma_wait3A_309 = arith.constant 0 : i32
        %dma_wait3A_310 = arith.constant 0 : i32
        %dma_wait3A_311 = tpu.memref_slice %arg7[%dma_wait3A_309, %dma_wait3A_310] : memref<79x128xi32, #tpu.memory_space<vmem>> -> memref<1x128xi32, #tpu.memory_space<vmem>>
        %dma_wait3A_312 = tpu.memref_squeeze %dma_wait3A_311 : memref<1x128xi32, #tpu.memory_space<vmem>> -> memref<128xi32, #tpu.memory_space<vmem>>
        %dma_wait3A_313 = arith.constant 0 : i32
        %dma_wait3A_314 = arith.constant 0 : i32
        %dma_wait3A_315 = tpu.memref_slice %arg16[%dma_wait3A_313, %dma_wait3A_314] : memref<10112x64xbf16, #tpu.memory_space<vmem_shared>> -> memref<10112x64xbf16, #tpu.memory_space<vmem_shared>>
        tpu.wait_indirect_dma semaphore(%arg30 : memref<!tpu.dma_semaphore, #tpu.memory_space<semaphore_mem>>) src(%arg13 : memref<128x64xbf16, #tpu.memory_space<vmem>>) dst(%dma_wait3A_315 : memref<10112x64xbf16, #tpu.memory_space<vmem_shared>>)
        %dma_start3A_316 = arith.constant 0 : i32
        %dma_start3A_317 = tpu.memref_slice %arg6[%add3A_284, %dma_start3A_316] : memref<79x128xi32, #tpu.memory_space<vmem>> -> memref<1x128xi32, #tpu.memory_space<vmem>>
        %dma_start3A_318 = tpu.memref_squeeze %dma_start3A_317 : memref<1x128xi32, #tpu.memory_space<vmem>> -> memref<128xi32, #tpu.memory_space<vmem>>
        %dma_start3A_319 = arith.constant 0 : i32
        %dma_start3A_320 = arith.constant 0 : i32
        %dma_start3A_321 = tpu.memref_slice %arg3[%dma_start3A_319, %dma_start3A_320] : memref<10112x64xbf16, #tpu.memory_space<hbm>> -> memref<10112x64xbf16, #tpu.memory_space<hbm>>
        tpu.enqueue_indirect_dma source(%dma_start3A_321 : memref<10112x64xbf16, #tpu.memory_space<hbm>>) target(%arg13 : memref<128x64xbf16, #tpu.memory_space<vmem>>) offsets(%dma_start3A_318 : memref<128xi32, #tpu.memory_space<vmem>>) semaphore(%arg22 : memref<!tpu.dma_semaphore, #tpu.memory_space<semaphore_mem>>)
      } else {
      }
      %mul3A_289 = arith.constant 8 : i32
      %mul3A_290 = arith.muli %mul3A_289, %scan3A_167 : i32
      %add3A_291 = arith.constant 6 : i32
      %add3A_292 = arith.addi %mul3A_290, %add3A_291 : i32
      %add3A_293 = arith.constant 8 : i32
      %add3A_294 = arith.addi %add3A_292, %add3A_293 : i32
      %lt3A_295 = arith.cmpi slt, %add3A_294, %sub3A_47 : i32
      %convert_element_type3A_296 = arith.extui %lt3A_295 : i1 to i32
      %cond3A_297 = arith.constant 0 : i32
      %cond3A_298 = arith.cmpi ne, %convert_element_type3A_296, %cond3A_297 : i32
      scf.if %cond3A_298 {
        %dma_wait3A_309 = arith.constant 0 : i32
        %dma_wait3A_310 = arith.constant 0 : i32
        %dma_wait3A_311 = tpu.memref_slice %arg7[%dma_wait3A_309, %dma_wait3A_310] : memref<79x128xi32, #tpu.memory_space<vmem>> -> memref<1x128xi32, #tpu.memory_space<vmem>>
        %dma_wait3A_312 = tpu.memref_squeeze %dma_wait3A_311 : memref<1x128xi32, #tpu.memory_space<vmem>> -> memref<128xi32, #tpu.memory_space<vmem>>
        %dma_wait3A_313 = arith.constant 0 : i32
        %dma_wait3A_314 = arith.constant 0 : i32
        %dma_wait3A_315 = tpu.memref_slice %arg16[%dma_wait3A_313, %dma_wait3A_314] : memref<10112x64xbf16, #tpu.memory_space<vmem_shared>> -> memref<10112x64xbf16, #tpu.memory_space<vmem_shared>>
        tpu.wait_indirect_dma semaphore(%arg31 : memref<!tpu.dma_semaphore, #tpu.memory_space<semaphore_mem>>) src(%arg14 : memref<128x64xbf16, #tpu.memory_space<vmem>>) dst(%dma_wait3A_315 : memref<10112x64xbf16, #tpu.memory_space<vmem_shared>>)
        %dma_start3A_316 = arith.constant 0 : i32
        %dma_start3A_317 = tpu.memref_slice %arg6[%add3A_294, %dma_start3A_316] : memref<79x128xi32, #tpu.memory_space<vmem>> -> memref<1x128xi32, #tpu.memory_space<vmem>>
        %dma_start3A_318 = tpu.memref_squeeze %dma_start3A_317 : memref<1x128xi32, #tpu.memory_space<vmem>> -> memref<128xi32, #tpu.memory_space<vmem>>
        %dma_start3A_319 = arith.constant 0 : i32
        %dma_start3A_320 = arith.constant 0 : i32
        %dma_start3A_321 = tpu.memref_slice %arg3[%dma_start3A_319, %dma_start3A_320] : memref<10112x64xbf16, #tpu.memory_space<hbm>> -> memref<10112x64xbf16, #tpu.memory_space<hbm>>
        tpu.enqueue_indirect_dma source(%dma_start3A_321 : memref<10112x64xbf16, #tpu.memory_space<hbm>>) target(%arg14 : memref<128x64xbf16, #tpu.memory_space<vmem>>) offsets(%dma_start3A_318 : memref<128xi32, #tpu.memory_space<vmem>>) semaphore(%arg23 : memref<!tpu.dma_semaphore, #tpu.memory_space<semaphore_mem>>)
      } else {
      }
      %mul3A_299 = arith.constant 8 : i32
      %mul3A_300 = arith.muli %mul3A_299, %scan3A_167 : i32
      %add3A_301 = arith.constant 7 : i32
      %add3A_302 = arith.addi %mul3A_300, %add3A_301 : i32
      %add3A_303 = arith.constant 8 : i32
      %add3A_304 = arith.addi %add3A_302, %add3A_303 : i32
      %lt3A_305 = arith.cmpi slt, %add3A_304, %sub3A_47 : i32
      %convert_element_type3A_306 = arith.extui %lt3A_305 : i1 to i32
      %cond3A_307 = arith.constant 0 : i32
      %cond3A_308 = arith.cmpi ne, %convert_element_type3A_306, %cond3A_307 : i32
      scf.if %cond3A_308 {
        %dma_wait3A_309 = arith.constant 0 : i32
        %dma_wait3A_310 = arith.constant 0 : i32
        %dma_wait3A_311 = tpu.memref_slice %arg7[%dma_wait3A_309, %dma_wait3A_310] : memref<79x128xi32, #tpu.memory_space<vmem>> -> memref<1x128xi32, #tpu.memory_space<vmem>>
        %dma_wait3A_312 = tpu.memref_squeeze %dma_wait3A_311 : memref<1x128xi32, #tpu.memory_space<vmem>> -> memref<128xi32, #tpu.memory_space<vmem>>
        %dma_wait3A_313 = arith.constant 0 : i32
        %dma_wait3A_314 = arith.constant 0 : i32
        %dma_wait3A_315 = tpu.memref_slice %arg16[%dma_wait3A_313, %dma_wait3A_314] : memref<10112x64xbf16, #tpu.memory_space<vmem_shared>> -> memref<10112x64xbf16, #tpu.memory_space<vmem_shared>>
        tpu.wait_indirect_dma semaphore(%arg32 : memref<!tpu.dma_semaphore, #tpu.memory_space<semaphore_mem>>) src(%arg15 : memref<128x64xbf16, #tpu.memory_space<vmem>>) dst(%dma_wait3A_315 : memref<10112x64xbf16, #tpu.memory_space<vmem_shared>>)
        %dma_start3A_316 = arith.constant 0 : i32
        %dma_start3A_317 = tpu.memref_slice %arg6[%add3A_304, %dma_start3A_316] : memref<79x128xi32, #tpu.memory_space<vmem>> -> memref<1x128xi32, #tpu.memory_space<vmem>>
        %dma_start3A_318 = tpu.memref_squeeze %dma_start3A_317 : memref<1x128xi32, #tpu.memory_space<vmem>> -> memref<128xi32, #tpu.memory_space<vmem>>
        %dma_start3A_319 = arith.constant 0 : i32
        %dma_start3A_320 = arith.constant 0 : i32
        %dma_start3A_321 = tpu.memref_slice %arg3[%dma_start3A_319, %dma_start3A_320] : memref<10112x64xbf16, #tpu.memory_space<hbm>> -> memref<10112x64xbf16, #tpu.memory_space<hbm>>
        tpu.enqueue_indirect_dma source(%dma_start3A_321 : memref<10112x64xbf16, #tpu.memory_space<hbm>>) target(%arg15 : memref<128x64xbf16, #tpu.memory_space<vmem>>) offsets(%dma_start3A_318 : memref<128xi32, #tpu.memory_space<vmem>>) semaphore(%arg24 : memref<!tpu.dma_semaphore, #tpu.memory_space<semaphore_mem>>)
      } else {
      }
    }
    %scan3A_110 = arith.constant 10 : i32
    %dma_wait3A = arith.constant 0 : i32
    %dma_wait3A_111 = arith.constant 0 : i32
    %dma_wait3A_112 = tpu.memref_slice %arg7[%dma_wait3A, %dma_wait3A_111] : memref<79x128xi32, #tpu.memory_space<vmem>> -> memref<1x128xi32, #tpu.memory_space<vmem>>
    %dma_wait3A_113 = tpu.memref_squeeze %dma_wait3A_112 : memref<1x128xi32, #tpu.memory_space<vmem>> -> memref<128xi32, #tpu.memory_space<vmem>>
    %dma_wait3A_114 = arith.constant 0 : i32
    %dma_wait3A_115 = arith.constant 0 : i32
    %dma_wait3A_116 = tpu.memref_slice %arg16[%dma_wait3A_114, %dma_wait3A_115] : memref<10112x64xbf16, #tpu.memory_space<vmem_shared>> -> memref<10112x64xbf16, #tpu.memory_space<vmem_shared>>
    tpu.wait_indirect_dma semaphore(%arg25 : memref<!tpu.dma_semaphore, #tpu.memory_space<semaphore_mem>>) src(%arg8 : memref<128x64xbf16, #tpu.memory_space<vmem>>) dst(%dma_wait3A_116 : memref<10112x64xbf16, #tpu.memory_space<vmem_shared>>)
    %dma_wait3A_117 = arith.constant 0 : i32
    %dma_wait3A_118 = arith.constant 0 : i32
    %dma_wait3A_119 = tpu.memref_slice %arg7[%dma_wait3A_117, %dma_wait3A_118] : memref<79x128xi32, #tpu.memory_space<vmem>> -> memref<1x128xi32, #tpu.memory_space<vmem>>
    %dma_wait3A_120 = tpu.memref_squeeze %dma_wait3A_119 : memref<1x128xi32, #tpu.memory_space<vmem>> -> memref<128xi32, #tpu.memory_space<vmem>>
    %dma_wait3A_121 = arith.constant 0 : i32
    %dma_wait3A_122 = arith.constant 0 : i32
    %dma_wait3A_123 = tpu.memref_slice %arg16[%dma_wait3A_121, %dma_wait3A_122] : memref<10112x64xbf16, #tpu.memory_space<vmem_shared>> -> memref<10112x64xbf16, #tpu.memory_space<vmem_shared>>
    tpu.wait_indirect_dma semaphore(%arg26 : memref<!tpu.dma_semaphore, #tpu.memory_space<semaphore_mem>>) src(%arg9 : memref<128x64xbf16, #tpu.memory_space<vmem>>) dst(%dma_wait3A_123 : memref<10112x64xbf16, #tpu.memory_space<vmem_shared>>)
    %dma_wait3A_124 = arith.constant 0 : i32
    %dma_wait3A_125 = arith.constant 0 : i32
    %dma_wait3A_126 = tpu.memref_slice %arg7[%dma_wait3A_124, %dma_wait3A_125] : memref<79x128xi32, #tpu.memory_space<vmem>> -> memref<1x128xi32, #tpu.memory_space<vmem>>
    %dma_wait3A_127 = tpu.memref_squeeze %dma_wait3A_126 : memref<1x128xi32, #tpu.memory_space<vmem>> -> memref<128xi32, #tpu.memory_space<vmem>>
    %dma_wait3A_128 = arith.constant 0 : i32
    %dma_wait3A_129 = arith.constant 0 : i32
    %dma_wait3A_130 = tpu.memref_slice %arg16[%dma_wait3A_128, %dma_wait3A_129] : memref<10112x64xbf16, #tpu.memory_space<vmem_shared>> -> memref<10112x64xbf16, #tpu.memory_space<vmem_shared>>
    tpu.wait_indirect_dma semaphore(%arg27 : memref<!tpu.dma_semaphore, #tpu.memory_space<semaphore_mem>>) src(%arg10 : memref<128x64xbf16, #tpu.memory_space<vmem>>) dst(%dma_wait3A_130 : memref<10112x64xbf16, #tpu.memory_space<vmem_shared>>)
    %dma_wait3A_131 = arith.constant 0 : i32
    %dma_wait3A_132 = arith.constant 0 : i32
    %dma_wait3A_133 = tpu.memref_slice %arg7[%dma_wait3A_131, %dma_wait3A_132] : memref<79x128xi32, #tpu.memory_space<vmem>> -> memref<1x128xi32, #tpu.memory_space<vmem>>
    %dma_wait3A_134 = tpu.memref_squeeze %dma_wait3A_133 : memref<1x128xi32, #tpu.memory_space<vmem>> -> memref<128xi32, #tpu.memory_space<vmem>>
    %dma_wait3A_135 = arith.constant 0 : i32
    %dma_wait3A_136 = arith.constant 0 : i32
    %dma_wait3A_137 = tpu.memref_slice %arg16[%dma_wait3A_135, %dma_wait3A_136] : memref<10112x64xbf16, #tpu.memory_space<vmem_shared>> -> memref<10112x64xbf16, #tpu.memory_space<vmem_shared>>
    tpu.wait_indirect_dma semaphore(%arg28 : memref<!tpu.dma_semaphore, #tpu.memory_space<semaphore_mem>>) src(%arg11 : memref<128x64xbf16, #tpu.memory_space<vmem>>) dst(%dma_wait3A_137 : memref<10112x64xbf16, #tpu.memory_space<vmem_shared>>)
    %dma_wait3A_138 = arith.constant 0 : i32
    %dma_wait3A_139 = arith.constant 0 : i32
    %dma_wait3A_140 = tpu.memref_slice %arg7[%dma_wait3A_138, %dma_wait3A_139] : memref<79x128xi32, #tpu.memory_space<vmem>> -> memref<1x128xi32, #tpu.memory_space<vmem>>
    %dma_wait3A_141 = tpu.memref_squeeze %dma_wait3A_140 : memref<1x128xi32, #tpu.memory_space<vmem>> -> memref<128xi32, #tpu.memory_space<vmem>>
    %dma_wait3A_142 = arith.constant 0 : i32
    %dma_wait3A_143 = arith.constant 0 : i32
    %dma_wait3A_144 = tpu.memref_slice %arg16[%dma_wait3A_142, %dma_wait3A_143] : memref<10112x64xbf16, #tpu.memory_space<vmem_shared>> -> memref<10112x64xbf16, #tpu.memory_space<vmem_shared>>
    tpu.wait_indirect_dma semaphore(%arg29 : memref<!tpu.dma_semaphore, #tpu.memory_space<semaphore_mem>>) src(%arg12 : memref<128x64xbf16, #tpu.memory_space<vmem>>) dst(%dma_wait3A_144 : memref<10112x64xbf16, #tpu.memory_space<vmem_shared>>)
    %dma_wait3A_145 = arith.constant 0 : i32
    %dma_wait3A_146 = arith.constant 0 : i32
    %dma_wait3A_147 = tpu.memref_slice %arg7[%dma_wait3A_145, %dma_wait3A_146] : memref<79x128xi32, #tpu.memory_space<vmem>> -> memref<1x128xi32, #tpu.memory_space<vmem>>
    %dma_wait3A_148 = tpu.memref_squeeze %dma_wait3A_147 : memref<1x128xi32, #tpu.memory_space<vmem>> -> memref<128xi32, #tpu.memory_space<vmem>>
    %dma_wait3A_149 = arith.constant 0 : i32
    %dma_wait3A_150 = arith.constant 0 : i32
    %dma_wait3A_151 = tpu.memref_slice %arg16[%dma_wait3A_149, %dma_wait3A_150] : memref<10112x64xbf16, #tpu.memory_space<vmem_shared>> -> memref<10112x64xbf16, #tpu.memory_space<vmem_shared>>
    tpu.wait_indirect_dma semaphore(%arg30 : memref<!tpu.dma_semaphore, #tpu.memory_space<semaphore_mem>>) src(%arg13 : memref<128x64xbf16, #tpu.memory_space<vmem>>) dst(%dma_wait3A_151 : memref<10112x64xbf16, #tpu.memory_space<vmem_shared>>)
    %dma_wait3A_152 = arith.constant 0 : i32
    %dma_wait3A_153 = arith.constant 0 : i32
    %dma_wait3A_154 = tpu.memref_slice %arg7[%dma_wait3A_152, %dma_wait3A_153] : memref<79x128xi32, #tpu.memory_space<vmem>> -> memref<1x128xi32, #tpu.memory_space<vmem>>
    %dma_wait3A_155 = tpu.memref_squeeze %dma_wait3A_154 : memref<1x128xi32, #tpu.memory_space<vmem>> -> memref<128xi32, #tpu.memory_space<vmem>>
    %dma_wait3A_156 = arith.constant 0 : i32
    %dma_wait3A_157 = arith.constant 0 : i32
    %dma_wait3A_158 = tpu.memref_slice %arg16[%dma_wait3A_156, %dma_wait3A_157] : memref<10112x64xbf16, #tpu.memory_space<vmem_shared>> -> memref<10112x64xbf16, #tpu.memory_space<vmem_shared>>
    tpu.wait_indirect_dma semaphore(%arg31 : memref<!tpu.dma_semaphore, #tpu.memory_space<semaphore_mem>>) src(%arg14 : memref<128x64xbf16, #tpu.memory_space<vmem>>) dst(%dma_wait3A_158 : memref<10112x64xbf16, #tpu.memory_space<vmem_shared>>)
    %dma_wait3A_159 = arith.constant 0 : i32
    %dma_wait3A_160 = arith.constant 0 : i32
    %dma_wait3A_161 = tpu.memref_slice %arg7[%dma_wait3A_159, %dma_wait3A_160] : memref<79x128xi32, #tpu.memory_space<vmem>> -> memref<1x128xi32, #tpu.memory_space<vmem>>
    %dma_wait3A_162 = tpu.memref_squeeze %dma_wait3A_161 : memref<1x128xi32, #tpu.memory_space<vmem>> -> memref<128xi32, #tpu.memory_space<vmem>>
    %dma_wait3A_163 = arith.constant 0 : i32
    %dma_wait3A_164 = arith.constant 0 : i32
    %dma_wait3A_165 = tpu.memref_slice %arg16[%dma_wait3A_163, %dma_wait3A_164] : memref<10112x64xbf16, #tpu.memory_space<vmem_shared>> -> memref<10112x64xbf16, #tpu.memory_space<vmem_shared>>
    tpu.wait_indirect_dma semaphore(%arg32 : memref<!tpu.dma_semaphore, #tpu.memory_space<semaphore_mem>>) src(%arg15 : memref<128x64xbf16, #tpu.memory_space<vmem>>) dst(%dma_wait3A_165 : memref<10112x64xbf16, #tpu.memory_space<vmem_shared>>)
    %barrier3A_166 = arith.constant 0 : index
    tpu.barrier barrier_id(%barrier3A_166)
    "tpu.region"() ({
      %run_scoped3A_167 = tpu.sem_alloc : memref<!tpu.dma_semaphore, #tpu.memory_space<semaphore_mem>>
      %dma_start3A_168 = arith.constant 0 : i32
      %dma_start3A_169 = tpu.memref_slice %arg5[%arg0, %mul3A_50, %dma_start3A_168] : memref<2x10112x64xbf16, #tpu.memory_space<hbm>> -> memref<1x632x64xbf16, #tpu.memory_space<hbm>>
      %dma_start3A_170 = tpu.memref_squeeze %dma_start3A_169 : memref<1x632x64xbf16, #tpu.memory_space<hbm>> -> memref<632x64xbf16, #tpu.memory_space<hbm>>
      %dma_start3A_171 = arith.constant 0 : i32
      %dma_start3A_172 = tpu.memref_slice %arg16[%mul3A_50, %dma_start3A_171] : memref<10112x64xbf16, #tpu.memory_space<vmem_shared>> -> memref<632x64xbf16, #tpu.memory_space<vmem_shared>>
      tpu.enqueue_dma source(%dma_start3A_172 : memref<632x64xbf16, #tpu.memory_space<vmem_shared>>) target(%dma_start3A_170 : memref<632x64xbf16, #tpu.memory_space<hbm>>) target_semaphore(%run_scoped3A_167 : memref<!tpu.dma_semaphore, #tpu.memory_space<semaphore_mem>>)
      %dma_wait3A_173 = arith.constant 0 : i32
      %dma_wait3A_174 = tpu.memref_slice %arg5[%arg0, %mul3A_50, %dma_wait3A_173] : memref<2x10112x64xbf16, #tpu.memory_space<hbm>> -> memref<1x632x64xbf16, #tpu.memory_space<hbm>>
      %dma_wait3A_175 = tpu.memref_squeeze %dma_wait3A_174 : memref<1x632x64xbf16, #tpu.memory_space<hbm>> -> memref<632x64xbf16, #tpu.memory_space<hbm>>
      %dma_wait3A_176 = arith.constant 0 : i32
      %dma_wait3A_177 = tpu.memref_slice %arg16[%mul3A_50, %dma_wait3A_176] : memref<10112x64xbf16, #tpu.memory_space<vmem_shared>> -> memref<632x64xbf16, #tpu.memory_space<vmem_shared>>
      tpu.wait_dma2 semaphore(%run_scoped3A_167 : memref<!tpu.dma_semaphore, #tpu.memory_space<semaphore_mem>>) src(%dma_wait3A_177 : memref<632x64xbf16, #tpu.memory_space<vmem_shared>>) dst(%dma_wait3A_175 : memref<632x64xbf16, #tpu.memory_space<hbm>>)
      tpu.yield
    }) : () -> ()
    return
  }
}

#map = affine_map<(d0, d1) -> (0, 0, 0)>
#map1 = affine_map<(d0, d1) -> (0, 0)>
module attributes {stable_mosaic.version = 14 : i64} {
  func.func @_deg_kernel(%arg0: i32, %arg1: i32, %arg2: memref<2x2500x128xi32, #tpu.memory_space<hbm>>, %arg3: memref<128x32xbf16, #tpu.memory_space<hbm>>, %arg4: memref<10112x32xbf16, #tpu.memory_space<hbm>>, %arg5: memref<2x10112x32xbf16, #tpu.memory_space<hbm>>, %arg6: memref<79x128xi32, #tpu.memory_space<vmem>>, %arg7: memref<128x32xbf16, #tpu.memory_space<vmem>>, %arg8: memref<10112x32xbf16, #tpu.memory_space<vmem_shared>>, %arg9: memref<!tpu.dma_semaphore, #tpu.memory_space<semaphore_mem>>) attributes {dimension_semantics = [#tpu.dimension_semantics<core_parallel>, #tpu.dimension_semantics<subcore_parallel>], iteration_bounds = array<i64: 2, 16>, scalar_prefetch = 0 : i64, scratch_operands = 4 : i64, tpu.core_type = #tpu.core_type<sc_vector_subcore>, window_params = [{transform_indices = #map}, {transform_indices = #map1}, {transform_indices = #map1}, {transform_indices = #map}]} {
    %mul3A = arith.constant 16 : i32
    %mul3A_0 = arith.muli %arg0, %mul3A : i32
    %add3A = arith.addi %mul3A_0, %arg1 : i32
    %mul3A_1 = arith.constant 2500 : i32
    %mul3A_2 = arith.muli %add3A, %mul3A_1 : i32
    %jit3A = arith.constant 32 : i32
    %div3A = arith.divsi %mul3A_2, %jit3A : i32
    %sign3A = arith.constant 0 : i32
    %sign3A_3 = arith.cmpi sgt, %mul3A_2, %sign3A : i32
    %sign3A_4 = arith.extui %sign3A_3 : i1 to i32
    %sign3A_5 = arith.constant 0 : i32
    %sign3A_6 = arith.cmpi slt, %mul3A_2, %sign3A_5 : i32
    %sign3A_7 = arith.extui %sign3A_6 : i1 to i32
    %sign3A_8 = arith.subi %sign3A_4, %sign3A_7 : i32
    %sign3A_9 = arith.constant 0 : i32
    %sign3A_10 = arith.cmpi sgt, %jit3A, %sign3A_9 : i32
    %sign3A_11 = arith.extui %sign3A_10 : i1 to i32
    %sign3A_12 = arith.constant 0 : i32
    %sign3A_13 = arith.cmpi slt, %jit3A, %sign3A_12 : i32
    %sign3A_14 = arith.extui %sign3A_13 : i1 to i32
    %sign3A_15 = arith.subi %sign3A_11, %sign3A_14 : i32
    %ne3A = arith.cmpi ne, %sign3A_8, %sign3A_15 : i32
    %rem3A = arith.remsi %mul3A_2, %jit3A : i32
    %ne3A_16 = arith.constant 0 : i32
    %ne3A_17 = arith.cmpi ne, %rem3A, %ne3A_16 : i32
    %and3A = arith.andi %ne3A, %ne3A_17 : i1
    %sub3A = arith.constant 1 : i32
    %sub3A_18 = arith.subi %div3A, %sub3A : i32
    %select_n3A = arith.select %and3A, %sub3A_18, %div3A : i32
    %add3A_19 = arith.constant 1 : i32
    %add3A_20 = arith.addi %add3A, %add3A_19 : i32
    %mul3A_21 = arith.constant 2500 : i32
    %mul3A_22 = arith.muli %add3A_20, %mul3A_21 : i32
    %jit3A_23 = arith.constant 32 : i32
    %div3A_24 = arith.divsi %mul3A_22, %jit3A_23 : i32
    %sign3A_25 = arith.constant 0 : i32
    %sign3A_26 = arith.cmpi sgt, %mul3A_22, %sign3A_25 : i32
    %sign3A_27 = arith.extui %sign3A_26 : i1 to i32
    %sign3A_28 = arith.constant 0 : i32
    %sign3A_29 = arith.cmpi slt, %mul3A_22, %sign3A_28 : i32
    %sign3A_30 = arith.extui %sign3A_29 : i1 to i32
    %sign3A_31 = arith.subi %sign3A_27, %sign3A_30 : i32
    %sign3A_32 = arith.constant 0 : i32
    %sign3A_33 = arith.cmpi sgt, %jit3A_23, %sign3A_32 : i32
    %sign3A_34 = arith.extui %sign3A_33 : i1 to i32
    %sign3A_35 = arith.constant 0 : i32
    %sign3A_36 = arith.cmpi slt, %jit3A_23, %sign3A_35 : i32
    %sign3A_37 = arith.extui %sign3A_36 : i1 to i32
    %sign3A_38 = arith.subi %sign3A_34, %sign3A_37 : i32
    %ne3A_39 = arith.cmpi ne, %sign3A_31, %sign3A_38 : i32
    %rem3A_40 = arith.remsi %mul3A_22, %jit3A_23 : i32
    %ne3A_41 = arith.constant 0 : i32
    %ne3A_42 = arith.cmpi ne, %rem3A_40, %ne3A_41 : i32
    %and3A_43 = arith.andi %ne3A_39, %ne3A_42 : i1
    %sub3A_44 = arith.constant 1 : i32
    %sub3A_45 = arith.subi %div3A_24, %sub3A_44 : i32
    %select_n3A_46 = arith.select %and3A_43, %sub3A_45, %div3A_24 : i32
    %sub3A_47 = arith.subi %select_n3A_46, %select_n3A : i32
    %run_scoped3A = arith.constant 1 : i32
    "tpu.region"() ({
      %run_scoped3A_70 = tpu.sem_alloc : memref<!tpu.dma_semaphore, #tpu.memory_space<semaphore_mem>>
      %dma_start3A = arith.constant 0 : i32
      %dma_start3A_71 = tpu.memref_slice %arg2[%run_scoped3A, %select_n3A, %dma_start3A] : memref<2x2500x128xi32, #tpu.memory_space<hbm>> -> memref<1x79x128xi32, #tpu.memory_space<hbm>>
      %dma_start3A_72 = tpu.memref_squeeze %dma_start3A_71 : memref<1x79x128xi32, #tpu.memory_space<hbm>> -> memref<79x128xi32, #tpu.memory_space<hbm>>
      %dma_start3A_73 = arith.constant 0 : i32
      %dma_start3A_74 = tpu.memref_slice %arg2[%run_scoped3A, %select_n3A, %dma_start3A_73] : memref<2x2500x128xi32, #tpu.memory_space<hbm>> -> memref<1x79x128xi32, #tpu.memory_space<hbm>>
      %dma_start3A_75 = tpu.memref_squeeze %dma_start3A_74 : memref<1x79x128xi32, #tpu.memory_space<hbm>> -> memref<79x128xi32, #tpu.memory_space<hbm>>
      tpu.enqueue_dma source(%dma_start3A_75 : memref<79x128xi32, #tpu.memory_space<hbm>>) target(%arg6 : memref<79x128xi32, #tpu.memory_space<vmem>>) target_semaphore(%run_scoped3A_70 : memref<!tpu.dma_semaphore, #tpu.memory_space<semaphore_mem>>)
      %dma_wait3A = arith.constant 0 : i32
      %dma_wait3A_76 = tpu.memref_slice %arg2[%run_scoped3A, %select_n3A, %dma_wait3A] : memref<2x2500x128xi32, #tpu.memory_space<hbm>> -> memref<1x79x128xi32, #tpu.memory_space<hbm>>
      %dma_wait3A_77 = tpu.memref_squeeze %dma_wait3A_76 : memref<1x79x128xi32, #tpu.memory_space<hbm>> -> memref<79x128xi32, #tpu.memory_space<hbm>>
      %dma_wait3A_78 = arith.constant 0 : i32
      %dma_wait3A_79 = tpu.memref_slice %arg2[%run_scoped3A, %select_n3A, %dma_wait3A_78] : memref<2x2500x128xi32, #tpu.memory_space<hbm>> -> memref<1x79x128xi32, #tpu.memory_space<hbm>>
      %dma_wait3A_80 = tpu.memref_squeeze %dma_wait3A_79 : memref<1x79x128xi32, #tpu.memory_space<hbm>> -> memref<79x128xi32, #tpu.memory_space<hbm>>
      tpu.wait_dma2 semaphore(%run_scoped3A_70 : memref<!tpu.dma_semaphore, #tpu.memory_space<semaphore_mem>>) src(%dma_wait3A_80 : memref<79x128xi32, #tpu.memory_space<hbm>>) dst(%arg6 : memref<79x128xi32, #tpu.memory_space<vmem>>)
      tpu.yield
    }) : () -> ()
    "tpu.region"() ({
      %run_scoped3A_70 = tpu.sem_alloc : memref<!tpu.dma_semaphore, #tpu.memory_space<semaphore_mem>>
      tpu.enqueue_dma source(%arg3 : memref<128x32xbf16, #tpu.memory_space<hbm>>) target(%arg7 : memref<128x32xbf16, #tpu.memory_space<vmem>>) target_semaphore(%run_scoped3A_70 : memref<!tpu.dma_semaphore, #tpu.memory_space<semaphore_mem>>)
      tpu.wait_dma2 semaphore(%run_scoped3A_70 : memref<!tpu.dma_semaphore, #tpu.memory_space<semaphore_mem>>) src(%arg3 : memref<128x32xbf16, #tpu.memory_space<hbm>>) dst(%arg7 : memref<128x32xbf16, #tpu.memory_space<vmem>>)
      tpu.yield
    }) : () -> ()
    %mul3A_48 = arith.constant 632 : i32
    %mul3A_49 = arith.muli %arg1, %mul3A_48 : i32
    "tpu.region"() ({
      %run_scoped3A_70 = tpu.sem_alloc : memref<!tpu.dma_semaphore, #tpu.memory_space<semaphore_mem>>
      %dma_start3A = arith.constant 0 : i32
      %dma_start3A_71 = tpu.memref_slice %arg8[%mul3A_49, %dma_start3A] : memref<10112x32xbf16, #tpu.memory_space<vmem_shared>> -> memref<632x32xbf16, #tpu.memory_space<vmem_shared>>
      %dma_start3A_72 = arith.constant 0 : i32
      %dma_start3A_73 = tpu.memref_slice %arg4[%mul3A_49, %dma_start3A_72] : memref<10112x32xbf16, #tpu.memory_space<hbm>> -> memref<632x32xbf16, #tpu.memory_space<hbm>>
      tpu.enqueue_dma source(%dma_start3A_73 : memref<632x32xbf16, #tpu.memory_space<hbm>>) target(%dma_start3A_71 : memref<632x32xbf16, #tpu.memory_space<vmem_shared>>) target_semaphore(%run_scoped3A_70 : memref<!tpu.dma_semaphore, #tpu.memory_space<semaphore_mem>>)
      %dma_wait3A = arith.constant 0 : i32
      %dma_wait3A_74 = tpu.memref_slice %arg8[%mul3A_49, %dma_wait3A] : memref<10112x32xbf16, #tpu.memory_space<vmem_shared>> -> memref<632x32xbf16, #tpu.memory_space<vmem_shared>>
      %dma_wait3A_75 = arith.constant 0 : i32
      %dma_wait3A_76 = tpu.memref_slice %arg4[%mul3A_49, %dma_wait3A_75] : memref<10112x32xbf16, #tpu.memory_space<hbm>> -> memref<632x32xbf16, #tpu.memory_space<hbm>>
      tpu.wait_dma2 semaphore(%run_scoped3A_70 : memref<!tpu.dma_semaphore, #tpu.memory_space<semaphore_mem>>) src(%dma_wait3A_76 : memref<632x32xbf16, #tpu.memory_space<hbm>>) dst(%dma_wait3A_74 : memref<632x32xbf16, #tpu.memory_space<vmem_shared>>)
      tpu.yield
    }) : () -> ()
    %barrier3A = arith.constant 0 : index
    tpu.barrier barrier_id(%barrier3A)
    %while3A = arith.constant 0 : i32
    %while3A_50 = arith.constant 0 : i32
    %while3A_51 = arith.subi %sub3A_47, %while3A_50 : i32
    %while3A_52 = arith.addi %while3A_50, %while3A_51 : i32
    %while3A_53 = arith.constant 1 : i32
    %while3A_54 = arith.divsi %while3A_51, %while3A_53 : i32
    %while3A_55 = arith.muli %while3A_54, %while3A_53 : i32
    %while3A_56 = arith.addi %while3A_50, %while3A_55 : i32
    %while3A_57 = arith.constant 1 : i32
    scf.for %while3A_70 = %while3A_50 to %while3A_56 step %while3A_57  : i32 {
      %dma_start3A = arith.constant 0 : i32
      %dma_start3A_71 = tpu.memref_slice %arg6[%while3A_70, %dma_start3A] : memref<79x128xi32, #tpu.memory_space<vmem>> -> memref<1x128xi32, #tpu.memory_space<vmem>>
      %dma_start3A_72 = tpu.memref_squeeze %dma_start3A_71 : memref<1x128xi32, #tpu.memory_space<vmem>> -> memref<128xi32, #tpu.memory_space<vmem>>
      %dma_start3A_73 = arith.constant 0 : i32
      %dma_start3A_74 = arith.constant 0 : i32
      %dma_start3A_75 = tpu.memref_slice %arg8[%dma_start3A_73, %dma_start3A_74] : memref<10112x32xbf16, #tpu.memory_space<vmem_shared>> -> memref<10112x32xbf16, #tpu.memory_space<vmem_shared>>
      tpu.enqueue_indirect_dma source(%arg7 : memref<128x32xbf16, #tpu.memory_space<vmem>>) target(%dma_start3A_75 : memref<10112x32xbf16, #tpu.memory_space<vmem_shared>>) offsets(%dma_start3A_72 : memref<128xi32, #tpu.memory_space<vmem>>) semaphore(%arg9 : memref<!tpu.dma_semaphore, #tpu.memory_space<semaphore_mem>>) {add = true}
    }
    %while3A_58 = arith.constant 1 : i32
    scf.for %while3A_70 = %while3A_56 to %while3A_52 step %while3A_58  : i32 {
      %dma_start3A = arith.constant 0 : i32
      %dma_start3A_71 = tpu.memref_slice %arg6[%while3A_70, %dma_start3A] : memref<79x128xi32, #tpu.memory_space<vmem>> -> memref<1x128xi32, #tpu.memory_space<vmem>>
      %dma_start3A_72 = tpu.memref_squeeze %dma_start3A_71 : memref<1x128xi32, #tpu.memory_space<vmem>> -> memref<128xi32, #tpu.memory_space<vmem>>
      %dma_start3A_73 = arith.constant 0 : i32
      %dma_start3A_74 = arith.constant 0 : i32
      %dma_start3A_75 = tpu.memref_slice %arg8[%dma_start3A_73, %dma_start3A_74] : memref<10112x32xbf16, #tpu.memory_space<vmem_shared>> -> memref<10112x32xbf16, #tpu.memory_space<vmem_shared>>
      tpu.enqueue_indirect_dma source(%arg7 : memref<128x32xbf16, #tpu.memory_space<vmem>>) target(%dma_start3A_75 : memref<10112x32xbf16, #tpu.memory_space<vmem_shared>>) offsets(%dma_start3A_72 : memref<128xi32, #tpu.memory_space<vmem>>) semaphore(%arg9 : memref<!tpu.dma_semaphore, #tpu.memory_space<semaphore_mem>>) {add = true}
    }
    %while3A_59 = arith.constant 0 : i32
    %while3A_60 = arith.constant 0 : i32
    %while3A_61 = arith.subi %sub3A_47, %while3A_60 : i32
    %while3A_62 = arith.addi %while3A_60, %while3A_61 : i32
    %while3A_63 = arith.constant 1 : i32
    %while3A_64 = arith.divsi %while3A_61, %while3A_63 : i32
    %while3A_65 = arith.muli %while3A_64, %while3A_63 : i32
    %while3A_66 = arith.addi %while3A_60, %while3A_65 : i32
    %while3A_67 = arith.constant 1 : i32
    scf.for %while3A_70 = %while3A_60 to %while3A_66 step %while3A_67  : i32 {
      %dma_wait3A = arith.constant 0 : i32
      %dma_wait3A_71 = arith.constant 0 : i32
      %dma_wait3A_72 = tpu.memref_slice %arg6[%dma_wait3A, %dma_wait3A_71] : memref<79x128xi32, #tpu.memory_space<vmem>> -> memref<1x128xi32, #tpu.memory_space<vmem>>
      %dma_wait3A_73 = tpu.memref_squeeze %dma_wait3A_72 : memref<1x128xi32, #tpu.memory_space<vmem>> -> memref<128xi32, #tpu.memory_space<vmem>>
      %dma_wait3A_74 = arith.constant 0 : i32
      %dma_wait3A_75 = arith.constant 0 : i32
      %dma_wait3A_76 = tpu.memref_slice %arg8[%dma_wait3A_74, %dma_wait3A_75] : memref<10112x32xbf16, #tpu.memory_space<vmem_shared>> -> memref<10112x32xbf16, #tpu.memory_space<vmem_shared>>
      tpu.wait_indirect_dma semaphore(%arg9 : memref<!tpu.dma_semaphore, #tpu.memory_space<semaphore_mem>>) src(%arg7 : memref<128x32xbf16, #tpu.memory_space<vmem>>) dst(%dma_wait3A_76 : memref<10112x32xbf16, #tpu.memory_space<vmem_shared>>)
    }
    %while3A_68 = arith.constant 1 : i32
    scf.for %while3A_70 = %while3A_66 to %while3A_62 step %while3A_68  : i32 {
      %dma_wait3A = arith.constant 0 : i32
      %dma_wait3A_71 = arith.constant 0 : i32
      %dma_wait3A_72 = tpu.memref_slice %arg6[%dma_wait3A, %dma_wait3A_71] : memref<79x128xi32, #tpu.memory_space<vmem>> -> memref<1x128xi32, #tpu.memory_space<vmem>>
      %dma_wait3A_73 = tpu.memref_squeeze %dma_wait3A_72 : memref<1x128xi32, #tpu.memory_space<vmem>> -> memref<128xi32, #tpu.memory_space<vmem>>
      %dma_wait3A_74 = arith.constant 0 : i32
      %dma_wait3A_75 = arith.constant 0 : i32
      %dma_wait3A_76 = tpu.memref_slice %arg8[%dma_wait3A_74, %dma_wait3A_75] : memref<10112x32xbf16, #tpu.memory_space<vmem_shared>> -> memref<10112x32xbf16, #tpu.memory_space<vmem_shared>>
      tpu.wait_indirect_dma semaphore(%arg9 : memref<!tpu.dma_semaphore, #tpu.memory_space<semaphore_mem>>) src(%arg7 : memref<128x32xbf16, #tpu.memory_space<vmem>>) dst(%dma_wait3A_76 : memref<10112x32xbf16, #tpu.memory_space<vmem_shared>>)
    }
    %barrier3A_69 = arith.constant 0 : index
    tpu.barrier barrier_id(%barrier3A_69)
    "tpu.region"() ({
      %run_scoped3A_70 = tpu.sem_alloc : memref<!tpu.dma_semaphore, #tpu.memory_space<semaphore_mem>>
      %dma_start3A = arith.constant 0 : i32
      %dma_start3A_71 = tpu.memref_slice %arg5[%arg0, %mul3A_49, %dma_start3A] : memref<2x10112x32xbf16, #tpu.memory_space<hbm>> -> memref<1x632x32xbf16, #tpu.memory_space<hbm>>
      %dma_start3A_72 = tpu.memref_squeeze %dma_start3A_71 : memref<1x632x32xbf16, #tpu.memory_space<hbm>> -> memref<632x32xbf16, #tpu.memory_space<hbm>>
      %dma_start3A_73 = arith.constant 0 : i32
      %dma_start3A_74 = tpu.memref_slice %arg8[%mul3A_49, %dma_start3A_73] : memref<10112x32xbf16, #tpu.memory_space<vmem_shared>> -> memref<632x32xbf16, #tpu.memory_space<vmem_shared>>
      tpu.enqueue_dma source(%dma_start3A_74 : memref<632x32xbf16, #tpu.memory_space<vmem_shared>>) target(%dma_start3A_72 : memref<632x32xbf16, #tpu.memory_space<hbm>>) target_semaphore(%run_scoped3A_70 : memref<!tpu.dma_semaphore, #tpu.memory_space<semaphore_mem>>)
      %dma_wait3A = arith.constant 0 : i32
      %dma_wait3A_75 = tpu.memref_slice %arg5[%arg0, %mul3A_49, %dma_wait3A] : memref<2x10112x32xbf16, #tpu.memory_space<hbm>> -> memref<1x632x32xbf16, #tpu.memory_space<hbm>>
      %dma_wait3A_76 = tpu.memref_squeeze %dma_wait3A_75 : memref<1x632x32xbf16, #tpu.memory_space<hbm>> -> memref<632x32xbf16, #tpu.memory_space<hbm>>
      %dma_wait3A_77 = arith.constant 0 : i32
      %dma_wait3A_78 = tpu.memref_slice %arg8[%mul3A_49, %dma_wait3A_77] : memref<10112x32xbf16, #tpu.memory_space<vmem_shared>> -> memref<632x32xbf16, #tpu.memory_space<vmem_shared>>
      tpu.wait_dma2 semaphore(%run_scoped3A_70 : memref<!tpu.dma_semaphore, #tpu.memory_space<semaphore_mem>>) src(%dma_wait3A_78 : memref<632x32xbf16, #tpu.memory_space<vmem_shared>>) dst(%dma_wait3A_76 : memref<632x32xbf16, #tpu.memory_space<hbm>>)
      tpu.yield
    }) : () -> ()
    return
  }
}

module attributes {stable_mosaic.version = 14 : i64} {
  func.func @_mm1_body(%arg0: i32, %arg1: memref<2x5056x32xbf16, #tpu.memory_space<vmem>>, %arg2: memref<5056x128xf32, #tpu.memory_space<vmem>>, %arg3: memref<128x64xf32, #tpu.memory_space<vmem>>, %arg4: memref<5056x64xbf16, #tpu.memory_space<vmem>>, %arg5: memref<5056x8xf32, #tpu.memory_space<vmem>>) attributes {dimension_semantics = [#tpu.dimension_semantics<arbitrary>], iteration_bounds = array<i64: 2>, scalar_prefetch = 0 : i64, scratch_operands = 0 : i64, tpu.core_type = #tpu.core_type<tc>, window_params = [{transform_indices = @transform_0, window_bounds = array<i64: 2, 5056, 32>}, {transform_indices = @transform_1, window_bounds = array<i64: 5056, 128>}, {pipeline_mode = #tpu.pipeline_mode<synchronous>, transform_indices = @transform_2, window_bounds = array<i64: 128, 64>}, {transform_indices = @transform_3, window_bounds = array<i64: 5056, 64>}, {transform_indices = @transform_4, window_bounds = array<i64: 5056, 8>}]} {
    %get3A = arith.constant 0 : index
    %get3A_0 = arith.constant 0 : index
    %get3A_1 = arith.constant 0 : index
    %get3A_2 = vector.load %arg1[%get3A, %get3A_0, %get3A_1] : memref<2x5056x32xbf16, #tpu.memory_space<vmem>>, vector<1x5056x1xbf16>
    %get3A_3 = vector.shape_cast %get3A_2 : vector<1x5056x1xbf16> to vector<5056x1xbf16>
    %convert_element_type3A = arith.extf %get3A_3 : vector<5056x1xbf16> to vector<5056x1xf32>
    %get3A_4 = arith.constant 1 : index
    %get3A_5 = arith.constant 0 : index
    %get3A_6 = arith.constant 0 : index
    %get3A_7 = vector.load %arg1[%get3A_4, %get3A_5, %get3A_6] : memref<2x5056x32xbf16, #tpu.memory_space<vmem>>, vector<1x5056x1xbf16>
    %get3A_8 = vector.shape_cast %get3A_7 : vector<1x5056x1xbf16> to vector<5056x1xbf16>
    %convert_element_type3A_9 = arith.extf %get3A_8 : vector<5056x1xbf16> to vector<5056x1xf32>
    %add3A = arith.addf %convert_element_type3A, %convert_element_type3A_9 : vector<5056x1xf32>
    %add3A_10 = arith.constant 1.000000e+00 : f32
    %add3A_11 = vector.broadcast %add3A_10 : f32 to vector<5056x1xf32>
    %add3A_12 = arith.addf %add3A, %add3A_11 : vector<5056x1xf32>
    %rsqrt3A = math.rsqrt %add3A_12 : vector<5056x1xf32>
    %get3A_13 = arith.constant 0 : index
    %get3A_14 = arith.constant 0 : index
    %get3A_15 = vector.load %arg2[%get3A_13, %get3A_14] : memref<5056x128xf32, #tpu.memory_space<vmem>>, vector<5056x128xf32>
    %get3A_16 = arith.constant 0 : index
    %get3A_17 = arith.constant 0 : index
    %get3A_18 = vector.load %arg3[%get3A_16, %get3A_17] : memref<128x64xf32, #tpu.memory_space<vmem>>, vector<128x64xf32>
    %dot_general3A = arith.constant dense<0.000000e+00> : vector<5056x64xf32>
    %dot_general3A_19 = tpu.matmul %get3A_15, %get3A_18, %dot_general3A {dimension_numbers = #tpu.dot_dimension_numbers<[1], [0], [0], [1], [0, 0, 1, 1], [], []>, transpose_lhs_hint = false} : vector<5056x128xf32>, vector<128x64xf32>, vector<5056x64xf32> -> vector<5056x64xf32>
    %mul3A = arith.constant 5056 : i32
    %mul3A_20 = arith.muli %arg0, %mul3A : i32
    %iota3A = tpu.iota {dimensions = array<i32: 0>} : vector<5056x1xi32>
    %add3A_21 = vector.broadcast %mul3A_20 : i32 to vector<5056x1xi32>
    %add3A_22 = arith.addi %add3A_21, %iota3A : vector<5056x1xi32>
    %lt3A = arith.constant 10000 : i32
    %lt3A_23 = vector.broadcast %lt3A : i32 to vector<5056x1xi32>
    %lt3A_24 = arith.cmpi slt, %add3A_22, %lt3A_23 : vector<5056x1xi32>
    %mul3A_25 = vector.broadcast %rsqrt3A : vector<5056x1xf32> to vector<5056x64xf32>
    %mul3A_26 = arith.mulf %dot_general3A_19, %mul3A_25 : vector<5056x64xf32>
    %jit3A = arith.constant 0.000000e+00 : f32
    %broadcast_in_dim3A = vector.shape_cast %lt3A_24 : vector<5056x1xi1> to vector<5056x1xi1>
    %broadcast_in_dim3A_27 = vector.broadcast %broadcast_in_dim3A : vector<5056x1xi1> to vector<5056x64xi1>
    %broadcast_in_dim3A_28 = vector.broadcast %jit3A : f32 to vector<5056x64xf32>
    %select_n3A = arith.select %broadcast_in_dim3A_27, %mul3A_26, %broadcast_in_dim3A_28 : vector<5056x64xi1>, vector<5056x64xf32>
    %convert_element_type3A_29 = arith.truncf %select_n3A : vector<5056x64xf32> to vector<5056x64xbf16>
    %swap3A = arith.constant 0 : index
    %swap3A_30 = arith.constant 0 : index
    %swap3A_31 = vector.load %arg4[%swap3A, %swap3A_30] : memref<5056x64xbf16, #tpu.memory_space<vmem>>, vector<5056x64xbf16>
    tpu.vector_store %arg4[%swap3A, %swap3A_30], %convert_element_type3A_29 {strides = array<i32>} : memref<5056x64xbf16, #tpu.memory_space<vmem>>, vector<5056x64xbf16>,
    %broadcast_in_dim3A_32 = vector.shape_cast %rsqrt3A : vector<5056x1xf32> to vector<5056x1xf32>
    %broadcast_in_dim3A_33 = vector.broadcast %broadcast_in_dim3A_32 : vector<5056x1xf32> to vector<5056x8xf32>
    %swap3A_34 = arith.constant 0 : index
    %swap3A_35 = arith.constant 0 : index
    %swap3A_36 = vector.load %arg5[%swap3A_34, %swap3A_35] : memref<5056x8xf32, #tpu.memory_space<vmem>>, vector<5056x8xf32>
    tpu.vector_store %arg5[%swap3A_34, %swap3A_35], %broadcast_in_dim3A_33 {strides = array<i32>} : memref<5056x8xf32, #tpu.memory_space<vmem>>, vector<5056x8xf32>,
    return
  }
  func.func @transform_0(%arg0: i32) -> (i32, i32, i32) {
    %c0_i32 = arith.constant 0 : i32
    %c0_i32_0 = arith.constant 0 : i32
    %c0_i32_1 = arith.constant 0 : i32
    return %c0_i32, %arg0, %c0_i32_0 : i32, i32, i32
  }
  func.func @transform_1(%arg0: i32) -> (i32, i32) {
    %c0_i32 = arith.constant 0 : i32
    %c0_i32_0 = arith.constant 0 : i32
    return %arg0, %c0_i32 : i32, i32
  }
  func.func @transform_2(%arg0: i32) -> (i32, i32) {
    %c0_i32 = arith.constant 0 : i32
    %c0_i32_0 = arith.constant 0 : i32
    %c0_i32_1 = arith.constant 0 : i32
    return %c0_i32, %c0_i32_0 : i32, i32
  }
  func.func @transform_3(%arg0: i32) -> (i32, i32) {
    %c0_i32 = arith.constant 0 : i32
    %c0_i32_0 = arith.constant 0 : i32
    return %arg0, %c0_i32 : i32, i32
  }
  func.func @transform_4(%arg0: i32) -> (i32, i32) {
    %c0_i32 = arith.constant 0 : i32
    %c0_i32_0 = arith.constant 0 : i32
    return %arg0, %c0_i32 : i32, i32
  }
}

module attributes {stable_mosaic.version = 14 : i64} {
  func.func @_mm2_body(%arg0: i32, %arg1: memref<5056x8xf32, #tpu.memory_space<vmem>>, %arg2: memref<2x5056x64xbf16, #tpu.memory_space<vmem>>, %arg3: memref<5056x64xbf16, #tpu.memory_space<vmem>>, %arg4: memref<1x64xf32, #tpu.memory_space<vmem>>, %arg5: memref<64x41xf32, #tpu.memory_space<vmem>>, %arg6: memref<5056x64xbf16, #tpu.memory_space<vmem>>) attributes {dimension_semantics = [#tpu.dimension_semantics<arbitrary>], iteration_bounds = array<i64: 2>, scalar_prefetch = 0 : i64, scratch_operands = 0 : i64, tpu.core_type = #tpu.core_type<tc>, window_params = [{transform_indices = @transform_0, window_bounds = array<i64: 5056, 8>}, {transform_indices = @transform_1, window_bounds = array<i64: 2, 5056, 64>}, {transform_indices = @transform_2, window_bounds = array<i64: 5056, 64>}, {pipeline_mode = #tpu.pipeline_mode<synchronous>, transform_indices = @transform_3, window_bounds = array<i64: 1, 64>}, {pipeline_mode = #tpu.pipeline_mode<synchronous>, transform_indices = @transform_4, window_bounds = array<i64: 64, 41>}, {transform_indices = @transform_5, window_bounds = array<i64: 5056, 64>}]} {
    %get3A = arith.constant 0 : index
    %get3A_0 = arith.constant 0 : index
    %get3A_1 = vector.load %arg1[%get3A, %get3A_0] : memref<5056x8xf32, #tpu.memory_space<vmem>>, vector<5056x1xf32>
    %get3A_2 = arith.constant 0 : index
    %get3A_3 = arith.constant 0 : index
    %get3A_4 = arith.constant 0 : index
    %get3A_5 = vector.load %arg2[%get3A_2, %get3A_3, %get3A_4] : memref<2x5056x64xbf16, #tpu.memory_space<vmem>>, vector<1x5056x64xbf16>
    %get3A_6 = vector.shape_cast %get3A_5 : vector<1x5056x64xbf16> to vector<5056x64xbf16>
    %get3A_7 = arith.constant 1 : index
    %get3A_8 = arith.constant 0 : index
    %get3A_9 = arith.constant 0 : index
    %get3A_10 = vector.load %arg2[%get3A_7, %get3A_8, %get3A_9] : memref<2x5056x64xbf16, #tpu.memory_space<vmem>>, vector<1x5056x64xbf16>
    %get3A_11 = vector.shape_cast %get3A_10 : vector<1x5056x64xbf16> to vector<5056x64xbf16>
    %add3A = arith.addf %get3A_6, %get3A_11 : vector<5056x64xbf16>
    %convert_element_type3A = arith.extf %add3A : vector<5056x64xbf16> to vector<5056x64xf32>
    %get3A_12 = arith.constant 0 : index
    %get3A_13 = arith.constant 0 : index
    %get3A_14 = vector.load %arg3[%get3A_12, %get3A_13] : memref<5056x64xbf16, #tpu.memory_space<vmem>>, vector<5056x64xbf16>
    %convert_element_type3A_15 = arith.extf %get3A_14 : vector<5056x64xbf16> to vector<5056x64xf32>
    %add3A_16 = arith.addf %convert_element_type3A, %convert_element_type3A_15 : vector<5056x64xf32>
    %mul3A = vector.broadcast %get3A_1 : vector<5056x1xf32> to vector<5056x64xf32>
    %mul3A_17 = arith.mulf %mul3A, %add3A_16 : vector<5056x64xf32>
    %get3A_18 = arith.constant 0 : index
    %get3A_19 = arith.constant 0 : index
    %get3A_20 = vector.load %arg4[%get3A_18, %get3A_19] : memref<1x64xf32, #tpu.memory_space<vmem>>, vector<1x64xf32>
    %add3A_21 = vector.broadcast %get3A_20 : vector<1x64xf32> to vector<5056x64xf32>
    %add3A_22 = arith.addf %mul3A_17, %add3A_21 : vector<5056x64xf32>
    %max3A = arith.constant 0.000000e+00 : f32
    %max3A_23 = vector.broadcast %max3A : f32 to vector<5056x64xf32>
    %max3A_24 = arith.maximumf %add3A_22, %max3A_23 : vector<5056x64xf32>
    %get3A_25 = arith.constant 0 : index
    %get3A_26 = arith.constant 0 : index
    %get3A_27 = vector.load %arg5[%get3A_25, %get3A_26] : memref<64x41xf32, #tpu.memory_space<vmem>>, vector<64x41xf32>
    %dot_general3A = arith.constant dense<0.000000e+00> : vector<5056x41xf32>
    %dot_general3A_28 = tpu.matmul %max3A_24, %get3A_27, %dot_general3A {dimension_numbers = #tpu.dot_dimension_numbers<[1], [0], [0], [1], [0, 0, 1, 1], [], []>, transpose_lhs_hint = false} : vector<5056x64xf32>, vector<64x41xf32>, vector<5056x41xf32> -> vector<5056x41xf32>
    %mul3A_29 = vector.broadcast %get3A_1 : vector<5056x1xf32> to vector<5056x41xf32>
    %mul3A_30 = arith.mulf %dot_general3A_28, %mul3A_29 : vector<5056x41xf32>
    %jit3A = arith.constant 0 : i32
    %convert_element_type3A_31 = arith.sitofp %jit3A : i32 to f32
    %pad3A = vector.broadcast %convert_element_type3A_31 : f32 to vector<5056x23xf32>
    %pad3A_32 = tpu.concatenate %mul3A_30, %pad3A in 1 : vector<5056x41xf32>, vector<5056x23xf32> -> vector<5056x64xf32>
    %convert_element_type3A_33 = arith.truncf %pad3A_32 : vector<5056x64xf32> to vector<5056x64xbf16>
    %swap3A = arith.constant 0 : index
    %swap3A_34 = arith.constant 0 : index
    %swap3A_35 = vector.load %arg6[%swap3A, %swap3A_34] : memref<5056x64xbf16, #tpu.memory_space<vmem>>, vector<5056x64xbf16>
    tpu.vector_store %arg6[%swap3A, %swap3A_34], %convert_element_type3A_33 {strides = array<i32>} : memref<5056x64xbf16, #tpu.memory_space<vmem>>, vector<5056x64xbf16>,
    return
  }
  func.func @transform_0(%arg0: i32) -> (i32, i32) {
    %c0_i32 = arith.constant 0 : i32
    %c0_i32_0 = arith.constant 0 : i32
    return %arg0, %c0_i32 : i32, i32
  }
  func.func @transform_1(%arg0: i32) -> (i32, i32, i32) {
    %c0_i32 = arith.constant 0 : i32
    %c0_i32_0 = arith.constant 0 : i32
    %c0_i32_1 = arith.constant 0 : i32
    return %c0_i32, %arg0, %c0_i32_0 : i32, i32, i32
  }
  func.func @transform_2(%arg0: i32) -> (i32, i32) {
    %c0_i32 = arith.constant 0 : i32
    %c0_i32_0 = arith.constant 0 : i32
    return %arg0, %c0_i32 : i32, i32
  }
  func.func @transform_3(%arg0: i32) -> (i32, i32) {
    %c0_i32 = arith.constant 0 : i32
    %c0_i32_0 = arith.constant 0 : i32
    %c0_i32_1 = arith.constant 0 : i32
    return %c0_i32, %c0_i32_0 : i32, i32
  }
  func.func @transform_4(%arg0: i32) -> (i32, i32) {
    %c0_i32 = arith.constant 0 : i32
    %c0_i32_0 = arith.constant 0 : i32
    %c0_i32_1 = arith.constant 0 : i32
    return %c0_i32, %c0_i32_0 : i32, i32
  }
  func.func @transform_5(%arg0: i32) -> (i32, i32) {
    %c0_i32 = arith.constant 0 : i32
    %c0_i32_0 = arith.constant 0 : i32
    return %arg0, %c0_i32 : i32, i32
  }
}

module attributes {stable_mosaic.version = 14 : i64} {
  func.func @_out_body(%arg0: i32, %arg1: memref<5056x8xf32, #tpu.memory_space<vmem>>, %arg2: memref<2x5056x64xbf16, #tpu.memory_space<vmem>>, %arg3: memref<5056x64xbf16, #tpu.memory_space<vmem>>, %arg4: memref<1x41xf32, #tpu.memory_space<vmem>>, %arg5: memref<5056x41xf32, #tpu.memory_space<vmem>>) attributes {dimension_semantics = [#tpu.dimension_semantics<arbitrary>], iteration_bounds = array<i64: 2>, scalar_prefetch = 0 : i64, scratch_operands = 0 : i64, tpu.core_type = #tpu.core_type<tc>, window_params = [{transform_indices = @transform_0, window_bounds = array<i64: 5056, 8>}, {transform_indices = @transform_1, window_bounds = array<i64: 2, 5056, 64>}, {transform_indices = @transform_2, window_bounds = array<i64: 5056, 64>}, {pipeline_mode = #tpu.pipeline_mode<synchronous>, transform_indices = @transform_3, window_bounds = array<i64: 1, 41>}, {transform_indices = @transform_4, window_bounds = array<i64: 5056, 41>}]} {
    %get3A = arith.constant 0 : index
    %get3A_0 = arith.constant 0 : index
    %get3A_1 = vector.load %arg1[%get3A, %get3A_0] : memref<5056x8xf32, #tpu.memory_space<vmem>>, vector<5056x1xf32>
    %get3A_2 = arith.constant 0 : index
    %get3A_3 = arith.constant 0 : index
    %get3A_4 = arith.constant 0 : index
    %get3A_5 = vector.load %arg2[%get3A_2, %get3A_3, %get3A_4] : memref<2x5056x64xbf16, #tpu.memory_space<vmem>>, vector<1x5056x64xbf16>
    %get3A_6 = vector.shape_cast %get3A_5 : vector<1x5056x64xbf16> to vector<5056x64xbf16>
    %get3A_7 = arith.constant 1 : index
    %get3A_8 = arith.constant 0 : index
    %get3A_9 = arith.constant 0 : index
    %get3A_10 = vector.load %arg2[%get3A_7, %get3A_8, %get3A_9] : memref<2x5056x64xbf16, #tpu.memory_space<vmem>>, vector<1x5056x64xbf16>
    %get3A_11 = vector.shape_cast %get3A_10 : vector<1x5056x64xbf16> to vector<5056x64xbf16>
    %add3A = arith.addf %get3A_6, %get3A_11 : vector<5056x64xbf16>
    %convert_element_type3A = arith.extf %add3A : vector<5056x64xbf16> to vector<5056x64xf32>
    %get3A_12 = arith.constant 0 : index
    %get3A_13 = arith.constant 0 : index
    %get3A_14 = vector.load %arg3[%get3A_12, %get3A_13] : memref<5056x64xbf16, #tpu.memory_space<vmem>>, vector<5056x64xbf16>
    %convert_element_type3A_15 = arith.extf %get3A_14 : vector<5056x64xbf16> to vector<5056x64xf32>
    %add3A_16 = arith.addf %convert_element_type3A, %convert_element_type3A_15 : vector<5056x64xf32>
    %mul3A = vector.broadcast %get3A_1 : vector<5056x1xf32> to vector<5056x64xf32>
    %mul3A_17 = arith.mulf %mul3A, %add3A_16 : vector<5056x64xf32>
    %slice3A = vector.extract_strided_slice %mul3A_17 {offsets = [0, 0], sizes = [5056, 41], strides = [1, 1]} : vector<5056x64xf32> to vector<5056x41xf32>
    %get3A_18 = arith.constant 0 : index
    %get3A_19 = arith.constant 0 : index
    %get3A_20 = vector.load %arg4[%get3A_18, %get3A_19] : memref<1x41xf32, #tpu.memory_space<vmem>>, vector<1x41xf32>
    %add3A_21 = vector.broadcast %get3A_20 : vector<1x41xf32> to vector<5056x41xf32>
    %add3A_22 = arith.addf %slice3A, %add3A_21 : vector<5056x41xf32>
    %reduce_max3A = arith.constant dense<0xFF800000> : vector<5056xf32>
    %reduce_max3A_23 = vector.multi_reduction <maximumf>, %add3A_22, %reduce_max3A [1] : vector<5056x41xf32> to vector<5056xf32>
    %broadcast_in_dim3A = vector.shape_cast %reduce_max3A_23 : vector<5056xf32> to vector<5056x1xf32>
    %sub3A = vector.broadcast %broadcast_in_dim3A : vector<5056x1xf32> to vector<5056x41xf32>
    %sub3A_24 = arith.subf %add3A_22, %sub3A : vector<5056x41xf32>
    %exp3A = math.exp %sub3A_24 : vector<5056x41xf32>
    %reduce_sum3A = arith.constant dense<0.000000e+00> : vector<5056xf32>
    %reduce_sum3A_25 = vector.multi_reduction <add>, %exp3A, %reduce_sum3A [1] : vector<5056x41xf32> to vector<5056xf32>
    %broadcast_in_dim3A_26 = vector.shape_cast %reduce_sum3A_25 : vector<5056xf32> to vector<5056x1xf32>
    %log3A = math.log %broadcast_in_dim3A_26 : vector<5056x1xf32>
    %add3A_27 = arith.addf %log3A, %broadcast_in_dim3A : vector<5056x1xf32>
    %sub3A_28 = vector.broadcast %add3A_27 : vector<5056x1xf32> to vector<5056x41xf32>
    %sub3A_29 = arith.subf %add3A_22, %sub3A_28 : vector<5056x41xf32>
    %swap3A = arith.constant 0 : index
    %swap3A_30 = arith.constant 0 : index
    %swap3A_31 = vector.load %arg5[%swap3A, %swap3A_30] : memref<5056x41xf32, #tpu.memory_space<vmem>>, vector<5056x41xf32>
    tpu.vector_store %arg5[%swap3A, %swap3A_30], %sub3A_29 {strides = array<i32>} : memref<5056x41xf32, #tpu.memory_space<vmem>>, vector<5056x41xf32>,
    return
  }
  func.func @transform_0(%arg0: i32) -> (i32, i32) {
    %c0_i32 = arith.constant 0 : i32
    %c0_i32_0 = arith.constant 0 : i32
    return %arg0, %c0_i32 : i32, i32
  }
  func.func @transform_1(%arg0: i32) -> (i32, i32, i32) {
    %c0_i32 = arith.constant 0 : i32
    %c0_i32_0 = arith.constant 0 : i32
    %c0_i32_1 = arith.constant 0 : i32
    return %c0_i32, %arg0, %c0_i32_0 : i32, i32, i32
  }
  func.func @transform_2(%arg0: i32) -> (i32, i32) {
    %c0_i32 = arith.constant 0 : i32
    %c0_i32_0 = arith.constant 0 : i32
    return %arg0, %c0_i32 : i32, i32
  }
  func.func @transform_3(%arg0: i32) -> (i32, i32) {
    %c0_i32 = arith.constant 0 : i32
    %c0_i32_0 = arith.constant 0 : i32
    %c0_i32_1 = arith.constant 0 : i32
    return %c0_i32, %c0_i32_0 : i32, i32
  }
  func.func @transform_4(%arg0: i32) -> (i32, i32) {
    %c0_i32 = arith.constant 0 : i32
    %c0_i32_0 = arith.constant 0 : i32
    return %arg0, %c0_i32 : i32, i32
  }
}

</mosaic_0001>

<sc_bundles>
// kernel: kernel.11.cloned.1.call-start
scs
__scs_entry_jumppad:
0x0: {  	(pc) =	sbr.rel $0x88, $3  }
0x1: {  	(tag) =	ssettag $0x0;
	lr =	simm.s32 $0x1  }
0x2: {  	[smem:$0x3F9B] =	sst lr;
	_ =	strace $0xD0000000  }
0x3: {  	_ = 	snop  }
0x4: {  	_ = 	snop  }
0x5: {  	_ = 	snop  }
0x6: {  	_ = 	snop  }
0x7: {  	_ = 	snop  }
__scs_overlays_trampoline_lowered:
0x8: {  	[smem:$0x3FAA] =	sst s0  }
0x9: {  	[smem:$0x3FAB] =	sst s1  }
0xa: {  	[smem:$0x3FAC] =	sst s2  }
0xb: {  	[smem:$0x3FAD] =	sst s3  }
0xc: {  	[smem:$0x3FAE] =	sst s4  }
0xd: {  	[smem:$0x3FAF] =	sst s5  }
0xe: {  	[smem:$0x3FB0] =	sst s6  }
0xf: {  	[smem:$0x3FB1] =	sst s7  }
0x10: {  	[smem:$0x3FB2] =	sst s8  }
0x11: {  	[smem:$0x3FB3] =	sst s9;
	s0 =	simm.s32 @!p0 $0x0  }
0x12: {  	s1 =	sld [smem:$0x3F99];
	s0 =	simm.s32 @p0 $0x1  }
0x13: {  	[smem:$0x3FB4] =	sst s0;
	s0 =	simm.s32 @!p1 $0x0  }
0x14: {  	s2 =	sld [smem:$0x3F98];
	s0 =	simm.s32 @p1 $0x1  }
0x15: {  	[smem:$0x3FB5] =	sst s0;
	s0 =	simm.s32 @!p2 $0x0  }
0x16: {  	s3 =	sld [smem:$0x3FDB];
	s0 =	simm.s32 @p2 $0x1  }
0x17: {  	s4 =	simm.s32 $0x1BF5;
	[smem:$0x3FB7] =	sst s0  }
0x18: {  	s0 =	sld [smem:$0x3F9A];
	_ =	swait.ge [sflag:s4], $0x0  }
0x19: {  	s7 =	sld [smem:$0x3F9B]  }
0x1a: {  	s8 =	sadd.s32 $0xFFFFE003, lr  }
0x1b: {  	s9 =	sadd.s32 $0xFFFFFEF7, lr;
	s5 =	simm.s32 $0xFFFFFFFF;
	p2 =	slt.u32 s8, $0xFFFFF086  }
0x1c: {  	p1 =	slt.u32 s9, $0xF7A;
	s5 =	simm.s32 @!p2 $0x0  }
0x1d: {  	s5 =	simm.s32 @p1 $0x1;
	p0 =	seq.s32 s7, s2  }
0x1e: {  	s7 =	smul.u32 @!p0 $0xF7A, s2;
	p2 =	seq.s32 @!p0 s5, $0x0  }
0x1f: {  	s9 =	smul.u32 $0xF7A, s1;
	s8 =	simm.s32 @!p0 $0x1BF5;
	p2 =	por !p2, p0  }
0x20: {  	[sflag:s8] =	ssyncset.s32 @!p0 $0xFFFFF086;
	s6 =	sadd.s32 @!p0 s3, s7;
	s7 =	simm.s32 @!p0 $0x108  }
0x21: {  	s3 =	sadd.s32 s3, s9;
	s6 =	sadd.s32 @!p0 $0x88, s6;
	s7 =	simm.s32 @p2 $0x1082  }
0x22: {  	[simem:s7], [sflag:s8] =	dma.local @!p0 [hbm:s6], $0xF7A  }
0x23: {  	s9 =	sor.u32 $0xD0000000, s2;
	s6 =	simm.s32 $0x108;
	_ =	swait.ge @!p0 [sflag:s8], $0x0  }
0x24: {  	s3 =	sadd.s32 $0x88, s3;
	s6 =	simm.s32 @!p1 $0x1082;
	[sflag:s4] =	ssyncset.s32 $0xFFFFF086  }
0x25: {  	[simem:s6], [sflag:s4] =	dma.local [hbm:s3], $0xF7A  }
0x26: {  	[smem:$0x3F9B] =	sst s1;
	(tag) =	ssettag s2;
	_ =	strace s9  }
0x27: {  	s1 =	sld [smem:$0x3FAB]  }
0x28: {  	s2 =	sld [smem:$0x3FAC]  }
0x29: {  	s4 =	sld [smem:$0x3FAE]  }
0x2a: {  	p0 =	seq.s32 s5, $0x0;
	s5 =	sld [smem:$0x3FAF]  }
0x2b: {  	s6 =	sld [smem:$0x3FB0]  }
0x2c: {  	s7 =	sld [smem:$0x3FB1]  }
0x2d: {  	s3 =	simm.s32 $0x108;
	s8 =	sld [smem:$0x3FB2]  }
0x2e: {  	s3 =	simm.s32 @!p0 $0x1082;
	s9 =	sld [smem:$0x3FB3]  }
0x2f: {  	lr =	sadd.s32 s0, s3;
	s0 =	sld [smem:$0x3FAA]  }
0x30: {  	s3 =	sld [smem:$0x3FAD]  }
0x31: {  	[smem:$0x3FB6] =	sst s10  }
0x32: {  	s10 =	sld [smem:$0x3FB4];
	_ =	sdelay $0x3  }
0x33: {  	p0 =	seq.s32 s10, $0x1;
	s10 =	sld [smem:$0x3FB6];
	_ =	sdelay $0x3  }
0x34: {  	[smem:$0x3FB6] =	sst s10  }
0x35: {  	s10 =	sld [smem:$0x3FB5];
	_ =	sdelay $0x3  }
0x36: {  	p1 =	seq.s32 s10, $0x1;
	s10 =	sld [smem:$0x3FB6];
	_ =	sdelay $0x3  }
0x37: {  	[smem:$0x3FB6] =	sst s10  }
0x38: {  	s10 =	sld [smem:$0x3FB7]  }
0x39: {  	_ = 	snop;
	(pc) =	sbr.ind lr, $3  }
0x3a: {  	_ = 	snop  }
0x3b: {  	_ = 	snop  }
0x3c: {  	p2 =	seq.s32 s10, $0x1;
	s10 =	sld [smem:$0x3FB6]  }
0x3d: {  	_ =	shalt  }
0x3e: {  	_ =	shalt  }
0x3f: {  	_ =	shalt  }
0x40: {  	_ =	shalt  }
0x41: {  	_ =	shalt  }
0x42: {  	_ =	shalt  }
0x43: {  	_ =	shalt  }
0x44: {  	_ =	shalt  }
0x45: {  	_ =	shalt  }
0x46: {  	_ =	shalt  }
0x47: {  	_ =	shalt  }
0x48: {  	_ =	shalt  }
0x49: {  	_ =	shalt  }
0x4a: {  	_ =	shalt  }
0x4b: {  	_ =	shalt  }
0x4c: {  	_ =	shalt  }
0x4d: {  	_ =	shalt  }
0x4e: {  	_ =	shalt  }
0x4f: {  	_ =	shalt  }
0x50: {  	_ =	shalt  }
0x51: {  	_ =	shalt  }
0x52: {  	_ =	shalt  }
0x53: {  	_ =	shalt  }
0x54: {  	_ =	shalt  }
0x55: {  	_ =	shalt  }
0x56: {  	_ =	shalt  }
0x57: {  	_ =	shalt  }
0x58: {  	_ =	shalt  }
0x59: {  	_ =	shalt  }
0x5a: {  	_ =	shalt  }
0x5b: {  	_ =	shalt  }
0x5c: {  	_ =	shalt  }
0x5d: {  	_ =	shalt  }
0x5e: {  	_ =	shalt  }
0x5f: {  	_ =	shalt  }
0x60: {  	_ =	shalt  }
0x61: {  	_ =	shalt  }
0x62: {  	_ =	shalt  }
0x63: {  	_ =	shalt  }
0x64: {  	_ =	shalt  }
0x65: {  	_ =	shalt  }
0x66: {  	_ =	shalt  }
0x67: {  	_ =	shalt  }
0x68: {  	_ =	shalt  }
0x69: {  	_ =	shalt  }
0x6a: {  	_ =	shalt  }
0x6b: {  	_ =	shalt  }
0x6c: {  	_ =	shalt  }
0x6d: {  	_ =	shalt  }
0x6e: {  	_ =	shalt  }
0x6f: {  	_ =	shalt  }
0x70: {  	_ =	shalt  }
0x71: {  	_ =	shalt  }
0x72: {  	_ =	shalt  }
0x73: {  	_ =	shalt  }
0x74: {  	_ =	shalt  }
0x75: {  	_ =	shalt  }
0x76: {  	_ =	shalt  }
0x77: {  	_ =	shalt  }
0x78: {  	_ =	shalt  }
0x79: {  	_ =	shalt  }
0x7a: {  	_ =	shalt  }
0x7b: {  	_ =	shalt  }
0x7c: {  	_ =	shalt  }
0x7d: {  	_ =	shalt  }
0x7e: {  	_ =	shalt  }
0x7f: {  	_ =	shalt  }
0x80: {  	_ =	shalt  }
0x81: {  	_ =	shalt  }
0x82: {  	_ =	shalt  }
0x83: {  	_ =	shalt  }
0x84: {  	_ =	shalt  }
0x85: {  	_ =	shalt  }
0x86: {  	_ =	shalt  }
0x87: {  	_ =	shalt  }
.Lfunc_end0:
.L_simem_size_0:
called_computation.1_lowered:
.L_overlay_start_0:
0x88: {  	s2 =	sld [smem:$0x3FD9]  }
0x89: {  	s3 =	sld [smem:$0x3FFE];
	_ =	sdelay $0x1  }
0x8a: {  	s1 =	srdreg.scid  }
0x8b: {  	s0 =	sand.u32 $0x1, s1  }
0x8c: {  	s17 =	sshll.u32 s0, $0xA;
	s2 =	sadd.s32 s3, s2  }
0x8d: {  	s2 =	sadd.s32 s2, s17  }
0x8e: {  	[smem:$0x3FC2] =	sst s2  }
0x8f: {  	_ = 	snop  }
0x90: {  	s2 =	sld [smem:$0x3FD0];
	(tm) =	ssettm $0x1  }
0x91: {  	s18 =	sld [smem:$0x3FFB];
	_ =	sdelay $0x3  }
0x92: {  	_ =	strace s18  }
0x93: {  	s3 =	sld [smem:$0x3FFC];
	_ =	sdelay $0x3  }
0x94: {  	_ =	strace s3  }
0x95: {  	s3 =	sld [smem:$0x3FFD];
	_ =	sdelay $0x3  }
0x96: {  	_ =	strace s3  }
0x97: {  	_ =	strace $0x8FFFFFFF  }
0x98: {  	s19 =	sld [smem:$0x3FDB];
	_ =	sdelay $0x1  }
0x99: {  	s4 =	simm.s32 $_scs_section_size  }
0x9a: {  	s5 =	simm.s32 $_size__tile_overlayer_lowered;
	s6 =	simm.s32 $_tile_overlayer_lowered  }
0x9b: {  	s22 =	simm.s32 $0x1BFF;
	s21 =	sshll.u32 s6, $0x1;
	s3 =	sadd.s32 s4, s19  }
0x9c: {  	s7 =	simm.s32 $0x0;
	s20 =	sshll.u32 s5, $0x1;
	s5 =	sadd.s32 s21, s3  }
0x9d: {  	[timem:s7], [sflag:s22] =	dma.local [hbm:s5], s20  }
0x9e: {  	_ =	swait.ge [sflag:s22], s20  }
0x9f: {  	s4 =	ssub.s32 $0x0, s20;
	[sflag:s22] =	ssyncset.done $0x0  }
0xa0: {  	[sflag:s22] =	ssyncadd.s32 s4;
	_ =	sdelay $0x1  }
0xa1: {  	s23 =	simm.s32 $0x1B8B  }
0xa2: {  	_ =	swait.ge [sflag:s23], $0x1  }
0xa3: {  	[sflag:s23] =	ssyncset.done $0x0  }
0xa4: {  	s25 =	simm.s32 $0x1B8E;
	s24 =	sld [smem:$0x3FFE];
	[sflag:s23] =	ssyncadd.s32 $0xFFFFFFFF  }
0xa5: {  	s26 =	simm.s32 $execute0_lowered;
	[smem:$0x3FD2] =	sst s25  }
0xa6: {  	s5 =	sshll.u32 s26, $0x1;
	_ =	strace $0x80000049;
	[dreg:$0x1] =	wrdreg $0xFFFFFFFF  }
0xa7: {  	s28 =	simm.s32 $_size_execute0_lowered;
	s3 =	sadd.s32 s3, s5;
	[dreg:$0x0] =	wrdreg $0x0  }
0xa8: {  	s5 =	sshll.u32 s28, $0x1;
	[dreg:$0x2] =	wrdreg s3  }
0xa9: {  	[dreg:$0x3] =	wrdreg s5  }
0xaa: {  	[dreg:$0x4] =	wrdreg $0xC0  }
0xab: {  	_ =	task [dreg:s7], $0x5FFFF  }
0xac: {  	[dreg:$0x1] =	wrdreg $0xFFFFFFFF  }
0xad: {  	[dreg:$0x0] =	wrdreg $0x60  }
0xae: {  	[dreg:$0x2] =	wrdreg s24  }
0xaf: {  	[dreg:$0x3] =	wrdreg s2  }
0xb0: {  	[dreg:$0x4] =	wrdreg $0xCF000  }
0xb1: {  	[dreg:$0x5] =	wrdreg $0x9  }
0xb2: {  	_ =	task.clear_ibuf [dreg:s7], $0x6FFFF;
	_ =	strace $0x90000049  }
0xb3: {  	s29 =	simm.s32 $0x9;
	_ =	strace $0x8000004B  }
0xb4: {  	_ =	swait.ge [sflag:s29], $0x1  }
0xb5: {  	[sflag:s29] =	ssyncadd.s32 $0xFFFFFFFF  }
0xb6: {  	_ =	strace $0x9000004B  }
0xb7: {  	_ =	sfence  }
0xb8: {  	s30 =	sld [smem:$0x0];
	_ =	sdelay $0x2  }
0xb9: {  	s31 =	sshll.u32 s1, $0xD;
	s1 =	sshrl.u32 s1, $0x2  }
0xba: {  	s3 =	sand.u32 $0x4000, s31;
	s1 =	sadd.s32 s1, s30  }
0xbb: {  	s0 =	sor.u32 s3, s0;
	s1 =	sshll.u32 s1, $0x11  }
0xbc: {  	s0 =	sor.u32 s1, s0  }
0xbd: {  	s0 =	sadd.s32 $0x8F2B, s0  }
0xbe: {  	[sflag:s0] =	ssyncadd.remote.s32 $0x1  }
0xbf: {  	_ =	sfence.sel $0xFFFF  }
0xc0: {  	[dreg:$0x0] =	wrdreg $0xFFFFFFFF;
	(pc) =	sbr.abs _section_cstart, $3  }
0xc1: {  	[dreg:$0x1] =	wrdreg $0xFFFFFFFF  }
0xc2: {  	_ =	task.clear_ibuf [dreg:s7], $0x2FFFF;
	_ =	strace $0x9FFFFFFF  }
0xc3: {  	(tm) =	ssettm $0x7FFFFFFF  }
tec
execute0_lowered:
.L_overlay_start_1:
0x0: {  	(tag) =	ssettag $0x1  }
0x1: {  	s0 =	srdreg.scid  }
0x2: {  	s1 =	rddreg [dreg:$0x0];
	s12 =	stileid.u32  }
0x3: {  	s2 =	rddreg [dreg:$0x1];
	s26 =	simm.s32 $0x0;
	s15 =	simm.s32 $0x80  }
0x4: {  	s16 =	simm.s32 $0xD;
	s17 =	simm.s32 $0xE;
	s18 =	simm.s32 $0xF  }
0x5: {  	s19 =	simm.s32 $0x10;
	s20 =	simm.s32 $0x0;
	s0 =	sand.u32 $0x1, s0  }
0x6: {  	s6 =	smul.u32 $0x9E00, s12;
	[smem:$0x7FF] =	sst s26;
	s31 =	sshll.u32 s12, $0x6  }
0x7: {  	s3 =	sshll.u32 s0, $0x4;
	s10 =	smul.u32 $0x9E000, s0;
	s0 =	ssub.s32 $0x2, s0  }
0x8: {  	s13 =	sor.u32 $0x1C11, s31;
	s4 =	sor.u32 s12, s3;
	s3 =	rddreg [dreg:$0x2]  }
0x9: {  	s9 =	sshrl.u32 s6, $0x4;
	_ =	strace $0x8000004A;
	s11 =	sshrl.u32 s0, $0x1  }
0xa: {  	s12 =	simm.s32 $0xC;
	s5 =	smul.u32 $0x9C4, s4;
	s9 =	sadd.s32 s9, s1  }
0xb: {  	s10 =	sadd.s32 s6, s10;
	s0 =	ssub.s32 s0, s11;
	s6 =	sshrl.u32 s6, $0x1  }
0xc: {  	s11 =	simm.s32 $0x11;
	s10 =	sshrl.u32 s10, $0x4;
	s7 =	sshrl.u32 s5, $0x5  }
0xd: {  	s6 =	sadd.s32 s6, s3;
	s30 =	sadd.s32 $0x1AA00, s9;
	s8 =	sshll.u32 s7, $0x4  }
0xe: {  	s0 =	smax.u32 s0, $0x1;
	[dreg:$0x6] =	wrdreg s30;
	s8 =	sadd.s32 s8, s1  }
0xf: {  	s5 =	sadd.s32 $0x9C4, s5;
	[dreg:$0x8] =	wrdreg s0;
	s28 =	sadd.s32 $0x7000, s8  }
0x10: {  	s1 =	sadd.s32 s10, s1;
	s29 =	sadd.s32 $0x10C40, s8;
	[dreg:$0x4] =	wrdreg s28  }
0x11: {  	s5 =	sshrl.u32 s5, $0x5;
	s1 =	sadd.s32 $0x24800, s1;
	[dreg:$0x5] =	wrdreg s29  }
0x12: {  	s14 =	sshrl.u32 s6, $0x3;
	s5 =	ssub.s32 s5, s7;
	[dreg:$0x7] =	wrdreg s1  }
.LBB2_1:
0x13: {  	s0 =	simm.s32 $0x0;
	s1 =	rddreg [dreg:$0x4]  }
0x14: {  	[tilespmem:s0], [sflag:$0x11] =	stream.linear.gather [hbm4b:s1+s0], $0x2780, $0x38;
	[tilespmem:$0x11E00] =	vst v63  }
0x15: {  	_ =	swait.ge [sflag:s11], $0x2780  }
0x16: {  	[sflag:s11] =	ssyncset.done $0x0  }
0x17: {  	s4 =	simm.s32 $0x2780;
	s31 =	rddreg [dreg:$0x5];
	[sflag:s11] =	ssyncadd.s32 $0xFFFFD880  }
0x18: {  	[tilespmem:s4], [sflag:$0x11] =	stream.linear.gather [hbm4b:s31+s0], $0x2780, $0x38;
	[tilespmem:$0x11E00] =	vst v63  }
0x19: {  	_ =	swait.ge [sflag:s11], $0x2780  }
0x1a: {  	[sflag:s11] =	ssyncset.done $0x0  }
0x1b: {  	s6 =	rddreg [dreg:$0x6];
	[sflag:s11] =	ssyncadd.s32 $0xFFFFD880  }
0x1c: {  	[spmem:s14], [sflag:s13] =	dma.local [hbm:s6], $0x9E0  }
0x1d: {  	_ =	swait.ge [sflag:s11], $0x9E0  }
0x1e: {  	[sflag:s11] =	ssyncset.done $0x0  }
0x1f: {  	[sflag:s11] =	ssyncadd.s32 $0xFFFFF620  }
0x20: {  	s7 =	simm.s32 $0x4F00;
	[bflag:$0x0] =	sbarrier.arrive $0xFFFF  }
0x21: {  	[tilespmem:s7], [sflag:$0x1] =	stream.indirect.gather [hbm4b:s2+s15], $0x20, s0, s15, $0xb8;
	[tilespmem:$0x11E00] =	vst v63  }
0x22: {  	s8 =	simm.s32 $0x5F00  }
0x23: {  	[tilespmem:s8], [sflag:$0x2] =	stream.indirect.gather [hbm4b:s2+s15], $0x20, s15, s15, $0xb8;
	[tilespmem:$0x11E00] =	vst v63  }
0x24: {  	s9 =	simm.s32 $0x100;
	s10 =	simm.s32 $0x6F00  }
0x25: {  	[tilespmem:s10], [sflag:$0x3] =	stream.indirect.gather [hbm4b:s2+s15], $0x20, s9, s15, $0xb8;
	[tilespmem:$0x11E00] =	vst v63  }
0x26: {  	s21 =	simm.s32 $0x180;
	s22 =	simm.s32 $0x7F00  }
0x27: {  	[tilespmem:s22], [sflag:$0x4] =	stream.indirect.gather [hbm4b:s2+s15], $0x20, s21, s15, $0xb8;
	[tilespmem:$0x11E00] =	vst v63  }
0x28: {  	s23 =	simm.s32 $0x200;
	s24 =	simm.s32 $0x8F00  }
0x29: {  	[tilespmem:s24], [sflag:$0x5] =	stream.indirect.gather [hbm4b:s2+s15], $0x20, s23, s15, $0xb8;
	[tilespmem:$0x11E00] =	vst v63  }
0x2a: {  	s25 =	simm.s32 $0x280;
	s26 =	simm.s32 $0x9F00  }
0x2b: {  	[tilespmem:s26], [sflag:$0x6] =	stream.indirect.gather [hbm4b:s2+s15], $0x20, s25, s15, $0xb8;
	[tilespmem:$0x11E00] =	vst v63  }
0x2c: {  	s28 =	simm.s32 $0x300;
	s29 =	simm.s32 $0xAF00;
	p0 =	sle.s32 s5, $0x0  }
0x2d: {  	[tilespmem:s29], [sflag:$0x7] =	stream.indirect.gather [hbm4b:s2+s15], $0x20, s28, s15, $0xb8;
	[tilespmem:$0x11E00] =	vst v63  }
0x2e: {  	s30 =	simm.s32 $0x380;
	s31 =	simm.s32 $0xBF00;
	s6 =	simm.s32 @!p0 $0x1  }
0x2f: {  	[tilespmem:s31], [sflag:$0x8] =	stream.indirect.gather [hbm4b:s2+s15], $0x20, s30, s15, $0xb8;
	[tilespmem:$0x11E00] =	vst v63  }
0x30: {  	_ =	swait.ge @!p0 [sflag:s6], $0x1000  }
0x31: {  	p1 =	sle.s32 s5, $0x1;
	s7 =	simm.s32 @!p0 $0x2780;
	[sflag:s6] =	ssyncset.done @!p0 $0x0  }
0x32: {  	s21 =	simm.s32 @!p0 $0x4F00;
	[sflag:s6] =	ssyncadd.s32 @!p0 $0xFFFFF000;
	s6 =	simm.s32 @!p0 $0x80  }
0x33: {  	[spmem:s3] =	stream.indirect.scatter.add.bf16 @!p0 [tilespmem:s21], [sflag:$0x9], $0x20, s7, s6, $0xb8;
	[tilespmem:$0x11E00] =	vst v63  }
0x34: {  	s6 =	simm.s32 @!p1 $0x2  }
0x35: {  	s22 =	simm.s32 @!p1 $0x80;
	_ =	swait.ge @!p1 [sflag:s6], $0x1000  }
0x36: {  	s7 =	simm.s32 @!p1 $0x5F00;
	p0 =	sle.s32 s5, $0x2;
	[sflag:s6] =	ssyncset.done @!p1 $0x0  }
0x37: {  	s21 =	simm.s32 @!p1 $0x2800;
	[sflag:s6] =	ssyncadd.s32 @!p1 $0xFFFFF000;
	s6 =	simm.s32 @!p0 $0x3  }
0x38: {  	[spmem:s3] =	stream.indirect.scatter.add.bf16 @!p1 [tilespmem:s7], [sflag:$0xA], $0x20, s21, s22, $0xb8;
	[tilespmem:$0x11E00] =	vst v63  }
0x39: {  	s7 =	simm.s32 @!p0 $0x2880;
	_ =	swait.ge @!p0 [sflag:s6], $0x1000  }
0x3a: {  	s21 =	simm.s32 @!p0 $0x6F00;
	p1 =	sle.s32 s5, $0x3;
	[sflag:s6] =	ssyncset.done @!p0 $0x0  }
0x3b: {  	s22 =	simm.s32 @!p0 $0x80;
	[sflag:s6] =	ssyncadd.s32 @!p0 $0xFFFFF000;
	s6 =	simm.s32 @!p1 $0x4  }
0x3c: {  	[spmem:s3] =	stream.indirect.scatter.add.bf16 @!p0 [tilespmem:s21], [sflag:$0xB], $0x20, s7, s22, $0xb8;
	[tilespmem:$0x11E00] =	vst v63  }
0x3d: {  	s7 =	simm.s32 @!p1 $0x2900;
	_ =	swait.ge @!p1 [sflag:s6], $0x1000  }
0x3e: {  	s21 =	simm.s32 @!p1 $0x7F00;
	p0 =	sle.s32 s5, $0x4;
	[sflag:s6] =	ssyncset.done @!p1 $0x0  }
0x3f: {  	s22 =	simm.s32 @!p1 $0x80;
	[sflag:s6] =	ssyncadd.s32 @!p1 $0xFFFFF000;
	s6 =	simm.s32 @!p0 $0x5  }
0x40: {  	[spmem:s3] =	stream.indirect.scatter.add.bf16 @!p1 [tilespmem:s21], [sflag:$0xC], $0x20, s7, s22, $0xb8;
	[tilespmem:$0x11E00] =	vst v63  }
0x41: {  	s7 =	simm.s32 @!p0 $0x2980;
	_ =	swait.ge @!p0 [sflag:s6], $0x1000  }
0x42: {  	s21 =	simm.s32 @!p0 $0x8F00;
	p1 =	sle.s32 s5, $0x5;
	[sflag:s6] =	ssyncset.done @!p0 $0x0  }
0x43: {  	s22 =	simm.s32 @!p0 $0x80;
	[sflag:s6] =	ssyncadd.s32 @!p0 $0xFFFFF000;
	s6 =	simm.s32 @!p1 $0x6  }
0x44: {  	[spmem:s3] =	stream.indirect.scatter.add.bf16 @!p0 [tilespmem:s21], [sflag:$0xD], $0x20, s7, s22, $0xb8;
	[tilespmem:$0x11E00] =	vst v63  }
0x45: {  	s7 =	simm.s32 @!p1 $0x2A00;
	_ =	swait.ge @!p1 [sflag:s6], $0x1000  }
0x46: {  	s21 =	simm.s32 @!p1 $0x9F00;
	p0 =	sle.s32 s5, $0x6;
	[sflag:s6] =	ssyncset.done @!p1 $0x0  }
0x47: {  	s22 =	simm.s32 @!p1 $0x80;
	[sflag:s6] =	ssyncadd.s32 @!p1 $0xFFFFF000;
	s6 =	simm.s32 @!p0 $0x7  }
0x48: {  	[spmem:s3] =	stream.indirect.scatter.add.bf16 @!p1 [tilespmem:s21], [sflag:$0xE], $0x20, s7, s22, $0xb8;
	[tilespmem:$0x11E00] =	vst v63  }
0x49: {  	s7 =	simm.s32 @!p0 $0x2A80;
	_ =	swait.ge @!p0 [sflag:s6], $0x1000  }
0x4a: {  	s21 =	simm.s32 @!p0 $0xAF00;
	p1 =	sle.s32 s5, $0x7;
	[sflag:s6] =	ssyncset.done @!p0 $0x0  }
0x4b: {  	s22 =	simm.s32 @!p0 $0x80;
	[sflag:s6] =	ssyncadd.s32 @!p0 $0xFFFFF000;
	s6 =	simm.s32 @!p1 $0x8  }
0x4c: {  	[spmem:s3] =	stream.indirect.scatter.add.bf16 @!p0 [tilespmem:s21], [sflag:$0xF], $0x20, s7, s22, $0xb8;
	[tilespmem:$0x11E00] =	vst v63  }
0x4d: {  	p0 =	sle.s32 s5, $0x8;
	_ =	swait.ge @!p1 [sflag:s6], $0x1000  }
0x4e: {  	s7 =	simm.s32 @!p1 $0x2B00;
	s21 =	simm.s32 @!p1 $0xBF00;
	[sflag:s6] =	ssyncset.done @!p1 $0x0  }
0x4f: {  	s22 =	simm.s32 @!p1 $0x80;
	[sflag:s6] =	ssyncadd.s32 @!p1 $0xFFFFF000;
	s6 =	simm.s32 @!p0 $0x9  }
0x50: {  	[spmem:s3] =	stream.indirect.scatter.add.bf16 @!p1 [tilespmem:s21], [sflag:$0x10], $0x20, s7, s22, $0xb8;
	[tilespmem:$0x11E00] =	vst v63  }
0x51: {  	s7 =	simm.s32 @!p0 $0x4F00;
	_ =	swait.ge @!p0 [sflag:s6], $0x1000  }
0x52: {  	s21 =	simm.s32 @!p0 $0x400;
	p1 =	sle.s32 s5, $0x9;
	[sflag:s6] =	ssyncset.done @!p0 $0x0  }
0x53: {  	s22 =	simm.s32 @!p0 $0x80;
	[sflag:s6] =	ssyncadd.s32 @!p0 $0xFFFFF000;
	s6 =	simm.s32 @!p1 $0xA  }
0x54: {  	[tilespmem:s7], [sflag:$0x1] =	stream.indirect.gather @!p0 [hbm4b:s2+s22], $0x20, s21, s22, $0xb8;
	[tilespmem:$0x11E00] =	vst v63  }
0x55: {  	s7 =	simm.s32 @!p1 $0x480;
	_ =	swait.ge @!p1 [sflag:s6], $0x1000  }
0x56: {  	s21 =	simm.s32 @!p1 $0x5F00;
	p0 =	sle.s32 s5, $0xA;
	[sflag:s6] =	ssyncset.done @!p1 $0x0  }
0x57: {  	s22 =	simm.s32 @!p1 $0x80;
	[sflag:s6] =	ssyncadd.s32 @!p1 $0xFFFFF000;
	s6 =	simm.s32 @!p0 $0xB  }
0x58: {  	[tilespmem:s21], [sflag:$0x2] =	stream.indirect.gather @!p1 [hbm4b:s2+s22], $0x20, s7, s22, $0xb8;
	[tilespmem:$0x11E00] =	vst v63  }
0x59: {  	s7 =	simm.s32 @!p0 $0x500;
	_ =	swait.ge @!p0 [sflag:s6], $0x1000  }
0x5a: {  	s21 =	simm.s32 @!p0 $0x6F00;
	p1 =	sle.s32 s5, $0xB;
	[sflag:s6] =	ssyncset.done @!p0 $0x0  }
0x5b: {  	s22 =	simm.s32 @!p0 $0x80;
	[sflag:s6] =	ssyncadd.s32 @!p0 $0xFFFFF000;
	s6 =	simm.s32 @!p1 $0xC  }
0x5c: {  	[tilespmem:s21], [sflag:$0x3] =	stream.indirect.gather @!p0 [hbm4b:s2+s22], $0x20, s7, s22, $0xb8;
	[tilespmem:$0x11E00] =	vst v63  }
0x5d: {  	s7 =	simm.s32 @!p1 $0x580;
	_ =	swait.ge @!p1 [sflag:s6], $0x1000  }
0x5e: {  	s21 =	simm.s32 @!p1 $0x7F00;
	p0 =	sle.s32 s5, $0xC;
	[sflag:s6] =	ssyncset.done @!p1 $0x0  }
0x5f: {  	s22 =	simm.s32 @!p1 $0x80;
	[sflag:s6] =	ssyncadd.s32 @!p1 $0xFFFFF000;
	s6 =	simm.s32 @!p0 $0xD  }
0x60: {  	[tilespmem:s21], [sflag:$0x4] =	stream.indirect.gather @!p1 [hbm4b:s2+s22], $0x20, s7, s22, $0xb8;
	[tilespmem:$0x11E00] =	vst v63  }
0x61: {  	s7 =	simm.s32 @!p0 $0x600;
	_ =	swait.ge @!p0 [sflag:s6], $0x1000  }
0x62: {  	s21 =	simm.s32 @!p0 $0x8F00;
	p1 =	sle.s32 s5, $0xD;
	[sflag:s6] =	ssyncset.done @!p0 $0x0  }
0x63: {  	s22 =	simm.s32 @!p0 $0x80;
	[sflag:s6] =	ssyncadd.s32 @!p0 $0xFFFFF000;
	s6 =	simm.s32 @!p1 $0xE  }
0x64: {  	[tilespmem:s21], [sflag:$0x5] =	stream.indirect.gather @!p0 [hbm4b:s2+s22], $0x20, s7, s22, $0xb8;
	[tilespmem:$0x11E00] =	vst v63  }
0x65: {  	p2 =	sle.s32 s5, $0xE;
	s7 =	simm.s32 @!p1 $0x680;
	_ =	swait.ge @!p1 [sflag:s6], $0x1000  }
0x66: {  	s21 =	simm.s32 @!p1 $0x9F00;
	s22 =	simm.s32 @!p1 $0x80;
	[sflag:s6] =	ssyncset.done @!p1 $0x0  }
0x67: {  	p0 =	sle.s32 s5, $0xF;
	[sflag:s6] =	ssyncadd.s32 @!p1 $0xFFFFF000;
	s6 =	simm.s32 @!p2 $0xF  }
0x68: {  	[tilespmem:s21], [sflag:$0x6] =	stream.indirect.gather @!p1 [hbm4b:s2+s22], $0x20, s7, s22, $0xb8;
	[tilespmem:$0x11E00] =	vst v63  }
0x69: {  	s23 =	simm.s32 @!p0 $0x80;
	_ =	swait.ge @!p2 [sflag:s6], $0x1000  }
0x6a: {  	s7 =	simm.s32 @!p2 $0x700;
	s21 =	simm.s32 @!p2 $0xAF00;
	[sflag:s6] =	ssyncset.done @!p2 $0x0  }
0x6b: {  	s22 =	simm.s32 @!p2 $0x80;
	[sflag:s6] =	ssyncadd.s32 @!p2 $0xFFFFF000;
	s6 =	simm.s32 @!p0 $0x10  }
0x6c: {  	[tilespmem:s21], [sflag:$0x7] =	stream.indirect.gather @!p2 [hbm4b:s2+s22], $0x20, s7, s22, $0xb8;
	[tilespmem:$0x11E00] =	vst v63  }
0x6d: {  	s24 =	simm.s32 @!p0 $0xBF00;
	s21 =	simm.s32 $0x8;
	_ =	swait.ge @!p0 [sflag:s6], $0x1000  }
0x6e: {  	s7 =	simm.s32 @!p0 $0x780;
	s22 =	simm.s32 $0x0;
	[sflag:s6] =	ssyncset.done @!p0 $0x0  }
.LBB2_2:
0x6f: {  	[sflag:s6] =	ssyncadd.s32 @!p0 $0xFFFFF000  }
0x70: {  	s22 =	sadd.s32 $0x1000, s22;
	s29 =	smov.u32 s21;
	s21 =	sadd.s32 $0x8, s21  }
0x71: {  	[tilespmem:s24], [sflag:$0x8] =	stream.indirect.gather @!p0 [hbm4b:s2+s23], $0x20, s7, s23, $0xb8;
	[tilespmem:$0x11E00] =	vst v63  }
0x72: {  	s24 =	sadd.s32 $0xD, s29;
	s23 =	sadd.s32 $0xE, s29;
	s6 =	sadd.s32 $0xF, s29  }
0x73: {  	s26 =	sadd.s32 $0xB, s29;
	s25 =	sadd.s32 $0xC, s29;
	p0 =	sge.s32 s6, s5  }
0x74: {  	s30 =	sadd.s32 $0x7, s29;
	p1 =	sge.s32 s21, s5;
	s28 =	sadd.s32 $0xA, s29  }
0x75: {  	p2 =	sge.s32 s29, s5;
	s7 =	sadd.s32 $0x5, s29;
	s6 =	sadd.s32 $0x6, s29  }
0x76: {  	s10 =	sadd.s32 $0x4, s29;
	s8 =	simm.s32 @!p2 $0x1;
	s9 =	sshra.s32 @!p2 s22, $0x2  }
0x77: {  	s4 =	sadd.s32 $0x3, s29;
	s9 =	sadd.s32 @!p2 $0x2780, s9;
	_ =	swait.ge @!p2 [sflag:s8], $0x1000  }
0x78: {  	s1 =	sadd.s32 $0x1, s29;
	s31 =	simm.s32 @!p2 $0x4F00;
	[sflag:s8] =	ssyncset.done @!p2 $0x0  }
0x79: {  	p3 =	sge.s32 s1, s5;
	[sflag:s8] =	ssyncadd.s32 @!p2 $0xFFFFF000;
	s8 =	simm.s32 @!p2 $0x80  }
0x7a: {  	[spmem:s3] =	stream.indirect.scatter.add.bf16 @!p2 [tilespmem:s31], [sflag:$0x9], $0x20, s9, s8, $0xb8;
	[tilespmem:$0x11E00] =	vst v63  }
0x7b: {  	s1 =	simm.s32 @!p3 $0x2;
	s8 =	sshra.s32 @!p3 s22, $0x2;
	s9 =	simm.s32 @!p3 $0x5F00  }
0x7c: {  	s31 =	sadd.s32 $0x2, s29;
	s8 =	sadd.s32 @!p3 $0x2800, s8;
	_ =	swait.ge @!p3 [sflag:s1], $0x1000  }
0x7d: {  	s0 =	simm.s32 @!p3 $0x80;
	p2 =	sge.s32 s31, s5;
	[sflag:s1] =	ssyncset.done @!p3 $0x0  }
0x7e: {  	s31 =	sshra.s32 @!p2 s22, $0x2;
	[sflag:s1] =	ssyncadd.s32 @!p3 $0xFFFFF000;
	s1 =	simm.s32 @!p2 $0x3  }
0x7f: {  	[spmem:s3] =	stream.indirect.scatter.add.bf16 @!p3 [tilespmem:s9], [sflag:$0xA], $0x20, s8, s0, $0xb8;
	[tilespmem:$0x11E00] =	vst v63  }
0x80: {  	s0 =	sadd.s32 @!p2 $0x2880, s31;
	s8 =	simm.s32 @!p2 $0x6F00;
	_ =	swait.ge @!p2 [sflag:s1], $0x1000  }
0x81: {  	s9 =	simm.s32 @!p2 $0x80;
	p3 =	sge.s32 s4, s5;
	[sflag:s1] =	ssyncset.done @!p2 $0x0  }
0x82: {  	s4 =	sshra.s32 @!p3 s22, $0x2;
	[sflag:s1] =	ssyncadd.s32 @!p2 $0xFFFFF000;
	s1 =	simm.s32 @!p3 $0x4  }
0x83: {  	[spmem:s3] =	stream.indirect.scatter.add.bf16 @!p2 [tilespmem:s8], [sflag:$0xB], $0x20, s0, s9, $0xb8;
	[tilespmem:$0x11E00] =	vst v63  }
0x84: {  	s0 =	sadd.s32 @!p3 $0x2900, s4;
	s4 =	simm.s32 @!p3 $0x7F00;
	_ =	swait.ge @!p3 [sflag:s1], $0x1000  }
0x85: {  	s8 =	simm.s32 @!p3 $0x80;
	p2 =	sge.s32 s10, s5;
	[sflag:s1] =	ssyncset.done @!p3 $0x0  }
0x86: {  	s9 =	sshra.s32 @!p2 s22, $0x2;
	[sflag:s1] =	ssyncadd.s32 @!p3 $0xFFFFF000;
	s1 =	simm.s32 @!p2 $0x5  }
0x87: {  	[spmem:s3] =	stream.indirect.scatter.add.bf16 @!p3 [tilespmem:s4], [sflag:$0xC], $0x20, s0, s8, $0xb8;
	[tilespmem:$0x11E00] =	vst v63  }
0x88: {  	s0 =	sadd.s32 @!p2 $0x2980, s9;
	s4 =	simm.s32 @!p2 $0x8F00;
	_ =	swait.ge @!p2 [sflag:s1], $0x1000  }
0x89: {  	s8 =	simm.s32 @!p2 $0x80;
	p3 =	sge.s32 s7, s5;
	[sflag:s1] =	ssyncset.done @!p2 $0x0  }
0x8a: {  	s7 =	sshra.s32 @!p3 s22, $0x2;
	[sflag:s1] =	ssyncadd.s32 @!p2 $0xFFFFF000;
	s1 =	simm.s32 @!p3 $0x6  }
0x8b: {  	[spmem:s3] =	stream.indirect.scatter.add.bf16 @!p2 [tilespmem:s4], [sflag:$0xD], $0x20, s0, s8, $0xb8;
	[tilespmem:$0x11E00] =	vst v63  }
0x8c: {  	s0 =	sadd.s32 @!p3 $0x2A00, s7;
	s4 =	simm.s32 @!p3 $0x9F00;
	_ =	swait.ge @!p3 [sflag:s1], $0x1000  }
0x8d: {  	s7 =	simm.s32 @!p3 $0x80;
	p2 =	sge.s32 s6, s5;
	[sflag:s1] =	ssyncset.done @!p3 $0x0  }
0x8e: {  	s6 =	sshra.s32 @!p2 s22, $0x2;
	[sflag:s1] =	ssyncadd.s32 @!p3 $0xFFFFF000;
	s1 =	simm.s32 @!p2 $0x7  }
0x8f: {  	[spmem:s3] =	stream.indirect.scatter.add.bf16 @!p3 [tilespmem:s4], [sflag:$0xE], $0x20, s0, s7, $0xb8;
	[tilespmem:$0x11E00] =	vst v63  }
0x90: {  	s0 =	sadd.s32 @!p2 $0x2A80, s6;
	s4 =	simm.s32 @!p2 $0xAF00;
	_ =	swait.ge @!p2 [sflag:s1], $0x1000  }
0x91: {  	s6 =	simm.s32 @!p2 $0x80;
	p3 =	sge.s32 s30, s5;
	[sflag:s1] =	ssyncset.done @!p2 $0x0  }
0x92: {  	s7 =	sshra.s32 @!p3 s22, $0x2;
	[sflag:s1] =	ssyncadd.s32 @!p2 $0xFFFFF000;
	s1 =	simm.s32 @!p3 $0x8  }
0x93: {  	[spmem:s3] =	stream.indirect.scatter.add.bf16 @!p2 [tilespmem:s4], [sflag:$0xF], $0x20, s0, s6, $0xb8;
	[tilespmem:$0x11E00] =	vst v63  }
0x94: {  	s0 =	sadd.s32 @!p3 $0x2B00, s7;
	s4 =	simm.s32 @!p3 $0xBF00;
	_ =	swait.ge @!p3 [sflag:s1], $0x1000  }
0x95: {  	s6 =	simm.s32 @!p3 $0x80;
	s7 =	simm.s32 @!p1 $0x4F00;
	[sflag:s1] =	ssyncset.done @!p3 $0x0  }
0x96: {  	s8 =	sshra.s32 @!p1 s22, $0x2;
	[sflag:s1] =	ssyncadd.s32 @!p3 $0xFFFFF000;
	s1 =	simm.s32 @!p1 $0x9  }
0x97: {  	[spmem:s3] =	stream.indirect.scatter.add.bf16 @!p3 [tilespmem:s4], [sflag:$0x10], $0x20, s0, s6, $0xb8;
	[tilespmem:$0x11E00] =	vst v63  }
0x98: {  	s0 =	sadd.s32 @!p1 $0x400, s8;
	s4 =	sadd.s32 $0x9, s29;
	_ =	swait.ge @!p1 [sflag:s1], $0x1000  }
0x99: {  	s6 =	simm.s32 @!p1 $0x80;
	p2 =	sge.s32 s4, s5;
	[sflag:s1] =	ssyncset.done @!p1 $0x0  }
0x9a: {  	s4 =	sshra.s32 @!p2 s22, $0x2;
	[sflag:s1] =	ssyncadd.s32 @!p1 $0xFFFFF000;
	s1 =	simm.s32 @!p2 $0xA  }
0x9b: {  	[tilespmem:s7], [sflag:$0x1] =	stream.indirect.gather @!p1 [hbm4b:s2+s6], $0x20, s0, s6, $0xb8;
	[tilespmem:$0x11E00] =	vst v63  }
0x9c: {  	s0 =	sadd.s32 @!p2 $0x480, s4;
	s4 =	simm.s32 @!p2 $0x5F00;
	_ =	swait.ge @!p2 [sflag:s1], $0x1000  }
0x9d: {  	s6 =	simm.s32 @!p2 $0x80;
	p1 =	sge.s32 s28, s5;
	[sflag:s1] =	ssyncset.done @!p2 $0x0  }
0x9e: {  	s7 =	sshra.s32 @!p1 s22, $0x2;
	[sflag:s1] =	ssyncadd.s32 @!p2 $0xFFFFF000;
	s1 =	simm.s32 @!p1 $0xB  }
0x9f: {  	[tilespmem:s4], [sflag:$0x2] =	stream.indirect.gather @!p2 [hbm4b:s2+s6], $0x20, s0, s6, $0xb8;
	[tilespmem:$0x11E00] =	vst v63  }
0xa0: {  	s0 =	sadd.s32 @!p1 $0x500, s7;
	s4 =	simm.s32 @!p1 $0x6F00;
	_ =	swait.ge @!p1 [sflag:s1], $0x1000  }
0xa1: {  	s6 =	simm.s32 @!p1 $0x80;
	p2 =	sge.s32 s26, s5;
	[sflag:s1] =	ssyncset.done @!p1 $0x0  }
0xa2: {  	s7 =	sshra.s32 @!p2 s22, $0x2;
	[sflag:s1] =	ssyncadd.s32 @!p1 $0xFFFFF000;
	s1 =	simm.s32 @!p2 $0xC  }
0xa3: {  	[tilespmem:s4], [sflag:$0x3] =	stream.indirect.gather @!p1 [hbm4b:s2+s6], $0x20, s0, s6, $0xb8;
	[tilespmem:$0x11E00] =	vst v63  }
0xa4: {  	s0 =	sadd.s32 @!p2 $0x580, s7;
	s4 =	simm.s32 @!p2 $0x7F00;
	_ =	swait.ge @!p2 [sflag:s1], $0x1000  }
0xa5: {  	s6 =	simm.s32 @!p2 $0x80;
	p1 =	sge.s32 s25, s5;
	[sflag:s1] =	ssyncset.done @!p2 $0x0  }
0xa6: {  	s7 =	sshra.s32 @!p1 s22, $0x2;
	[sflag:s1] =	ssyncadd.s32 @!p2 $0xFFFFF000;
	s1 =	simm.s32 @!p1 $0xD  }
0xa7: {  	[tilespmem:s4], [sflag:$0x4] =	stream.indirect.gather @!p2 [hbm4b:s2+s6], $0x20, s0, s6, $0xb8;
	[tilespmem:$0x11E00] =	vst v63  }
0xa8: {  	s0 =	sadd.s32 @!p1 $0x600, s7;
	s4 =	simm.s32 @!p1 $0x8F00;
	_ =	swait.ge @!p1 [sflag:s1], $0x1000  }
0xa9: {  	s6 =	simm.s32 @!p1 $0x80;
	p2 =	sge.s32 s24, s5;
	[sflag:s1] =	ssyncset.done @!p1 $0x0  }
0xaa: {  	s7 =	sshra.s32 @!p2 s22, $0x2;
	[sflag:s1] =	ssyncadd.s32 @!p1 $0xFFFFF000;
	s1 =	simm.s32 @!p2 $0xE  }
0xab: {  	[tilespmem:s4], [sflag:$0x5] =	stream.indirect.gather @!p1 [hbm4b:s2+s6], $0x20, s0, s6, $0xb8;
	[tilespmem:$0x11E00] =	vst v63  }
0xac: {  	s0 =	sadd.s32 @!p2 $0x680, s7;
	s4 =	simm.s32 @!p2 $0x9F00;
	_ =	swait.ge @!p2 [sflag:s1], $0x1000  }
0xad: {  	s6 =	simm.s32 @!p2 $0x80;
	p1 =	sge.s32 s23, s5;
	[sflag:s1] =	ssyncset.done @!p2 $0x0  }
0xae: {  	s7 =	sshra.s32 @!p1 s22, $0x2;
	[sflag:s1] =	ssyncadd.s32 @!p2 $0xFFFFF000;
	s1 =	simm.s32 @!p1 $0xF  }
0xaf: {  	[tilespmem:s4], [sflag:$0x6] =	stream.indirect.gather @!p2 [hbm4b:s2+s6], $0x20, s0, s6, $0xb8;
	[tilespmem:$0x11E00] =	vst v63  }
0xb0: {  	s0 =	sadd.s32 @!p1 $0x700, s7;
	s4 =	simm.s32 @!p1 $0xAF00;
	_ =	swait.ge @!p1 [sflag:s1], $0x1000  }
0xb1: {  	s7 =	simm.s32 @!p1 $0x80;
	[sflag:s1] =	ssyncset.done @!p1 $0x0  }
0xb2: {  	s6 =	simm.s32 @!p0 $0x10;
	[sflag:s1] =	ssyncadd.s32 @!p1 $0xFFFFF000;
	s1 =	sshra.s32 @!p0 s22, $0x2  }
0xb3: {  	[tilespmem:s4], [sflag:$0x7] =	stream.indirect.gather @!p1 [hbm4b:s2+s7], $0x20, s0, s7, $0xb8;
	[tilespmem:$0x11E00] =	vst v63  }
0xb4: {  	p1 =	sne.s32 s21, $0x50  }
.Ltmp0:
0xb5: {  	_ = 	snop;
	(pc) =	sbr.rel @p1 .LBB2_2-.Ltmp0, $3  }
0xb6: {  	_ =	sdelay $0x1  }
0xb7: {  	s7 =	sadd.s32 @!p0 $0x780, s1;
	_ =	swait.ge @!p0 [sflag:s6], $0x1000  }
0xb8: {  	s24 =	simm.s32 @!p0 $0xBF00;
	s23 =	simm.s32 @!p0 $0x80;
	[sflag:s6] =	ssyncset.done @!p0 $0x0  }
0xb9: {  	[sflag:s6] =	ssyncadd.s32 @!p0 $0xFFFFF000;
	s0 =	simm.s32 $0x9  }
0xba: {  	[tilespmem:s24], [sflag:$0x8] =	stream.indirect.gather @!p0 [hbm4b:s2+s23], $0x20, s7, s23, $0xb8;
	[tilespmem:$0x11E00] =	vst v63  }
0xbb: {  	_ =	swait.ge [sflag:s0], $0x1000  }
0xbc: {  	[sflag:s0] =	ssyncset.done $0x0  }
0xbd: {  	s28 =	simm.s32 $0xA;
	[sflag:s0] =	ssyncadd.s32 $0xFFFFF000  }
0xbe: {  	_ =	swait.ge [sflag:s28], $0x1000  }
0xbf: {  	[sflag:s28] =	ssyncset.done $0x0  }
0xc0: {  	s29 =	simm.s32 $0xB;
	[sflag:s28] =	ssyncadd.s32 $0xFFFFF000  }
0xc1: {  	_ =	swait.ge [sflag:s29], $0x1000  }
0xc2: {  	[sflag:s29] =	ssyncset.done $0x0  }
0xc3: {  	[sflag:s29] =	ssyncadd.s32 $0xFFFFF000  }
0xc4: {  	_ =	swait.ge [sflag:s12], $0x1000  }
0xc5: {  	[sflag:s12] =	ssyncset.done $0x0  }
0xc6: {  	[sflag:s12] =	ssyncadd.s32 $0xFFFFF000  }
0xc7: {  	_ =	swait.ge [sflag:s16], $0x1000  }
0xc8: {  	[sflag:s16] =	ssyncset.done $0x0  }
0xc9: {  	[sflag:s16] =	ssyncadd.s32 $0xFFFFF000  }
0xca: {  	_ =	swait.ge [sflag:s17], $0x1000  }
0xcb: {  	[sflag:s17] =	ssyncset.done $0x0  }
0xcc: {  	[sflag:s17] =	ssyncadd.s32 $0xFFFFF000  }
0xcd: {  	_ =	swait.ge [sflag:s18], $0x1000  }
0xce: {  	[sflag:s18] =	ssyncset.done $0x0  }
0xcf: {  	[sflag:s18] =	ssyncadd.s32 $0xFFFFF000  }
0xd0: {  	_ =	swait.ge [sflag:s19], $0x1000  }
0xd1: {  	[sflag:s19] =	ssyncset.done $0x0  }
0xd2: {  	[sflag:s19] =	ssyncadd.s32 $0xFFFFF000  }
0xd3: {  	[bflag:$0x0] =	sbarrier.arrive $0xFFFF  }
0xd4: {  	s30 =	rddreg [dreg:$0x7]  }
0xd5: {  	[hbm:s30], [sflag:s13] =	dma.local [spmem:s14], $0x9E0  }
0xd6: {  	_ =	swait.ge [sflag:s11], $0x9E0  }
0xd7: {  	s20 =	sadd.s32 $0x1, s20;
	s31 =	rddreg [dreg:$0x8]  }
0xd8: {  	p0 =	sne.s32 s20, s31  }
.Ltmp1:
0xd9: {  	_ = 	snop;
	(pc) =	sbr.rel @p0 .LBB2_1-.Ltmp1, $3  }
0xda: {  	_ =	sdelay $0x1  }
0xdb: {  	[sflag:s11] =	ssyncset.done $0x0  }
0xdc: {  	[sflag:s11] =	ssyncadd.s32 $0xFFFFF620  }
0xdd: {  	_ =	sfence.sel $0x180000  }
0xde: {  	[bflag:$0x0] =	sbarrier.arrive $0xFFFF  }
0xdf: {  	_ =	strace $0x9000004A  }
0xe0: {  	s0 =	stileid.u32;
	[bflag:$0x2] =	sbarrier.arrive $0xFFFF  }
0xe1: {  	p0 =	sne.s32 s0, $0x0;
	s0 =	rddreg [dreg:$0x3]  }
0xe2: {  	s0 =	sadd.s32 @!p0 $0x100000, s0  }
0xe3: {  	[sflag:s0] =	ssyncadd.tile.s32 @!p0 $0x1;
	_ =	shalt  }
.Lfunc_end2:
_tile_overlayer_lowered:
.L_overlay_start_2:
0xe4: {  	(tag) =	ssettag $0x2  }
0xe5: {  	s0 =	rddreg [dreg:$0x0];
	s2 =	stileid.u32  }
0xe6: {  	s1 =	rddreg [dreg:$0x1];
	p0 =	sne.s32 s2, $0x0  }
0xe7: {  	s3 =	rddreg [dreg:$0x2];
	[bflag:$0x3] =	sbarrier.arrive $0xFFFF;
	s2 =	simm.s32 @!p0 $0x1C11  }
0xe8: {  	[timem:s3], [sflag:s2] =	dma.local @!p0 [hbm:s0], s1  }
0xe9: {  	s0 =	simm.s32 @!p0 $0x11  }
0xea: {  	_ =	swait.ge @!p0 [sflag:s0], s1  }
0xeb: {  	s1 =	ssub.s32 @!p0 $0x0, s1;
	[sflag:s0] =	ssyncset.done @!p0 $0x0  }
0xec: {  	[sflag:s0] =	ssyncadd.s32 @!p0 s1  }
0xed: {  	[bflag:$0x3] =	sbarrier.arrive $0xFFFF  }
0xee: {  	_ =	shalt  }

// kernel: kernel.14.cloned.1.call-start
scs
__scs_entry_jumppad:
0x0: {  	(pc) =	sbr.rel $0x88, $3  }
0x1: {  	(tag) =	ssettag $0x0;
	lr =	simm.s32 $0x1  }
0x2: {  	[smem:$0x3F9B] =	sst lr;
	_ =	strace $0xD0000000  }
0x3: {  	_ = 	snop  }
0x4: {  	_ = 	snop  }
0x5: {  	_ = 	snop  }
0x6: {  	_ = 	snop  }
0x7: {  	_ = 	snop  }
__scs_overlays_trampoline_lowered:
0x8: {  	[smem:$0x3FAA] =	sst s0  }
0x9: {  	[smem:$0x3FAB] =	sst s1  }
0xa: {  	[smem:$0x3FAC] =	sst s2  }
0xb: {  	[smem:$0x3FAD] =	sst s3  }
0xc: {  	[smem:$0x3FAE] =	sst s4  }
0xd: {  	[smem:$0x3FAF] =	sst s5  }
0xe: {  	[smem:$0x3FB0] =	sst s6  }
0xf: {  	[smem:$0x3FB1] =	sst s7  }
0x10: {  	[smem:$0x3FB2] =	sst s8  }
0x11: {  	[smem:$0x3FB3] =	sst s9;
	s0 =	simm.s32 @!p0 $0x0  }
0x12: {  	s1 =	sld [smem:$0x3F99];
	s0 =	simm.s32 @p0 $0x1  }
0x13: {  	[smem:$0x3FB4] =	sst s0;
	s0 =	simm.s32 @!p1 $0x0  }
0x14: {  	s2 =	sld [smem:$0x3F98];
	s0 =	simm.s32 @p1 $0x1  }
0x15: {  	[smem:$0x3FB5] =	sst s0;
	s0 =	simm.s32 @!p2 $0x0  }
0x16: {  	s3 =	sld [smem:$0x3FDB];
	s0 =	simm.s32 @p2 $0x1  }
0x17: {  	s4 =	simm.s32 $0x1BF5;
	[smem:$0x3FB7] =	sst s0  }
0x18: {  	s0 =	sld [smem:$0x3F9A];
	_ =	swait.ge [sflag:s4], $0x0  }
0x19: {  	s7 =	sld [smem:$0x3F9B]  }
0x1a: {  	s8 =	sadd.s32 $0xFFFFE003, lr  }
0x1b: {  	s9 =	sadd.s32 $0xFFFFFEF7, lr;
	s5 =	simm.s32 $0xFFFFFFFF;
	p2 =	slt.u32 s8, $0xFFFFF086  }
0x1c: {  	p1 =	slt.u32 s9, $0xF7A;
	s5 =	simm.s32 @!p2 $0x0  }
0x1d: {  	s5 =	simm.s32 @p1 $0x1;
	p0 =	seq.s32 s7, s2  }
0x1e: {  	s7 =	smul.u32 @!p0 $0xF7A, s2;
	p2 =	seq.s32 @!p0 s5, $0x0  }
0x1f: {  	s9 =	smul.u32 $0xF7A, s1;
	s8 =	simm.s32 @!p0 $0x1BF5;
	p2 =	por !p2, p0  }
0x20: {  	[sflag:s8] =	ssyncset.s32 @!p0 $0xFFFFF086;
	s6 =	sadd.s32 @!p0 s3, s7;
	s7 =	simm.s32 @!p0 $0x108  }
0x21: {  	s3 =	sadd.s32 s3, s9;
	s6 =	sadd.s32 @!p0 $0x88, s6;
	s7 =	simm.s32 @p2 $0x1082  }
0x22: {  	[simem:s7], [sflag:s8] =	dma.local @!p0 [hbm:s6], $0xF7A  }
0x23: {  	s9 =	sor.u32 $0xD0000000, s2;
	s6 =	simm.s32 $0x108;
	_ =	swait.ge @!p0 [sflag:s8], $0x0  }
0x24: {  	s3 =	sadd.s32 $0x88, s3;
	s6 =	simm.s32 @!p1 $0x1082;
	[sflag:s4] =	ssyncset.s32 $0xFFFFF086  }
0x25: {  	[simem:s6], [sflag:s4] =	dma.local [hbm:s3], $0xF7A  }
0x26: {  	[smem:$0x3F9B] =	sst s1;
	(tag) =	ssettag s2;
	_ =	strace s9  }
0x27: {  	s1 =	sld [smem:$0x3FAB]  }
0x28: {  	s2 =	sld [smem:$0x3FAC]  }
0x29: {  	s4 =	sld [smem:$0x3FAE]  }
0x2a: {  	p0 =	seq.s32 s5, $0x0;
	s5 =	sld [smem:$0x3FAF]  }
0x2b: {  	s6 =	sld [smem:$0x3FB0]  }
0x2c: {  	s7 =	sld [smem:$0x3FB1]  }
0x2d: {  	s3 =	simm.s32 $0x108;
	s8 =	sld [smem:$0x3FB2]  }
0x2e: {  	s3 =	simm.s32 @!p0 $0x1082;
	s9 =	sld [smem:$0x3FB3]  }
0x2f: {  	lr =	sadd.s32 s0, s3;
	s0 =	sld [smem:$0x3FAA]  }
0x30: {  	s3 =	sld [smem:$0x3FAD]  }
0x31: {  	[smem:$0x3FB6] =	sst s10  }
0x32: {  	s10 =	sld [smem:$0x3FB4];
	_ =	sdelay $0x3  }
0x33: {  	p0 =	seq.s32 s10, $0x1;
	s10 =	sld [smem:$0x3FB6];
	_ =	sdelay $0x3  }
0x34: {  	[smem:$0x3FB6] =	sst s10  }
0x35: {  	s10 =	sld [smem:$0x3FB5];
	_ =	sdelay $0x3  }
0x36: {  	p1 =	seq.s32 s10, $0x1;
	s10 =	sld [smem:$0x3FB6];
	_ =	sdelay $0x3  }
0x37: {  	[smem:$0x3FB6] =	sst s10  }
0x38: {  	s10 =	sld [smem:$0x3FB7]  }
0x39: {  	_ = 	snop;
	(pc) =	sbr.ind lr, $3  }
0x3a: {  	_ = 	snop  }
0x3b: {  	_ = 	snop  }
0x3c: {  	p2 =	seq.s32 s10, $0x1;
	s10 =	sld [smem:$0x3FB6]  }
0x3d: {  	_ =	shalt  }
0x3e: {  	_ =	shalt  }
0x3f: {  	_ =	shalt  }
0x40: {  	_ =	shalt  }
0x41: {  	_ =	shalt  }
0x42: {  	_ =	shalt  }
0x43: {  	_ =	shalt  }
0x44: {  	_ =	shalt  }
0x45: {  	_ =	shalt  }
0x46: {  	_ =	shalt  }
0x47: {  	_ =	shalt  }
0x48: {  	_ =	shalt  }
0x49: {  	_ =	shalt  }
0x4a: {  	_ =	shalt  }
0x4b: {  	_ =	shalt  }
0x4c: {  	_ =	shalt  }
0x4d: {  	_ =	shalt  }
0x4e: {  	_ =	shalt  }
0x4f: {  	_ =	shalt  }
0x50: {  	_ =	shalt  }
0x51: {  	_ =	shalt  }
0x52: {  	_ =	shalt  }
0x53: {  	_ =	shalt  }
0x54: {  	_ =	shalt  }
0x55: {  	_ =	shalt  }
0x56: {  	_ =	shalt  }
0x57: {  	_ =	shalt  }
0x58: {  	_ =	shalt  }
0x59: {  	_ =	shalt  }
0x5a: {  	_ =	shalt  }
0x5b: {  	_ =	shalt  }
0x5c: {  	_ =	shalt  }
0x5d: {  	_ =	shalt  }
0x5e: {  	_ =	shalt  }
0x5f: {  	_ =	shalt  }
0x60: {  	_ =	shalt  }
0x61: {  	_ =	shalt  }
0x62: {  	_ =	shalt  }
0x63: {  	_ =	shalt  }
0x64: {  	_ =	shalt  }
0x65: {  	_ =	shalt  }
0x66: {  	_ =	shalt  }
0x67: {  	_ =	shalt  }
0x68: {  	_ =	shalt  }
0x69: {  	_ =	shalt  }
0x6a: {  	_ =	shalt  }
0x6b: {  	_ =	shalt  }
0x6c: {  	_ =	shalt  }
0x6d: {  	_ =	shalt  }
0x6e: {  	_ =	shalt  }
0x6f: {  	_ =	shalt  }
0x70: {  	_ =	shalt  }
0x71: {  	_ =	shalt  }
0x72: {  	_ =	shalt  }
0x73: {  	_ =	shalt  }
0x74: {  	_ =	shalt  }
0x75: {  	_ =	shalt  }
0x76: {  	_ =	shalt  }
0x77: {  	_ =	shalt  }
0x78: {  	_ =	shalt  }
0x79: {  	_ =	shalt  }
0x7a: {  	_ =	shalt  }
0x7b: {  	_ =	shalt  }
0x7c: {  	_ =	shalt  }
0x7d: {  	_ =	shalt  }
0x7e: {  	_ =	shalt  }
0x7f: {  	_ =	shalt  }
0x80: {  	_ =	shalt  }
0x81: {  	_ =	shalt  }
0x82: {  	_ =	shalt  }
0x83: {  	_ =	shalt  }
0x84: {  	_ =	shalt  }
0x85: {  	_ =	shalt  }
0x86: {  	_ =	shalt  }
0x87: {  	_ =	shalt  }
.Lfunc_end0:
.L_simem_size_0:
called_computation.2_lowered:
.L_overlay_start_0:
0x88: {  	s2 =	sld [smem:$0x3FD9]  }
0x89: {  	s3 =	sld [smem:$0x3FFE];
	_ =	sdelay $0x1  }
0x8a: {  	s1 =	srdreg.scid  }
0x8b: {  	s0 =	sand.u32 $0x1, s1  }
0x8c: {  	s17 =	sshll.u32 s0, $0xA;
	s2 =	sadd.s32 s3, s2  }
0x8d: {  	s2 =	sadd.s32 s2, s17  }
0x8e: {  	[smem:$0x3FC2] =	sst s2  }
0x8f: {  	_ = 	snop  }
0x90: {  	s2 =	sld [smem:$0x3FD0];
	(tm) =	ssettm $0x1  }
0x91: {  	s18 =	sld [smem:$0x3FFB];
	_ =	sdelay $0x3  }
0x92: {  	_ =	strace s18  }
0x93: {  	s3 =	sld [smem:$0x3FFC];
	_ =	sdelay $0x3  }
0x94: {  	_ =	strace s3  }
0x95: {  	s3 =	sld [smem:$0x3FFD];
	_ =	sdelay $0x3  }
0x96: {  	_ =	strace s3  }
0x97: {  	_ =	strace $0x8FFFFFFF  }
0x98: {  	s19 =	sld [smem:$0x3FDB];
	_ =	sdelay $0x1  }
0x99: {  	s4 =	simm.s32 $_scs_section_size  }
0x9a: {  	s5 =	simm.s32 $_size__tile_overlayer_lowered;
	s6 =	simm.s32 $_tile_overlayer_lowered  }
0x9b: {  	s22 =	simm.s32 $0x1BFF;
	s21 =	sshll.u32 s6, $0x1;
	s3 =	sadd.s32 s4, s19  }
0x9c: {  	s7 =	simm.s32 $0x0;
	s20 =	sshll.u32 s5, $0x1;
	s5 =	sadd.s32 s21, s3  }
0x9d: {  	[timem:s7], [sflag:s22] =	dma.local [hbm:s5], s20  }
0x9e: {  	_ =	swait.ge [sflag:s22], s20  }
0x9f: {  	s4 =	ssub.s32 $0x0, s20;
	[sflag:s22] =	ssyncset.done $0x0  }
0xa0: {  	[sflag:s22] =	ssyncadd.s32 s4;
	_ =	sdelay $0x1  }
0xa1: {  	s23 =	simm.s32 $0x1B8B  }
0xa2: {  	_ =	swait.ge [sflag:s23], $0x1  }
0xa3: {  	[sflag:s23] =	ssyncset.done $0x0  }
0xa4: {  	s25 =	simm.s32 $0x1B8E;
	s24 =	sld [smem:$0x3FFE];
	[sflag:s23] =	ssyncadd.s32 $0xFFFFFFFF  }
0xa5: {  	s26 =	simm.s32 $execute0_lowered;
	[smem:$0x3FD2] =	sst s25  }
0xa6: {  	s5 =	sshll.u32 s26, $0x1;
	_ =	strace $0x8000004C;
	[dreg:$0x1] =	wrdreg $0xFFFFFFFF  }
0xa7: {  	s28 =	simm.s32 $_size_execute0_lowered;
	s3 =	sadd.s32 s3, s5;
	[dreg:$0x0] =	wrdreg $0x0  }
0xa8: {  	s5 =	sshll.u32 s28, $0x1;
	[dreg:$0x2] =	wrdreg s3  }
0xa9: {  	[dreg:$0x3] =	wrdreg s5  }
0xaa: {  	[dreg:$0x4] =	wrdreg $0xC0  }
0xab: {  	_ =	task [dreg:s7], $0x5FFFF  }
0xac: {  	[dreg:$0x1] =	wrdreg $0xFFFFFFFF  }
0xad: {  	[dreg:$0x0] =	wrdreg $0x60  }
0xae: {  	[dreg:$0x2] =	wrdreg s24  }
0xaf: {  	[dreg:$0x3] =	wrdreg s2  }
0xb0: {  	[dreg:$0x4] =	wrdreg $0xCF000  }
0xb1: {  	[dreg:$0x5] =	wrdreg $0x9  }
0xb2: {  	_ =	task.clear_ibuf [dreg:s7], $0x6FFFF;
	_ =	strace $0x9000004C  }
0xb3: {  	s29 =	simm.s32 $0x9;
	_ =	strace $0x8000004E  }
0xb4: {  	_ =	swait.ge [sflag:s29], $0x1  }
0xb5: {  	[sflag:s29] =	ssyncadd.s32 $0xFFFFFFFF  }
0xb6: {  	_ =	strace $0x9000004E  }
0xb7: {  	_ =	sfence  }
0xb8: {  	s30 =	sld [smem:$0x0];
	_ =	sdelay $0x2  }
0xb9: {  	s31 =	sshll.u32 s1, $0xD;
	s1 =	sshrl.u32 s1, $0x2  }
0xba: {  	s3 =	sand.u32 $0x4000, s31;
	s1 =	sadd.s32 s1, s30  }
0xbb: {  	s0 =	sor.u32 s3, s0;
	s1 =	sshll.u32 s1, $0x11  }
0xbc: {  	s0 =	sor.u32 s1, s0  }
0xbd: {  	s0 =	sadd.s32 $0x8F2B, s0  }
0xbe: {  	[sflag:s0] =	ssyncadd.remote.s32 $0x1  }
0xbf: {  	_ =	sfence.sel $0xFFFF  }
0xc0: {  	[dreg:$0x0] =	wrdreg $0xFFFFFFFF;
	(pc) =	sbr.abs _section_cstart, $3  }
0xc1: {  	[dreg:$0x1] =	wrdreg $0xFFFFFFFF  }
0xc2: {  	_ =	task.clear_ibuf [dreg:s7], $0x2FFFF;
	_ =	strace $0x9FFFFFFF  }
0xc3: {  	(tm) =	ssettm $0x7FFFFFFF  }
tec
execute0_lowered:
.L_overlay_start_1:
0x0: {  	(tag) =	ssettag $0x1  }
0x1: {  	s0 =	srdreg.scid  }
0x2: {  	s1 =	rddreg [dreg:$0x0];
	s12 =	stileid.u32  }
0x3: {  	s2 =	rddreg [dreg:$0x1];
	s26 =	simm.s32 $0x0;
	s15 =	simm.s32 $0x80  }
0x4: {  	s16 =	simm.s32 $0xD;
	s17 =	simm.s32 $0xE;
	s18 =	simm.s32 $0xF  }
0x5: {  	s19 =	simm.s32 $0x10;
	s20 =	simm.s32 $0x0;
	s0 =	sand.u32 $0x1, s0  }
0x6: {  	s6 =	smul.u32 $0x9E00, s12;
	[smem:$0x7FF] =	sst s26;
	s31 =	sshll.u32 s12, $0x6  }
0x7: {  	s3 =	sshll.u32 s0, $0x4;
	s10 =	smul.u32 $0x9E000, s0;
	s0 =	ssub.s32 $0x2, s0  }
0x8: {  	s13 =	sor.u32 $0x1C11, s31;
	s4 =	sor.u32 s12, s3;
	s3 =	rddreg [dreg:$0x2]  }
0x9: {  	s9 =	sshrl.u32 s6, $0x4;
	_ =	strace $0x8000004D;
	s11 =	sshrl.u32 s0, $0x1  }
0xa: {  	s12 =	simm.s32 $0xC;
	s5 =	smul.u32 $0x9C4, s4;
	s9 =	sadd.s32 s9, s1  }
0xb: {  	s10 =	sadd.s32 s6, s10;
	s0 =	ssub.s32 s0, s11;
	s6 =	sshrl.u32 s6, $0x1  }
0xc: {  	s11 =	simm.s32 $0x11;
	s10 =	sshrl.u32 s10, $0x4;
	s7 =	sshrl.u32 s5, $0x5  }
0xd: {  	s6 =	sadd.s32 s6, s3;
	s30 =	sadd.s32 $0x1AA00, s9;
	s8 =	sshll.u32 s7, $0x4  }
0xe: {  	s0 =	smax.u32 s0, $0x1;
	[dreg:$0x6] =	wrdreg s30;
	s8 =	sadd.s32 s8, s1  }
0xf: {  	s5 =	sadd.s32 $0x9C4, s5;
	[dreg:$0x8] =	wrdreg s0;
	s28 =	sadd.s32 $0x7000, s8  }
0x10: {  	s1 =	sadd.s32 s10, s1;
	s29 =	sadd.s32 $0x10C40, s8;
	[dreg:$0x4] =	wrdreg s28  }
0x11: {  	s5 =	sshrl.u32 s5, $0x5;
	s1 =	sadd.s32 $0x24800, s1;
	[dreg:$0x5] =	wrdreg s29  }
0x12: {  	s14 =	sshrl.u32 s6, $0x3;
	s5 =	ssub.s32 s5, s7;
	[dreg:$0x7] =	wrdreg s1  }
.LBB2_1:
0x13: {  	s0 =	simm.s32 $0x0;
	s1 =	rddreg [dreg:$0x4]  }
0x14: {  	[tilespmem:s0], [sflag:$0x11] =	stream.linear.gather [hbm4b:s1+s0], $0x2780, $0x38;
	[tilespmem:$0x11E00] =	vst v63  }
0x15: {  	_ =	swait.ge [sflag:s11], $0x2780  }
0x16: {  	[sflag:s11] =	ssyncset.done $0x0  }
0x17: {  	s4 =	simm.s32 $0x2780;
	s31 =	rddreg [dreg:$0x5];
	[sflag:s11] =	ssyncadd.s32 $0xFFFFD880  }
0x18: {  	[tilespmem:s4], [sflag:$0x11] =	stream.linear.gather [hbm4b:s31+s0], $0x2780, $0x38;
	[tilespmem:$0x11E00] =	vst v63  }
0x19: {  	_ =	swait.ge [sflag:s11], $0x2780  }
0x1a: {  	[sflag:s11] =	ssyncset.done $0x0  }
0x1b: {  	s6 =	rddreg [dreg:$0x6];
	[sflag:s11] =	ssyncadd.s32 $0xFFFFD880  }
0x1c: {  	[spmem:s14], [sflag:s13] =	dma.local [hbm:s6], $0x9E0  }
0x1d: {  	_ =	swait.ge [sflag:s11], $0x9E0  }
0x1e: {  	[sflag:s11] =	ssyncset.done $0x0  }
0x1f: {  	[sflag:s11] =	ssyncadd.s32 $0xFFFFF620  }
0x20: {  	s7 =	simm.s32 $0x4F00;
	[bflag:$0x0] =	sbarrier.arrive $0xFFFF  }
0x21: {  	[tilespmem:s7], [sflag:$0x1] =	stream.indirect.gather [hbm4b:s2+s15], $0x20, s0, s15, $0xb8;
	[tilespmem:$0x11E00] =	vst v63  }
0x22: {  	s8 =	simm.s32 $0x5F00  }
0x23: {  	[tilespmem:s8], [sflag:$0x2] =	stream.indirect.gather [hbm4b:s2+s15], $0x20, s15, s15, $0xb8;
	[tilespmem:$0x11E00] =	vst v63  }
0x24: {  	s9 =	simm.s32 $0x100;
	s10 =	simm.s32 $0x6F00  }
0x25: {  	[tilespmem:s10], [sflag:$0x3] =	stream.indirect.gather [hbm4b:s2+s15], $0x20, s9, s15, $0xb8;
	[tilespmem:$0x11E00] =	vst v63  }
0x26: {  	s21 =	simm.s32 $0x180;
	s22 =	simm.s32 $0x7F00  }
0x27: {  	[tilespmem:s22], [sflag:$0x4] =	stream.indirect.gather [hbm4b:s2+s15], $0x20, s21, s15, $0xb8;
	[tilespmem:$0x11E00] =	vst v63  }
0x28: {  	s23 =	simm.s32 $0x200;
	s24 =	simm.s32 $0x8F00  }
0x29: {  	[tilespmem:s24], [sflag:$0x5] =	stream.indirect.gather [hbm4b:s2+s15], $0x20, s23, s15, $0xb8;
	[tilespmem:$0x11E00] =	vst v63  }
0x2a: {  	s25 =	simm.s32 $0x280;
	s26 =	simm.s32 $0x9F00  }
0x2b: {  	[tilespmem:s26], [sflag:$0x6] =	stream.indirect.gather [hbm4b:s2+s15], $0x20, s25, s15, $0xb8;
	[tilespmem:$0x11E00] =	vst v63  }
0x2c: {  	s28 =	simm.s32 $0x300;
	s29 =	simm.s32 $0xAF00;
	p0 =	sle.s32 s5, $0x0  }
0x2d: {  	[tilespmem:s29], [sflag:$0x7] =	stream.indirect.gather [hbm4b:s2+s15], $0x20, s28, s15, $0xb8;
	[tilespmem:$0x11E00] =	vst v63  }
0x2e: {  	s30 =	simm.s32 $0x380;
	s31 =	simm.s32 $0xBF00;
	s6 =	simm.s32 @!p0 $0x1  }
0x2f: {  	[tilespmem:s31], [sflag:$0x8] =	stream.indirect.gather [hbm4b:s2+s15], $0x20, s30, s15, $0xb8;
	[tilespmem:$0x11E00] =	vst v63  }
0x30: {  	_ =	swait.ge @!p0 [sflag:s6], $0x1000  }
0x31: {  	p1 =	sle.s32 s5, $0x1;
	s7 =	simm.s32 @!p0 $0x2780;
	[sflag:s6] =	ssyncset.done @!p0 $0x0  }
0x32: {  	s21 =	simm.s32 @!p0 $0x4F00;
	[sflag:s6] =	ssyncadd.s32 @!p0 $0xFFFFF000;
	s6 =	simm.s32 @!p0 $0x80  }
0x33: {  	[spmem:s3] =	stream.indirect.scatter.add.bf16 @!p0 [tilespmem:s21], [sflag:$0x9], $0x20, s7, s6, $0xb8;
	[tilespmem:$0x11E00] =	vst v63  }
0x34: {  	s6 =	simm.s32 @!p1 $0x2  }
0x35: {  	s22 =	simm.s32 @!p1 $0x80;
	_ =	swait.ge @!p1 [sflag:s6], $0x1000  }
0x36: {  	s7 =	simm.s32 @!p1 $0x5F00;
	p0 =	sle.s32 s5, $0x2;
	[sflag:s6] =	ssyncset.done @!p1 $0x0  }
0x37: {  	s21 =	simm.s32 @!p1 $0x2800;
	[sflag:s6] =	ssyncadd.s32 @!p1 $0xFFFFF000;
	s6 =	simm.s32 @!p0 $0x3  }
0x38: {  	[spmem:s3] =	stream.indirect.scatter.add.bf16 @!p1 [tilespmem:s7], [sflag:$0xA], $0x20, s21, s22, $0xb8;
	[tilespmem:$0x11E00] =	vst v63  }
0x39: {  	s7 =	simm.s32 @!p0 $0x2880;
	_ =	swait.ge @!p0 [sflag:s6], $0x1000  }
0x3a: {  	s21 =	simm.s32 @!p0 $0x6F00;
	p1 =	sle.s32 s5, $0x3;
	[sflag:s6] =	ssyncset.done @!p0 $0x0  }
0x3b: {  	s22 =	simm.s32 @!p0 $0x80;
	[sflag:s6] =	ssyncadd.s32 @!p0 $0xFFFFF000;
	s6 =	simm.s32 @!p1 $0x4  }
0x3c: {  	[spmem:s3] =	stream.indirect.scatter.add.bf16 @!p0 [tilespmem:s21], [sflag:$0xB], $0x20, s7, s22, $0xb8;
	[tilespmem:$0x11E00] =	vst v63  }
0x3d: {  	s7 =	simm.s32 @!p1 $0x2900;
	_ =	swait.ge @!p1 [sflag:s6], $0x1000  }
0x3e: {  	s21 =	simm.s32 @!p1 $0x7F00;
	p0 =	sle.s32 s5, $0x4;
	[sflag:s6] =	ssyncset.done @!p1 $0x0  }
0x3f: {  	s22 =	simm.s32 @!p1 $0x80;
	[sflag:s6] =	ssyncadd.s32 @!p1 $0xFFFFF000;
	s6 =	simm.s32 @!p0 $0x5  }
0x40: {  	[spmem:s3] =	stream.indirect.scatter.add.bf16 @!p1 [tilespmem:s21], [sflag:$0xC], $0x20, s7, s22, $0xb8;
	[tilespmem:$0x11E00] =	vst v63  }
0x41: {  	s7 =	simm.s32 @!p0 $0x2980;
	_ =	swait.ge @!p0 [sflag:s6], $0x1000  }
0x42: {  	s21 =	simm.s32 @!p0 $0x8F00;
	p1 =	sle.s32 s5, $0x5;
	[sflag:s6] =	ssyncset.done @!p0 $0x0  }
0x43: {  	s22 =	simm.s32 @!p0 $0x80;
	[sflag:s6] =	ssyncadd.s32 @!p0 $0xFFFFF000;
	s6 =	simm.s32 @!p1 $0x6  }
0x44: {  	[spmem:s3] =	stream.indirect.scatter.add.bf16 @!p0 [tilespmem:s21], [sflag:$0xD], $0x20, s7, s22, $0xb8;
	[tilespmem:$0x11E00] =	vst v63  }
0x45: {  	s7 =	simm.s32 @!p1 $0x2A00;
	_ =	swait.ge @!p1 [sflag:s6], $0x1000  }
0x46: {  	s21 =	simm.s32 @!p1 $0x9F00;
	p0 =	sle.s32 s5, $0x6;
	[sflag:s6] =	ssyncset.done @!p1 $0x0  }
0x47: {  	s22 =	simm.s32 @!p1 $0x80;
	[sflag:s6] =	ssyncadd.s32 @!p1 $0xFFFFF000;
	s6 =	simm.s32 @!p0 $0x7  }
0x48: {  	[spmem:s3] =	stream.indirect.scatter.add.bf16 @!p1 [tilespmem:s21], [sflag:$0xE], $0x20, s7, s22, $0xb8;
	[tilespmem:$0x11E00] =	vst v63  }
0x49: {  	s7 =	simm.s32 @!p0 $0x2A80;
	_ =	swait.ge @!p0 [sflag:s6], $0x1000  }
0x4a: {  	s21 =	simm.s32 @!p0 $0xAF00;
	p1 =	sle.s32 s5, $0x7;
	[sflag:s6] =	ssyncset.done @!p0 $0x0  }
0x4b: {  	s22 =	simm.s32 @!p0 $0x80;
	[sflag:s6] =	ssyncadd.s32 @!p0 $0xFFFFF000;
	s6 =	simm.s32 @!p1 $0x8  }
0x4c: {  	[spmem:s3] =	stream.indirect.scatter.add.bf16 @!p0 [tilespmem:s21], [sflag:$0xF], $0x20, s7, s22, $0xb8;
	[tilespmem:$0x11E00] =	vst v63  }
0x4d: {  	p0 =	sle.s32 s5, $0x8;
	_ =	swait.ge @!p1 [sflag:s6], $0x1000  }
0x4e: {  	s7 =	simm.s32 @!p1 $0x2B00;
	s21 =	simm.s32 @!p1 $0xBF00;
	[sflag:s6] =	ssyncset.done @!p1 $0x0  }
0x4f: {  	s22 =	simm.s32 @!p1 $0x80;
	[sflag:s6] =	ssyncadd.s32 @!p1 $0xFFFFF000;
	s6 =	simm.s32 @!p0 $0x9  }
0x50: {  	[spmem:s3] =	stream.indirect.scatter.add.bf16 @!p1 [tilespmem:s21], [sflag:$0x10], $0x20, s7, s22, $0xb8;
	[tilespmem:$0x11E00] =	vst v63  }
0x51: {  	s7 =	simm.s32 @!p0 $0x4F00;
	_ =	swait.ge @!p0 [sflag:s6], $0x1000  }
0x52: {  	s21 =	simm.s32 @!p0 $0x400;
	p1 =	sle.s32 s5, $0x9;
	[sflag:s6] =	ssyncset.done @!p0 $0x0  }
0x53: {  	s22 =	simm.s32 @!p0 $0x80;
	[sflag:s6] =	ssyncadd.s32 @!p0 $0xFFFFF000;
	s6 =	simm.s32 @!p1 $0xA  }
0x54: {  	[tilespmem:s7], [sflag:$0x1] =	stream.indirect.gather @!p0 [hbm4b:s2+s22], $0x20, s21, s22, $0xb8;
	[tilespmem:$0x11E00] =	vst v63  }
0x55: {  	s7 =	simm.s32 @!p1 $0x480;
	_ =	swait.ge @!p1 [sflag:s6], $0x1000  }
0x56: {  	s21 =	simm.s32 @!p1 $0x5F00;
	p0 =	sle.s32 s5, $0xA;
	[sflag:s6] =	ssyncset.done @!p1 $0x0  }
0x57: {  	s22 =	simm.s32 @!p1 $0x80;
	[sflag:s6] =	ssyncadd.s32 @!p1 $0xFFFFF000;
	s6 =	simm.s32 @!p0 $0xB  }
0x58: {  	[tilespmem:s21], [sflag:$0x2] =	stream.indirect.gather @!p1 [hbm4b:s2+s22], $0x20, s7, s22, $0xb8;
	[tilespmem:$0x11E00] =	vst v63  }
0x59: {  	s7 =	simm.s32 @!p0 $0x500;
	_ =	swait.ge @!p0 [sflag:s6], $0x1000  }
0x5a: {  	s21 =	simm.s32 @!p0 $0x6F00;
	p1 =	sle.s32 s5, $0xB;
	[sflag:s6] =	ssyncset.done @!p0 $0x0  }
0x5b: {  	s22 =	simm.s32 @!p0 $0x80;
	[sflag:s6] =	ssyncadd.s32 @!p0 $0xFFFFF000;
	s6 =	simm.s32 @!p1 $0xC  }
0x5c: {  	[tilespmem:s21], [sflag:$0x3] =	stream.indirect.gather @!p0 [hbm4b:s2+s22], $0x20, s7, s22, $0xb8;
	[tilespmem:$0x11E00] =	vst v63  }
0x5d: {  	s7 =	simm.s32 @!p1 $0x580;
	_ =	swait.ge @!p1 [sflag:s6], $0x1000  }
0x5e: {  	s21 =	simm.s32 @!p1 $0x7F00;
	p0 =	sle.s32 s5, $0xC;
	[sflag:s6] =	ssyncset.done @!p1 $0x0  }
0x5f: {  	s22 =	simm.s32 @!p1 $0x80;
	[sflag:s6] =	ssyncadd.s32 @!p1 $0xFFFFF000;
	s6 =	simm.s32 @!p0 $0xD  }
0x60: {  	[tilespmem:s21], [sflag:$0x4] =	stream.indirect.gather @!p1 [hbm4b:s2+s22], $0x20, s7, s22, $0xb8;
	[tilespmem:$0x11E00] =	vst v63  }
0x61: {  	s7 =	simm.s32 @!p0 $0x600;
	_ =	swait.ge @!p0 [sflag:s6], $0x1000  }
0x62: {  	s21 =	simm.s32 @!p0 $0x8F00;
	p1 =	sle.s32 s5, $0xD;
	[sflag:s6] =	ssyncset.done @!p0 $0x0  }
0x63: {  	s22 =	simm.s32 @!p0 $0x80;
	[sflag:s6] =	ssyncadd.s32 @!p0 $0xFFFFF000;
	s6 =	simm.s32 @!p1 $0xE  }
0x64: {  	[tilespmem:s21], [sflag:$0x5] =	stream.indirect.gather @!p0 [hbm4b:s2+s22], $0x20, s7, s22, $0xb8;
	[tilespmem:$0x11E00] =	vst v63  }
0x65: {  	p2 =	sle.s32 s5, $0xE;
	s7 =	simm.s32 @!p1 $0x680;
	_ =	swait.ge @!p1 [sflag:s6], $0x1000  }
0x66: {  	s21 =	simm.s32 @!p1 $0x9F00;
	s22 =	simm.s32 @!p1 $0x80;
	[sflag:s6] =	ssyncset.done @!p1 $0x0  }
0x67: {  	p0 =	sle.s32 s5, $0xF;
	[sflag:s6] =	ssyncadd.s32 @!p1 $0xFFFFF000;
	s6 =	simm.s32 @!p2 $0xF  }
0x68: {  	[tilespmem:s21], [sflag:$0x6] =	stream.indirect.gather @!p1 [hbm4b:s2+s22], $0x20, s7, s22, $0xb8;
	[tilespmem:$0x11E00] =	vst v63  }
0x69: {  	s23 =	simm.s32 @!p0 $0x80;
	_ =	swait.ge @!p2 [sflag:s6], $0x1000  }
0x6a: {  	s7 =	simm.s32 @!p2 $0x700;
	s21 =	simm.s32 @!p2 $0xAF00;
	[sflag:s6] =	ssyncset.done @!p2 $0x0  }
0x6b: {  	s22 =	simm.s32 @!p2 $0x80;
	[sflag:s6] =	ssyncadd.s32 @!p2 $0xFFFFF000;
	s6 =	simm.s32 @!p0 $0x10  }
0x6c: {  	[tilespmem:s21], [sflag:$0x7] =	stream.indirect.gather @!p2 [hbm4b:s2+s22], $0x20, s7, s22, $0xb8;
	[tilespmem:$0x11E00] =	vst v63  }
0x6d: {  	s24 =	simm.s32 @!p0 $0xBF00;
	s21 =	simm.s32 $0x8;
	_ =	swait.ge @!p0 [sflag:s6], $0x1000  }
0x6e: {  	s7 =	simm.s32 @!p0 $0x780;
	s22 =	simm.s32 $0x0;
	[sflag:s6] =	ssyncset.done @!p0 $0x0  }
.LBB2_2:
0x6f: {  	[sflag:s6] =	ssyncadd.s32 @!p0 $0xFFFFF000  }
0x70: {  	s22 =	sadd.s32 $0x1000, s22;
	s29 =	smov.u32 s21;
	s21 =	sadd.s32 $0x8, s21  }
0x71: {  	[tilespmem:s24], [sflag:$0x8] =	stream.indirect.gather @!p0 [hbm4b:s2+s23], $0x20, s7, s23, $0xb8;
	[tilespmem:$0x11E00] =	vst v63  }
0x72: {  	s24 =	sadd.s32 $0xD, s29;
	s23 =	sadd.s32 $0xE, s29;
	s6 =	sadd.s32 $0xF, s29  }
0x73: {  	s26 =	sadd.s32 $0xB, s29;
	s25 =	sadd.s32 $0xC, s29;
	p0 =	sge.s32 s6, s5  }
0x74: {  	s30 =	sadd.s32 $0x7, s29;
	p1 =	sge.s32 s21, s5;
	s28 =	sadd.s32 $0xA, s29  }
0x75: {  	p2 =	sge.s32 s29, s5;
	s7 =	sadd.s32 $0x5, s29;
	s6 =	sadd.s32 $0x6, s29  }
0x76: {  	s10 =	sadd.s32 $0x4, s29;
	s8 =	simm.s32 @!p2 $0x1;
	s9 =	sshra.s32 @!p2 s22, $0x2  }
0x77: {  	s4 =	sadd.s32 $0x3, s29;
	s9 =	sadd.s32 @!p2 $0x2780, s9;
	_ =	swait.ge @!p2 [sflag:s8], $0x1000  }
0x78: {  	s1 =	sadd.s32 $0x1, s29;
	s31 =	simm.s32 @!p2 $0x4F00;
	[sflag:s8] =	ssyncset.done @!p2 $0x0  }
0x79: {  	p3 =	sge.s32 s1, s5;
	[sflag:s8] =	ssyncadd.s32 @!p2 $0xFFFFF000;
	s8 =	simm.s32 @!p2 $0x80  }
0x7a: {  	[spmem:s3] =	stream.indirect.scatter.add.bf16 @!p2 [tilespmem:s31], [sflag:$0x9], $0x20, s9, s8, $0xb8;
	[tilespmem:$0x11E00] =	vst v63  }
0x7b: {  	s1 =	simm.s32 @!p3 $0x2;
	s8 =	sshra.s32 @!p3 s22, $0x2;
	s9 =	simm.s32 @!p3 $0x5F00  }
0x7c: {  	s31 =	sadd.s32 $0x2, s29;
	s8 =	sadd.s32 @!p3 $0x2800, s8;
	_ =	swait.ge @!p3 [sflag:s1], $0x1000  }
0x7d: {  	s0 =	simm.s32 @!p3 $0x80;
	p2 =	sge.s32 s31, s5;
	[sflag:s1] =	ssyncset.done @!p3 $0x0  }
0x7e: {  	s31 =	sshra.s32 @!p2 s22, $0x2;
	[sflag:s1] =	ssyncadd.s32 @!p3 $0xFFFFF000;
	s1 =	simm.s32 @!p2 $0x3  }
0x7f: {  	[spmem:s3] =	stream.indirect.scatter.add.bf16 @!p3 [tilespmem:s9], [sflag:$0xA], $0x20, s8, s0, $0xb8;
	[tilespmem:$0x11E00] =	vst v63  }
0x80: {  	s0 =	sadd.s32 @!p2 $0x2880, s31;
	s8 =	simm.s32 @!p2 $0x6F00;
	_ =	swait.ge @!p2 [sflag:s1], $0x1000  }
0x81: {  	s9 =	simm.s32 @!p2 $0x80;
	p3 =	sge.s32 s4, s5;
	[sflag:s1] =	ssyncset.done @!p2 $0x0  }
0x82: {  	s4 =	sshra.s32 @!p3 s22, $0x2;
	[sflag:s1] =	ssyncadd.s32 @!p2 $0xFFFFF000;
	s1 =	simm.s32 @!p3 $0x4  }
0x83: {  	[spmem:s3] =	stream.indirect.scatter.add.bf16 @!p2 [tilespmem:s8], [sflag:$0xB], $0x20, s0, s9, $0xb8;
	[tilespmem:$0x11E00] =	vst v63  }
0x84: {  	s0 =	sadd.s32 @!p3 $0x2900, s4;
	s4 =	simm.s32 @!p3 $0x7F00;
	_ =	swait.ge @!p3 [sflag:s1], $0x1000  }
0x85: {  	s8 =	simm.s32 @!p3 $0x80;
	p2 =	sge.s32 s10, s5;
	[sflag:s1] =	ssyncset.done @!p3 $0x0  }
0x86: {  	s9 =	sshra.s32 @!p2 s22, $0x2;
	[sflag:s1] =	ssyncadd.s32 @!p3 $0xFFFFF000;
	s1 =	simm.s32 @!p2 $0x5  }
0x87: {  	[spmem:s3] =	stream.indirect.scatter.add.bf16 @!p3 [tilespmem:s4], [sflag:$0xC], $0x20, s0, s8, $0xb8;
	[tilespmem:$0x11E00] =	vst v63  }
0x88: {  	s0 =	sadd.s32 @!p2 $0x2980, s9;
	s4 =	simm.s32 @!p2 $0x8F00;
	_ =	swait.ge @!p2 [sflag:s1], $0x1000  }
0x89: {  	s8 =	simm.s32 @!p2 $0x80;
	p3 =	sge.s32 s7, s5;
	[sflag:s1] =	ssyncset.done @!p2 $0x0  }
0x8a: {  	s7 =	sshra.s32 @!p3 s22, $0x2;
	[sflag:s1] =	ssyncadd.s32 @!p2 $0xFFFFF000;
	s1 =	simm.s32 @!p3 $0x6  }
0x8b: {  	[spmem:s3] =	stream.indirect.scatter.add.bf16 @!p2 [tilespmem:s4], [sflag:$0xD], $0x20, s0, s8, $0xb8;
	[tilespmem:$0x11E00] =	vst v63  }
0x8c: {  	s0 =	sadd.s32 @!p3 $0x2A00, s7;
	s4 =	simm.s32 @!p3 $0x9F00;
	_ =	swait.ge @!p3 [sflag:s1], $0x1000  }
0x8d: {  	s7 =	simm.s32 @!p3 $0x80;
	p2 =	sge.s32 s6, s5;
	[sflag:s1] =	ssyncset.done @!p3 $0x0  }
0x8e: {  	s6 =	sshra.s32 @!p2 s22, $0x2;
	[sflag:s1] =	ssyncadd.s32 @!p3 $0xFFFFF000;
	s1 =	simm.s32 @!p2 $0x7  }
0x8f: {  	[spmem:s3] =	stream.indirect.scatter.add.bf16 @!p3 [tilespmem:s4], [sflag:$0xE], $0x20, s0, s7, $0xb8;
	[tilespmem:$0x11E00] =	vst v63  }
0x90: {  	s0 =	sadd.s32 @!p2 $0x2A80, s6;
	s4 =	simm.s32 @!p2 $0xAF00;
	_ =	swait.ge @!p2 [sflag:s1], $0x1000  }
0x91: {  	s6 =	simm.s32 @!p2 $0x80;
	p3 =	sge.s32 s30, s5;
	[sflag:s1] =	ssyncset.done @!p2 $0x0  }
0x92: {  	s7 =	sshra.s32 @!p3 s22, $0x2;
	[sflag:s1] =	ssyncadd.s32 @!p2 $0xFFFFF000;
	s1 =	simm.s32 @!p3 $0x8  }
0x93: {  	[spmem:s3] =	stream.indirect.scatter.add.bf16 @!p2 [tilespmem:s4], [sflag:$0xF], $0x20, s0, s6, $0xb8;
	[tilespmem:$0x11E00] =	vst v63  }
0x94: {  	s0 =	sadd.s32 @!p3 $0x2B00, s7;
	s4 =	simm.s32 @!p3 $0xBF00;
	_ =	swait.ge @!p3 [sflag:s1], $0x1000  }
0x95: {  	s6 =	simm.s32 @!p3 $0x80;
	s7 =	simm.s32 @!p1 $0x4F00;
	[sflag:s1] =	ssyncset.done @!p3 $0x0  }
0x96: {  	s8 =	sshra.s32 @!p1 s22, $0x2;
	[sflag:s1] =	ssyncadd.s32 @!p3 $0xFFFFF000;
	s1 =	simm.s32 @!p1 $0x9  }
0x97: {  	[spmem:s3] =	stream.indirect.scatter.add.bf16 @!p3 [tilespmem:s4], [sflag:$0x10], $0x20, s0, s6, $0xb8;
	[tilespmem:$0x11E00] =	vst v63  }
0x98: {  	s0 =	sadd.s32 @!p1 $0x400, s8;
	s4 =	sadd.s32 $0x9, s29;
	_ =	swait.ge @!p1 [sflag:s1], $0x1000  }
0x99: {  	s6 =	simm.s32 @!p1 $0x80;
	p2 =	sge.s32 s4, s5;
	[sflag:s1] =	ssyncset.done @!p1 $0x0  }
0x9a: {  	s4 =	sshra.s32 @!p2 s22, $0x2;
	[sflag:s1] =	ssyncadd.s32 @!p1 $0xFFFFF000;
	s1 =	simm.s32 @!p2 $0xA  }
0x9b: {  	[tilespmem:s7], [sflag:$0x1] =	stream.indirect.gather @!p1 [hbm4b:s2+s6], $0x20, s0, s6, $0xb8;
	[tilespmem:$0x11E00] =	vst v63  }
0x9c: {  	s0 =	sadd.s32 @!p2 $0x480, s4;
	s4 =	simm.s32 @!p2 $0x5F00;
	_ =	swait.ge @!p2 [sflag:s1], $0x1000  }
0x9d: {  	s6 =	simm.s32 @!p2 $0x80;
	p1 =	sge.s32 s28, s5;
	[sflag:s1] =	ssyncset.done @!p2 $0x0  }
0x9e: {  	s7 =	sshra.s32 @!p1 s22, $0x2;
	[sflag:s1] =	ssyncadd.s32 @!p2 $0xFFFFF000;
	s1 =	simm.s32 @!p1 $0xB  }
0x9f: {  	[tilespmem:s4], [sflag:$0x2] =	stream.indirect.gather @!p2 [hbm4b:s2+s6], $0x20, s0, s6, $0xb8;
	[tilespmem:$0x11E00] =	vst v63  }
0xa0: {  	s0 =	sadd.s32 @!p1 $0x500, s7;
	s4 =	simm.s32 @!p1 $0x6F00;
	_ =	swait.ge @!p1 [sflag:s1], $0x1000  }
0xa1: {  	s6 =	simm.s32 @!p1 $0x80;
	p2 =	sge.s32 s26, s5;
	[sflag:s1] =	ssyncset.done @!p1 $0x0  }
0xa2: {  	s7 =	sshra.s32 @!p2 s22, $0x2;
	[sflag:s1] =	ssyncadd.s32 @!p1 $0xFFFFF000;
	s1 =	simm.s32 @!p2 $0xC  }
0xa3: {  	[tilespmem:s4], [sflag:$0x3] =	stream.indirect.gather @!p1 [hbm4b:s2+s6], $0x20, s0, s6, $0xb8;
	[tilespmem:$0x11E00] =	vst v63  }
0xa4: {  	s0 =	sadd.s32 @!p2 $0x580, s7;
	s4 =	simm.s32 @!p2 $0x7F00;
	_ =	swait.ge @!p2 [sflag:s1], $0x1000  }
0xa5: {  	s6 =	simm.s32 @!p2 $0x80;
	p1 =	sge.s32 s25, s5;
	[sflag:s1] =	ssyncset.done @!p2 $0x0  }
0xa6: {  	s7 =	sshra.s32 @!p1 s22, $0x2;
	[sflag:s1] =	ssyncadd.s32 @!p2 $0xFFFFF000;
	s1 =	simm.s32 @!p1 $0xD  }
0xa7: {  	[tilespmem:s4], [sflag:$0x4] =	stream.indirect.gather @!p2 [hbm4b:s2+s6], $0x20, s0, s6, $0xb8;
	[tilespmem:$0x11E00] =	vst v63  }
0xa8: {  	s0 =	sadd.s32 @!p1 $0x600, s7;
	s4 =	simm.s32 @!p1 $0x8F00;
	_ =	swait.ge @!p1 [sflag:s1], $0x1000  }
0xa9: {  	s6 =	simm.s32 @!p1 $0x80;
	p2 =	sge.s32 s24, s5;
	[sflag:s1] =	ssyncset.done @!p1 $0x0  }
0xaa: {  	s7 =	sshra.s32 @!p2 s22, $0x2;
	[sflag:s1] =	ssyncadd.s32 @!p1 $0xFFFFF000;
	s1 =	simm.s32 @!p2 $0xE  }
0xab: {  	[tilespmem:s4], [sflag:$0x5] =	stream.indirect.gather @!p1 [hbm4b:s2+s6], $0x20, s0, s6, $0xb8;
	[tilespmem:$0x11E00] =	vst v63  }
0xac: {  	s0 =	sadd.s32 @!p2 $0x680, s7;
	s4 =	simm.s32 @!p2 $0x9F00;
	_ =	swait.ge @!p2 [sflag:s1], $0x1000  }
0xad: {  	s6 =	simm.s32 @!p2 $0x80;
	p1 =	sge.s32 s23, s5;
	[sflag:s1] =	ssyncset.done @!p2 $0x0  }
0xae: {  	s7 =	sshra.s32 @!p1 s22, $0x2;
	[sflag:s1] =	ssyncadd.s32 @!p2 $0xFFFFF000;
	s1 =	simm.s32 @!p1 $0xF  }
0xaf: {  	[tilespmem:s4], [sflag:$0x6] =	stream.indirect.gather @!p2 [hbm4b:s2+s6], $0x20, s0, s6, $0xb8;
	[tilespmem:$0x11E00] =	vst v63  }
0xb0: {  	s0 =	sadd.s32 @!p1 $0x700, s7;
	s4 =	simm.s32 @!p1 $0xAF00;
	_ =	swait.ge @!p1 [sflag:s1], $0x1000  }
0xb1: {  	s7 =	simm.s32 @!p1 $0x80;
	[sflag:s1] =	ssyncset.done @!p1 $0x0  }
0xb2: {  	s6 =	simm.s32 @!p0 $0x10;
	[sflag:s1] =	ssyncadd.s32 @!p1 $0xFFFFF000;
	s1 =	sshra.s32 @!p0 s22, $0x2  }
0xb3: {  	[tilespmem:s4], [sflag:$0x7] =	stream.indirect.gather @!p1 [hbm4b:s2+s7], $0x20, s0, s7, $0xb8;
	[tilespmem:$0x11E00] =	vst v63  }
0xb4: {  	p1 =	sne.s32 s21, $0x50  }
.Ltmp0:
0xb5: {  	_ = 	snop;
	(pc) =	sbr.rel @p1 .LBB2_2-.Ltmp0, $3  }
0xb6: {  	_ =	sdelay $0x1  }
0xb7: {  	s7 =	sadd.s32 @!p0 $0x780, s1;
	_ =	swait.ge @!p0 [sflag:s6], $0x1000  }
0xb8: {  	s24 =	simm.s32 @!p0 $0xBF00;
	s23 =	simm.s32 @!p0 $0x80;
	[sflag:s6] =	ssyncset.done @!p0 $0x0  }
0xb9: {  	[sflag:s6] =	ssyncadd.s32 @!p0 $0xFFFFF000;
	s0 =	simm.s32 $0x9  }
0xba: {  	[tilespmem:s24], [sflag:$0x8] =	stream.indirect.gather @!p0 [hbm4b:s2+s23], $0x20, s7, s23, $0xb8;
	[tilespmem:$0x11E00] =	vst v63  }
0xbb: {  	_ =	swait.ge [sflag:s0], $0x1000  }
0xbc: {  	[sflag:s0] =	ssyncset.done $0x0  }
0xbd: {  	s28 =	simm.s32 $0xA;
	[sflag:s0] =	ssyncadd.s32 $0xFFFFF000  }
0xbe: {  	_ =	swait.ge [sflag:s28], $0x1000  }
0xbf: {  	[sflag:s28] =	ssyncset.done $0x0  }
0xc0: {  	s29 =	simm.s32 $0xB;
	[sflag:s28] =	ssyncadd.s32 $0xFFFFF000  }
0xc1: {  	_ =	swait.ge [sflag:s29], $0x1000  }
0xc2: {  	[sflag:s29] =	ssyncset.done $0x0  }
0xc3: {  	[sflag:s29] =	ssyncadd.s32 $0xFFFFF000  }
0xc4: {  	_ =	swait.ge [sflag:s12], $0x1000  }
0xc5: {  	[sflag:s12] =	ssyncset.done $0x0  }
0xc6: {  	[sflag:s12] =	ssyncadd.s32 $0xFFFFF000  }
0xc7: {  	_ =	swait.ge [sflag:s16], $0x1000  }
0xc8: {  	[sflag:s16] =	ssyncset.done $0x0  }
0xc9: {  	[sflag:s16] =	ssyncadd.s32 $0xFFFFF000  }
0xca: {  	_ =	swait.ge [sflag:s17], $0x1000  }
0xcb: {  	[sflag:s17] =	ssyncset.done $0x0  }
0xcc: {  	[sflag:s17] =	ssyncadd.s32 $0xFFFFF000  }
0xcd: {  	_ =	swait.ge [sflag:s18], $0x1000  }
0xce: {  	[sflag:s18] =	ssyncset.done $0x0  }
0xcf: {  	[sflag:s18] =	ssyncadd.s32 $0xFFFFF000  }
0xd0: {  	_ =	swait.ge [sflag:s19], $0x1000  }
0xd1: {  	[sflag:s19] =	ssyncset.done $0x0  }
0xd2: {  	[sflag:s19] =	ssyncadd.s32 $0xFFFFF000  }
0xd3: {  	[bflag:$0x0] =	sbarrier.arrive $0xFFFF  }
0xd4: {  	s30 =	rddreg [dreg:$0x7]  }
0xd5: {  	[hbm:s30], [sflag:s13] =	dma.local [spmem:s14], $0x9E0  }
0xd6: {  	_ =	swait.ge [sflag:s11], $0x9E0  }
0xd7: {  	s20 =	sadd.s32 $0x1, s20;
	s31 =	rddreg [dreg:$0x8]  }
0xd8: {  	p0 =	sne.s32 s20, s31  }
.Ltmp1:
0xd9: {  	_ = 	snop;
	(pc) =	sbr.rel @p0 .LBB2_1-.Ltmp1, $3  }
0xda: {  	_ =	sdelay $0x1  }
0xdb: {  	[sflag:s11] =	ssyncset.done $0x0  }
0xdc: {  	[sflag:s11] =	ssyncadd.s32 $0xFFFFF620  }
0xdd: {  	_ =	sfence.sel $0x180000  }
0xde: {  	[bflag:$0x0] =	sbarrier.arrive $0xFFFF  }
0xdf: {  	_ =	strace $0x9000004D  }
0xe0: {  	s0 =	stileid.u32;
	[bflag:$0x2] =	sbarrier.arrive $0xFFFF  }
0xe1: {  	p0 =	sne.s32 s0, $0x0;
	s0 =	rddreg [dreg:$0x3]  }
0xe2: {  	s0 =	sadd.s32 @!p0 $0x100000, s0  }
0xe3: {  	[sflag:s0] =	ssyncadd.tile.s32 @!p0 $0x1;
	_ =	shalt  }
.Lfunc_end2:
_tile_overlayer_lowered:
.L_overlay_start_2:
0xe4: {  	(tag) =	ssettag $0x2  }
0xe5: {  	s0 =	rddreg [dreg:$0x0];
	s2 =	stileid.u32  }
0xe6: {  	s1 =	rddreg [dreg:$0x1];
	p0 =	sne.s32 s2, $0x0  }
0xe7: {  	s3 =	rddreg [dreg:$0x2];
	[bflag:$0x3] =	sbarrier.arrive $0xFFFF;
	s2 =	simm.s32 @!p0 $0x1C11  }
0xe8: {  	[timem:s3], [sflag:s2] =	dma.local @!p0 [hbm:s0], s1  }
0xe9: {  	s0 =	simm.s32 @!p0 $0x11  }
0xea: {  	_ =	swait.ge @!p0 [sflag:s0], s1  }
0xeb: {  	s1 =	ssub.s32 @!p0 $0x0, s1;
	[sflag:s0] =	ssyncset.done @!p0 $0x0  }
0xec: {  	[sflag:s0] =	ssyncadd.s32 @!p0 s1  }
0xed: {  	[bflag:$0x3] =	sbarrier.arrive $0xFFFF  }
0xee: {  	_ =	shalt  }

// kernel: kernel.8.cloned.1.call-start
scs
__scs_entry_jumppad:
0x0: {  	(pc) =	sbr.rel $0x88, $3  }
0x1: {  	(tag) =	ssettag $0x0;
	lr =	simm.s32 $0x1  }
0x2: {  	[smem:$0x3F9B] =	sst lr;
	_ =	strace $0xD0000000  }
0x3: {  	_ = 	snop  }
0x4: {  	_ = 	snop  }
0x5: {  	_ = 	snop  }
0x6: {  	_ = 	snop  }
0x7: {  	_ = 	snop  }
__scs_overlays_trampoline_lowered:
0x8: {  	[smem:$0x3FAA] =	sst s0  }
0x9: {  	[smem:$0x3FAB] =	sst s1  }
0xa: {  	[smem:$0x3FAC] =	sst s2  }
0xb: {  	[smem:$0x3FAD] =	sst s3  }
0xc: {  	[smem:$0x3FAE] =	sst s4  }
0xd: {  	[smem:$0x3FAF] =	sst s5  }
0xe: {  	[smem:$0x3FB0] =	sst s6  }
0xf: {  	[smem:$0x3FB1] =	sst s7  }
0x10: {  	[smem:$0x3FB2] =	sst s8  }
0x11: {  	[smem:$0x3FB3] =	sst s9;
	s0 =	simm.s32 @!p0 $0x0  }
0x12: {  	s1 =	sld [smem:$0x3F99];
	s0 =	simm.s32 @p0 $0x1  }
0x13: {  	[smem:$0x3FB4] =	sst s0;
	s0 =	simm.s32 @!p1 $0x0  }
0x14: {  	s2 =	sld [smem:$0x3F98];
	s0 =	simm.s32 @p1 $0x1  }
0x15: {  	[smem:$0x3FB5] =	sst s0;
	s0 =	simm.s32 @!p2 $0x0  }
0x16: {  	s3 =	sld [smem:$0x3FDB];
	s0 =	simm.s32 @p2 $0x1  }
0x17: {  	s4 =	simm.s32 $0x1BF5;
	[smem:$0x3FB7] =	sst s0  }
0x18: {  	s0 =	sld [smem:$0x3F9A];
	_ =	swait.ge [sflag:s4], $0x0  }
0x19: {  	s7 =	sld [smem:$0x3F9B]  }
0x1a: {  	s8 =	sadd.s32 $0xFFFFE003, lr  }
0x1b: {  	s9 =	sadd.s32 $0xFFFFFEF7, lr;
	s5 =	simm.s32 $0xFFFFFFFF;
	p2 =	slt.u32 s8, $0xFFFFF086  }
0x1c: {  	p1 =	slt.u32 s9, $0xF7A;
	s5 =	simm.s32 @!p2 $0x0  }
0x1d: {  	s5 =	simm.s32 @p1 $0x1;
	p0 =	seq.s32 s7, s2  }
0x1e: {  	s7 =	smul.u32 @!p0 $0xF7A, s2;
	p2 =	seq.s32 @!p0 s5, $0x0  }
0x1f: {  	s9 =	smul.u32 $0xF7A, s1;
	s8 =	simm.s32 @!p0 $0x1BF5;
	p2 =	por !p2, p0  }
0x20: {  	[sflag:s8] =	ssyncset.s32 @!p0 $0xFFFFF086;
	s6 =	sadd.s32 @!p0 s3, s7;
	s7 =	simm.s32 @!p0 $0x108  }
0x21: {  	s3 =	sadd.s32 s3, s9;
	s6 =	sadd.s32 @!p0 $0x88, s6;
	s7 =	simm.s32 @p2 $0x1082  }
0x22: {  	[simem:s7], [sflag:s8] =	dma.local @!p0 [hbm:s6], $0xF7A  }
0x23: {  	s9 =	sor.u32 $0xD0000000, s2;
	s6 =	simm.s32 $0x108;
	_ =	swait.ge @!p0 [sflag:s8], $0x0  }
0x24: {  	s3 =	sadd.s32 $0x88, s3;
	s6 =	simm.s32 @!p1 $0x1082;
	[sflag:s4] =	ssyncset.s32 $0xFFFFF086  }
0x25: {  	[simem:s6], [sflag:s4] =	dma.local [hbm:s3], $0xF7A  }
0x26: {  	[smem:$0x3F9B] =	sst s1;
	(tag) =	ssettag s2;
	_ =	strace s9  }
0x27: {  	s1 =	sld [smem:$0x3FAB]  }
0x28: {  	s2 =	sld [smem:$0x3FAC]  }
0x29: {  	s4 =	sld [smem:$0x3FAE]  }
0x2a: {  	p0 =	seq.s32 s5, $0x0;
	s5 =	sld [smem:$0x3FAF]  }
0x2b: {  	s6 =	sld [smem:$0x3FB0]  }
0x2c: {  	s7 =	sld [smem:$0x3FB1]  }
0x2d: {  	s3 =	simm.s32 $0x108;
	s8 =	sld [smem:$0x3FB2]  }
0x2e: {  	s3 =	simm.s32 @!p0 $0x1082;
	s9 =	sld [smem:$0x3FB3]  }
0x2f: {  	lr =	sadd.s32 s0, s3;
	s0 =	sld [smem:$0x3FAA]  }
0x30: {  	s3 =	sld [smem:$0x3FAD]  }
0x31: {  	[smem:$0x3FB6] =	sst s10  }
0x32: {  	s10 =	sld [smem:$0x3FB4];
	_ =	sdelay $0x3  }
0x33: {  	p0 =	seq.s32 s10, $0x1;
	s10 =	sld [smem:$0x3FB6];
	_ =	sdelay $0x3  }
0x34: {  	[smem:$0x3FB6] =	sst s10  }
0x35: {  	s10 =	sld [smem:$0x3FB5];
	_ =	sdelay $0x3  }
0x36: {  	p1 =	seq.s32 s10, $0x1;
	s10 =	sld [smem:$0x3FB6];
	_ =	sdelay $0x3  }
0x37: {  	[smem:$0x3FB6] =	sst s10  }
0x38: {  	s10 =	sld [smem:$0x3FB7]  }
0x39: {  	_ = 	snop;
	(pc) =	sbr.ind lr, $3  }
0x3a: {  	_ = 	snop  }
0x3b: {  	_ = 	snop  }
0x3c: {  	p2 =	seq.s32 s10, $0x1;
	s10 =	sld [smem:$0x3FB6]  }
0x3d: {  	_ =	shalt  }
0x3e: {  	_ =	shalt  }
0x3f: {  	_ =	shalt  }
0x40: {  	_ =	shalt  }
0x41: {  	_ =	shalt  }
0x42: {  	_ =	shalt  }
0x43: {  	_ =	shalt  }
0x44: {  	_ =	shalt  }
0x45: {  	_ =	shalt  }
0x46: {  	_ =	shalt  }
0x47: {  	_ =	shalt  }
0x48: {  	_ =	shalt  }
0x49: {  	_ =	shalt  }
0x4a: {  	_ =	shalt  }
0x4b: {  	_ =	shalt  }
0x4c: {  	_ =	shalt  }
0x4d: {  	_ =	shalt  }
0x4e: {  	_ =	shalt  }
0x4f: {  	_ =	shalt  }
0x50: {  	_ =	shalt  }
0x51: {  	_ =	shalt  }
0x52: {  	_ =	shalt  }
0x53: {  	_ =	shalt  }
0x54: {  	_ =	shalt  }
0x55: {  	_ =	shalt  }
0x56: {  	_ =	shalt  }
0x57: {  	_ =	shalt  }
0x58: {  	_ =	shalt  }
0x59: {  	_ =	shalt  }
0x5a: {  	_ =	shalt  }
0x5b: {  	_ =	shalt  }
0x5c: {  	_ =	shalt  }
0x5d: {  	_ =	shalt  }
0x5e: {  	_ =	shalt  }
0x5f: {  	_ =	shalt  }
0x60: {  	_ =	shalt  }
0x61: {  	_ =	shalt  }
0x62: {  	_ =	shalt  }
0x63: {  	_ =	shalt  }
0x64: {  	_ =	shalt  }
0x65: {  	_ =	shalt  }
0x66: {  	_ =	shalt  }
0x67: {  	_ =	shalt  }
0x68: {  	_ =	shalt  }
0x69: {  	_ =	shalt  }
0x6a: {  	_ =	shalt  }
0x6b: {  	_ =	shalt  }
0x6c: {  	_ =	shalt  }
0x6d: {  	_ =	shalt  }
0x6e: {  	_ =	shalt  }
0x6f: {  	_ =	shalt  }
0x70: {  	_ =	shalt  }
0x71: {  	_ =	shalt  }
0x72: {  	_ =	shalt  }
0x73: {  	_ =	shalt  }
0x74: {  	_ =	shalt  }
0x75: {  	_ =	shalt  }
0x76: {  	_ =	shalt  }
0x77: {  	_ =	shalt  }
0x78: {  	_ =	shalt  }
0x79: {  	_ =	shalt  }
0x7a: {  	_ =	shalt  }
0x7b: {  	_ =	shalt  }
0x7c: {  	_ =	shalt  }
0x7d: {  	_ =	shalt  }
0x7e: {  	_ =	shalt  }
0x7f: {  	_ =	shalt  }
0x80: {  	_ =	shalt  }
0x81: {  	_ =	shalt  }
0x82: {  	_ =	shalt  }
0x83: {  	_ =	shalt  }
0x84: {  	_ =	shalt  }
0x85: {  	_ =	shalt  }
0x86: {  	_ =	shalt  }
0x87: {  	_ =	shalt  }
.Lfunc_end0:
.L_simem_size_0:
called_computation_lowered:
.L_overlay_start_0:
0x88: {  	s2 =	sld [smem:$0x3FD9]  }
0x89: {  	s3 =	sld [smem:$0x3FFE];
	_ =	sdelay $0x1  }
0x8a: {  	s1 =	srdreg.scid  }
0x8b: {  	s0 =	sand.u32 $0x1, s1  }
0x8c: {  	s17 =	sshll.u32 s0, $0xA;
	s2 =	sadd.s32 s3, s2  }
0x8d: {  	s2 =	sadd.s32 s2, s17  }
0x8e: {  	[smem:$0x3FC2] =	sst s2  }
0x8f: {  	_ = 	snop  }
0x90: {  	s2 =	sld [smem:$0x3FD0];
	(tm) =	ssettm $0x1  }
0x91: {  	s18 =	sld [smem:$0x3FFB];
	_ =	sdelay $0x3  }
0x92: {  	_ =	strace s18  }
0x93: {  	s3 =	sld [smem:$0x3FFC];
	_ =	sdelay $0x3  }
0x94: {  	_ =	strace s3  }
0x95: {  	s3 =	sld [smem:$0x3FFD];
	_ =	sdelay $0x3  }
0x96: {  	_ =	strace s3  }
0x97: {  	_ =	strace $0x8FFFFFFF  }
0x98: {  	s19 =	sld [smem:$0x3FDB];
	_ =	sdelay $0x1  }
0x99: {  	s4 =	simm.s32 $_scs_section_size  }
0x9a: {  	s5 =	simm.s32 $_size__tile_overlayer_lowered;
	s6 =	simm.s32 $_tile_overlayer_lowered  }
0x9b: {  	s22 =	simm.s32 $0x1BFF;
	s21 =	sshll.u32 s6, $0x1;
	s3 =	sadd.s32 s4, s19  }
0x9c: {  	s7 =	simm.s32 $0x0;
	s20 =	sshll.u32 s5, $0x1;
	s5 =	sadd.s32 s21, s3  }
0x9d: {  	[timem:s7], [sflag:s22] =	dma.local [hbm:s5], s20  }
0x9e: {  	_ =	swait.ge [sflag:s22], s20  }
0x9f: {  	s4 =	ssub.s32 $0x0, s20;
	[sflag:s22] =	ssyncset.done $0x0  }
0xa0: {  	[sflag:s22] =	ssyncadd.s32 s4;
	_ =	sdelay $0x1  }
0xa1: {  	s23 =	simm.s32 $0x1B8B  }
0xa2: {  	_ =	swait.ge [sflag:s23], $0x1  }
0xa3: {  	[sflag:s23] =	ssyncset.done $0x0  }
0xa4: {  	s25 =	simm.s32 $0x1B8E;
	s24 =	sld [smem:$0x3FFE];
	[sflag:s23] =	ssyncadd.s32 $0xFFFFFFFF  }
0xa5: {  	s26 =	simm.s32 $execute0_lowered;
	[smem:$0x3FD2] =	sst s25  }
0xa6: {  	s5 =	sshll.u32 s26, $0x1;
	_ =	strace $0x80000046;
	[dreg:$0x1] =	wrdreg $0xFFFFFFFF  }
0xa7: {  	s28 =	simm.s32 $_size_execute0_lowered;
	s3 =	sadd.s32 s3, s5;
	[dreg:$0x0] =	wrdreg $0x0  }
0xa8: {  	s5 =	sshll.u32 s28, $0x1;
	[dreg:$0x2] =	wrdreg s3  }
0xa9: {  	[dreg:$0x3] =	wrdreg s5  }
0xaa: {  	[dreg:$0x4] =	wrdreg $0xC0  }
0xab: {  	_ =	task [dreg:s7], $0x5FFFF  }
0xac: {  	[dreg:$0x1] =	wrdreg $0xFFFFFFFF  }
0xad: {  	[dreg:$0x0] =	wrdreg $0x60  }
0xae: {  	[dreg:$0x2] =	wrdreg s24  }
0xaf: {  	[dreg:$0x3] =	wrdreg s2  }
0xb0: {  	[dreg:$0x4] =	wrdreg $0x2F800  }
0xb1: {  	[dreg:$0x5] =	wrdreg $0x9  }
0xb2: {  	_ =	task.clear_ibuf [dreg:s7], $0x6FFFF;
	_ =	strace $0x90000046  }
0xb3: {  	s29 =	simm.s32 $0x9;
	_ =	strace $0x80000048  }
0xb4: {  	_ =	swait.ge [sflag:s29], $0x1  }
0xb5: {  	[sflag:s29] =	ssyncadd.s32 $0xFFFFFFFF  }
0xb6: {  	_ =	strace $0x90000048  }
0xb7: {  	_ =	sfence  }
0xb8: {  	s30 =	sld [smem:$0x0];
	_ =	sdelay $0x2  }
0xb9: {  	s31 =	sshll.u32 s1, $0xD;
	s1 =	sshrl.u32 s1, $0x2  }
0xba: {  	s3 =	sand.u32 $0x4000, s31;
	s1 =	sadd.s32 s1, s30  }
0xbb: {  	s0 =	sor.u32 s3, s0;
	s1 =	sshll.u32 s1, $0x11  }
0xbc: {  	s0 =	sor.u32 s1, s0  }
0xbd: {  	s0 =	sadd.s32 $0x8F2B, s0  }
0xbe: {  	[sflag:s0] =	ssyncadd.remote.s32 $0x1  }
0xbf: {  	_ =	sfence.sel $0xFFFF  }
0xc0: {  	[dreg:$0x0] =	wrdreg $0xFFFFFFFF;
	(pc) =	sbr.abs _section_cstart, $3  }
0xc1: {  	[dreg:$0x1] =	wrdreg $0xFFFFFFFF  }
0xc2: {  	_ =	task.clear_ibuf [dreg:s7], $0x2FFFF;
	_ =	strace $0x9FFFFFFF  }
0xc3: {  	(tm) =	ssettm $0x7FFFFFFF  }
tec
execute0_lowered:
.L_overlay_start_1:
0x0: {  	(tag) =	ssettag $0x1  }
0x1: {  	s6 =	rddreg [dreg:$0x0]  }
0x2: {  	s0 =	srdreg.scid;
	s8 =	rddreg [dreg:$0x1]  }
0x3: {  	s2 =	rddreg [dreg:$0x2];
	s3 =	simm.s32 $0x0;
	s16 =	simm.s32 $0x0  }
0x4: {  	s5 =	sand.u32 $0x1, s0;
	s0 =	stileid.u32;
	[smem:$0x7FF] =	sst s3  }
0x5: {  	s1 =	sshll.u32 s5, $0x4;
	s10 =	smul.u32 $0x4F00, s0;
	s13 =	ssub.s32 $0x2, s5  }
0x6: {  	s15 =	smul.u32 $0x4F000, s5;
	s31 =	sshll.u32 s0, $0x6;
	s1 =	sor.u32 s0, s1  }
0x7: {  	s14 =	sshrl.u32 s13, $0x1;
	s7 =	smul.u32 $0x9C4, s1;
	s1 =	rddreg [dreg:$0x3]  }
0x8: {  	_ =	strace $0x80000047;
	s12 =	sshrl.u32 s10, $0x4;
	s13 =	ssub.s32 s13, s14  }
0x9: {  	s28 =	sshrl.u32 s10, $0x1;
	s29 =	sadd.s32 s10, s15;
	s10 =	simm.s32 $0x2  }
0xa: {  	s14 =	simm.s32 $0x80;
	s15 =	simm.s32 $0x1;
	s12 =	sadd.s32 s12, s6  }
0xb: {  	s30 =	sadd.s32 s28, s2;
	s9 =	sshrl.u32 s7, $0x5;
	s7 =	sadd.s32 $0x9C4, s7  }
.Ltmp0:
0xc: {  	s4 =	sshll.u32 s9, $0x4;
	s26 =	sshrl.u32 s7, $0x5;
	(pc) =	sbr.rel .LBB2_1-.Ltmp0, $4  }
0xd: {  	s7 =	sadd.s32 $0x2000, s12;
	s12 =	sor.u32 $0x1C02, s31;
	s11 =	sadd.s32 s4, s6  }
0xe: {  	s4 =	sadd.s32 $0x1E00, s6;
	s5 =	ssub.s32 s26, s9;
	s9 =	sshrl.u32 s29, $0x4  }
0xf: {  	s6 =	sadd.s32 $0x10C40, s11;
	s8 =	sadd.s32 s8, s9;
	s9 =	smax.u32 s13, $0x1  }
0x10: {  	p0 =	slt.s32 s5, $0x1;
	s11 =	simm.s32 $0x2780;
	s13 =	sshrl.u32 s30, $0x3  }
.LBB2_6:
0x11: {  	[sflag:s15] =	ssyncadd.s32 $0xFFFFF800  }
.LBB2_7:
0x12: {  	s16 =	sadd.s32 $0x1, s16  }
0x13: {  	p1 =	sne.s32 s16, s9  }
.Ltmp1:
0x14: {  	[bflag:$0x0] =	sbarrier.arrive $0xFFFF;
	(pc) =	sbr.rel @!p1 .LBB2_8-.Ltmp1, $4  }
0x15: {  	[hbm:s8], [sflag:s12] =	dma.local [spmem:s13], $0x4F0  }
0x16: {  	_ =	swait.ge [sflag:s10], $0x4F0  }
0x17: {  	[sflag:s10] =	ssyncset.done $0x0  }
0x18: {  	[sflag:s10] =	ssyncadd.s32 $0xFFFFFB10  }
.LBB2_1:
0x19: {  	[tilespmem:s3], [sflag:$0x2] =	stream.linear.gather [hbm4b:s6+s3], $0x2780, $0x38;
	[tilespmem:$0x5700] =	vst v63  }
0x1a: {  	_ =	swait.ge [sflag:s10], $0x2780  }
0x1b: {  	[sflag:s10] =	ssyncset.done $0x0  }
0x1c: {  	[sflag:s10] =	ssyncadd.s32 $0xFFFFD880  }
0x1d: {  	[tilespmem:s11], [sflag:$0x2] =	stream.linear.gather [hbm4b:s4+s3], $0x800, $0x38;
	[tilespmem:$0x5700] =	vst v63  }
0x1e: {  	_ =	swait.ge [sflag:s10], $0x800  }
0x1f: {  	[sflag:s10] =	ssyncset.done $0x0  }
0x20: {  	[sflag:s10] =	ssyncadd.s32 $0xFFFFF800  }
0x21: {  	[spmem:s13], [sflag:s12] =	dma.local [hbm:s7], $0x4F0  }
.Ltmp2:
0x22: {  	_ =	swait.ge [sflag:s10], $0x4F0;
	(pc) =	sbr.rel @p0 .LBB2_7-.Ltmp2, $3  }
0x23: {  	[sflag:s10] =	ssyncset.done $0x0  }
0x24: {  	[sflag:s10] =	ssyncadd.s32 $0xFFFFFB10  }
0x25: {  	[bflag:$0x0] =	sbarrier.arrive $0xFFFF;
	_ =	sdelay $0x1  }
0x26: {  	s17 =	sadd.s32 $0x1, s3  }
0x27: {  	p1 =	slt.s32 s17, s5  }
.Ltmp3:
0x28: {  	_ = 	snop;
	(pc) =	sbr.rel @!p1 .LBB2_4-.Ltmp3, $3  }
0x29: {  	_ =	sdelay $0x1  }
0x2a: {  	[spmem:s2] =	stream.indirect.scatter.add.bf16 [tilespmem:s11], [sflag:$0x1], $0x10, s3, s14, $0xb8;
	[tilespmem:$0x5700] =	vst v63  }
0x2b: {  	s18 =	simm.s32 $0x0  }
.LBB2_3:
0x2c: {  	s17 =	sadd.s32 $0x1, s17  }
0x2d: {  	p1 =	slt.s32 s17, s5  }
.Ltmp4:
0x2e: {  	_ = 	snop;
	(pc) =	sbr.rel @p1 .LBB2_3-.Ltmp4, $3  }
0x2f: {  	_ = 	snop  }
0x30: {  	s18 =	sadd.s32 $0x80, s18;
	_ =	sdelay $0x1  }
0x31: {  	[spmem:s2] =	stream.indirect.scatter.add.bf16 [tilespmem:s11], [sflag:$0x1], $0x10, s18, s14, $0xb8;
	[tilespmem:$0x5700] =	vst v63  }
.LBB2_4:
0x32: {  	p1 =	sgt.s32 s5, $0x1  }
.Ltmp5:
0x33: {  	_ = 	snop;
	(pc) =	sbr.rel @!p1 .LBB2_6-.Ltmp5, $3  }
0x34: {  	_ =	sdelay $0x1  }
0x35: {  	_ =	swait.ge [sflag:s15], $0x800  }
0x36: {  	s17 =	simm.s32 $0x1;
	[sflag:s15] =	ssyncset.done $0x0  }
.LBB2_5:
0x37: {  	s17 =	sadd.s32 $0x1, s17  }
0x38: {  	[sflag:s15] =	ssyncadd.s32 $0xFFFFF800;
	p1 =	slt.s32 s17, s5  }
.Ltmp6:
0x39: {  	(pc) =	sbr.rel @p1 .LBB2_5-.Ltmp6, $3  }
0x3a: {  	_ =	sdelay $0x1  }
0x3b: {  	_ =	swait.ge [sflag:s15], $0x800  }
0x3c: {  	[sflag:s15] =	ssyncset.done $0x0  }
.Ltmp7:
0x3d: {  	_ = 	snop;
	(pc) =	sbr.rel .LBB2_6-.Ltmp7, $1  }
0x3e: {  	_ =	sdelay $0x3  }
.LBB2_8:
0x3f: {  	_ =	sfence.sel $0x180000  }
0x40: {  	[bflag:$0x0] =	sbarrier.arrive $0xFFFF  }
0x41: {  	p0 =	sne.s32 s0, $0x0;
	_ =	strace $0x90000047  }
0x42: {  	s0 =	sadd.s32 @!p0 $0x100000, s1;
	[bflag:$0x2] =	sbarrier.arrive $0xFFFF  }
0x43: {  	[sflag:s0] =	ssyncadd.tile.s32 @!p0 $0x1;
	_ =	shalt  }
.Lfunc_end2:
_tile_overlayer_lowered:
.L_overlay_start_2:
0x44: {  	(tag) =	ssettag $0x2  }
0x45: {  	s0 =	rddreg [dreg:$0x0];
	s2 =	stileid.u32  }
0x46: {  	s1 =	rddreg [dreg:$0x1];
	p0 =	sne.s32 s2, $0x0  }
0x47: {  	s3 =	rddreg [dreg:$0x2];
	[bflag:$0x3] =	sbarrier.arrive $0xFFFF;
	s2 =	simm.s32 @!p0 $0x1C02  }
0x48: {  	[timem:s3], [sflag:s2] =	dma.local @!p0 [hbm:s0], s1  }
0x49: {  	s0 =	simm.s32 @!p0 $0x2  }
0x4a: {  	_ =	swait.ge @!p0 [sflag:s0], s1  }
0x4b: {  	s1 =	ssub.s32 @!p0 $0x0, s1;
	[sflag:s0] =	ssyncset.done @!p0 $0x0  }
0x4c: {  	[sflag:s0] =	ssyncadd.s32 @!p0 s1  }
0x4d: {  	[bflag:$0x3] =	sbarrier.arrive $0xFFFF  }
0x4e: {  	_ =	shalt  }

</sc_bundles>
